<compile_context>
chip_gen: v7x
topology: tpu7x:2x2x1
jax: 0.10.2.dev20260603
libtpu: 0.0.44.dev20260713+nightly
codegen_flags: <defaults>
</compile_context>

<pallas_src>
import functools

import jax
import jax.numpy as jnp
from jax import lax
from jax.experimental import pallas as pl
from jax.experimental.pallas import tpu as pltpu
from jax.experimental.pallas import tpu_sc as plsc

_LANES = 16
_NW = 32
_BN = 2048



def _in_proj_body(x_ref, w_ref, o_ref):
    o_ref[...] = lax.dot_general(
        w_ref[...], x_ref[...], (((1,), (1,)), ((), ())),
        preferred_element_type=jnp.float32)


def _in_proj(xp, W, n_pad):
    H, D = W.shape
    grid = n_pad // _BN
    return pl.pallas_call(
        _in_proj_body,
        grid=(grid,),
        in_specs=[pl.BlockSpec((_BN, D), lambda i: (i, 0)),
                  pl.BlockSpec((H, D), lambda i: (0, 0))],
        out_specs=pl.BlockSpec((H, _BN), lambda i: (0, i)),
        out_shape=jax.ShapeDtypeStruct((H, n_pad), jnp.float32),
    )(xp, W)


def _kan_body(h_ref, c0_ref, c1_ref, o_ref):
    h = h_ref[...]
    G = c0_ref.shape[0]
    c1x = jnp.cos(h)
    s1x = jnp.sin(h)
    two_c = 2.0 * c1x
    cm1 = jnp.ones_like(h)
    sm1 = jnp.zeros_like(h)
    cg, sg = c1x, s1x
    acc = None
    for g in range(G):
        term = lax.dot_general(c0_ref[g], cg, (((1,), (0,)), ((), ())),
                               preferred_element_type=jnp.float32)
        term = term + lax.dot_general(c1_ref[g], sg, (((1,), (0,)), ((), ())),
                                      preferred_element_type=jnp.float32)
        acc = term if acc is None else acc + term
        if g + 1 < G:
            cn = two_c * cg - cm1
            sn = two_c * sg - sm1
            cm1, sm1 = cg, sg
            cg, sg = cn, sn
    o_ref[...] = acc


def _kan(hT, c0, c1, n_pad):
    G, H, _ = c0.shape
    grid = n_pad // _BN
    return pl.pallas_call(
        _kan_body,
        grid=(grid,),
        in_specs=[pl.BlockSpec((H, _BN), lambda i: (0, i)),
                  pl.BlockSpec((G, H, H), lambda i: (0, 0, 0)),
                  pl.BlockSpec((G, H, H), lambda i: (0, 0, 0))],
        out_specs=pl.BlockSpec((H, _BN), lambda i: (0, i)),
        out_shape=jax.ShapeDtypeStruct((H, n_pad), jnp.float32),
    )(hT, c0, c1)


def _head_body(h_ref, w_ref, o_ref):
    z = lax.dot_general(w_ref[...], h_ref[...], (((1,), (0,)), ((), ())),
                        preferred_element_type=jnp.float32)
    m = jnp.max(z, axis=0, keepdims=True)
    lse = jnp.log(jnp.sum(jnp.exp(z - m), axis=0, keepdims=True)) + m
    o_ref[...] = (z - lse).T


def _head(hT, W_out, n_pad):
    OUT, H = W_out.shape
    grid = n_pad // _BN
    return pl.pallas_call(
        _head_body,
        grid=(grid,),
        in_specs=[pl.BlockSpec((H, _BN), lambda i: (0, i)),
                  pl.BlockSpec((OUT, H), lambda i: (0, 0))],
        out_specs=pl.BlockSpec((_BN, OUT), lambda i: (i, 0)),
        out_shape=jax.ShapeDtypeStruct((n_pad, OUT), jnp.float32),
    )(hT, W_out)



def _spmm_sc(hT_flat, row, col, n_pad, hid):
    f_per = hid // _NW
    seg = f_per * n_pad
    E = row.shape[0]
    CE = 10000
    nchunk = E // CE
    mesh = plsc.VectorSubcoreMesh(core_axis_name="c", subcore_axis_name="s")

    @functools.partial(
        pl.kernel,
        out_type=jax.ShapeDtypeStruct((hid * n_pad,), jnp.float32),
        mesh=mesh,
        compiler_params=pltpu.CompilerParams(needs_layout_passes=False),
        scratch_types=[
            pltpu.VMEM((seg,), jnp.float32),
            pltpu.VMEM((seg,), jnp.float32),
            pltpu.VMEM((CE,), jnp.int32),
            pltpu.VMEM((CE,), jnp.int32),
            pltpu.VMEM((CE,), jnp.int32),
            pltpu.VMEM((CE,), jnp.int32),
            pltpu.SemaphoreType.DMA,
            pltpu.SemaphoreType.DMA,
            pltpu.SemaphoreType.DMA,
            pltpu.SemaphoreType.DMA,
            pltpu.SemaphoreType.DMA,
        ],
    )
    def k(h_ref, row_ref, col_ref, out_ref, table_v, acc_v, col_v0, col_v1,
          row_v0, row_v1, cs0, cs1, rs0, rs1, ts):
        wid = lax.axis_index("s") * 2 + lax.axis_index("c")
        base = wid * seg
        tdesc = pltpu.async_copy(h_ref.at[pl.ds(base, seg)], table_v, ts)

        zero16 = jnp.zeros((_LANES,), jnp.float32)

        @plsc.parallel_loop(0, seg, step=_LANES, unroll=8)
        def _zero(i):
            acc_v[pl.ds(i, _LANES)] = zero16

        csem = [cs0, cs1]
        rsem = [rs0, rs1]
        cbuf = [col_v0, col_v1]
        rbuf = [row_v0, row_v1]

        def start(kk, b):
            pltpu.async_copy(col_ref.at[pl.ds(kk * CE, CE)], cbuf[b], csem[b])
            pltpu.async_copy(row_ref.at[pl.ds(kk * CE, CE)], rbuf[b], rsem[b])

        def wait_bufs(b):
            pltpu.make_async_copy(
                col_ref.at[pl.ds(0, CE)], cbuf[b], csem[b]).wait()
            pltpu.make_async_copy(
                row_ref.at[pl.ds(0, CE)], rbuf[b], rsem[b]).wait()

        def process(b):
            cv = cbuf[b]
            rv = rbuf[b]

            @plsc.parallel_loop(0, CE, step=_LANES, unroll=8)
            def _edges(e):
                c16 = cv[pl.ds(e, _LANES)]
                r16 = rv[pl.ds(e, _LANES)]
                for f in range(f_per):
                    v = plsc.load_gather(table_v, [c16 + (f * n_pad)])
                    plsc.addupdate_scatter(acc_v, [r16 + (f * n_pad)], v)

        start(0, 0)
        tdesc.wait()
        nhalf = nchunk // 2

        def pair_body(i, _):
            start(2 * i + 1, 1)
            wait_bufs(0)
            process(0)
            start(jnp.minimum(2 * i + 2, nchunk - 2), 0)
            wait_bufs(1)
            process(1)
            return 0
        lax.fori_loop(0, nhalf, pair_body, 0)
        wait_bufs(0)

        pltpu.sync_copy(acc_v, out_ref.at[pl.ds(base, seg)])

    return k(hT_flat, row, col)



def kernel(x, edge_index, W_in, fc1, fc2, W_out):
    N, _ = x.shape
    H = W_in.shape[0]
    n_pad = -(-N // _BN) * _BN
    xp = jnp.pad(x, ((0, n_pad - N), (0, 0)))
    row = edge_index[0]
    col = edge_index[1]

    hT = _in_proj(xp, W_in, n_pad)
    s = _spmm_sc(hT.reshape(-1), row, col, n_pad, H).reshape(H, n_pad)
    for fc in (fc1, fc2):
        c0 = jnp.transpose(fc[0], (2, 0, 1))
        c1 = jnp.transpose(fc[1], (2, 0, 1))
        hT = _kan(s, c0, c1, n_pad)
        s = _spmm_sc(hT.reshape(-1), row, col, n_pad, H).reshape(H, n_pad)
    out = _head(s, W_out, n_pad)
    return out[:N]

# --- scband reference (transcript-rebuilt; emitter-appended) ---
"""Pipeline reference for scband-gkan-54992761258608 (READ-ONLY COPY).

The authoritative reference and input builder live on the scoring server;
editing this copy changes nothing except your own understanding.
"""

import jax, jax.numpy as jnp
import numpy as np

N = 10000
E = 320000
D_IN = 128
HID = 128
OUT = 16
GRID = 5


def setup_inputs(seed: int = 0) -> dict:
    key = jax.random.key(seed)
    ks = jax.random.split(key, 6)
    x = jax.random.normal(ks[0], (N, D_IN), dtype=jnp.float32)
    # dataset.edge_index; values in [0, N)
    edge_index = jax.random.randint(ks[1], (2, E), 0, N, dtype=jnp.int32)
    # linear_input: nn.Linear(D_IN, HID, bias=False) -> weight [HID, D_IN]
    W_in = (jax.random.normal(ks[2], (HID, D_IN), dtype=jnp.float32) / np.sqrt(D_IN)).astype(jnp.float32)
    # fourierKANLayer coeffs: shape (2, outdim, inputdim, gridsize), scaled like NaiveFourierKAN init
    scale = 1.0 / (np.sqrt(HID) * np.sqrt(GRID))
    fc1 = (jax.random.normal(ks[3], (2, HID, HID, GRID), dtype=jnp.float32) * scale).astype(jnp.float32)
    fc2 = (jax.random.normal(ks[4], (2, HID, HID, GRID), dtype=jnp.float32) * scale).astype(jnp.float32)
    # output_layer: nn.Linear(HID, OUT, bias=False) -> weight [OUT, HID]
    W_out = (jax.random.normal(ks[5], (OUT, HID), dtype=jnp.float32) / np.sqrt(HID)).astype(jnp.float32)
    return {"x": x, "edge_index": edge_index, "W_in": W_in, "fc1": fc1, "fc2": fc2, "W_out": W_out}


def _spmm(edge_index, h):
    # torch.sparse.mm(A, h) with A = coo(edge_index, ones, (N, N)):
    # out[row] += h[col] where row = edge_index[0], col = edge_index[1]
    gathered = jnp.take(h, edge_index[1], axis=0)
    return jax.ops.segment_sum(gathered, edge_index[0], num_segments=N)


def _fourier_kan(h, coeffs):
    # NaiveFourierKANLayer (addbias=False):
    # y[n,o] = sum_{i,g} cos(k_g * h[n,i]) * coeffs[0,o,i,g] + sin(k_g * h[n,i]) * coeffs[1,o,i,g]
    k = jnp.arange(1, GRID + 1, dtype=h.dtype)
    xk = h[:, :, None] * k[None, None, :]
    y = jnp.einsum("nig,oig->no", jnp.cos(xk), coeffs[0])
    y = y + jnp.einsum("nig,oig->no", jnp.sin(xk), coeffs[1])
    return y


def reference(x, edge_index, W_in, fc1, fc2, W_out):
    # dropout_rate=0.0 -> dropout is identity (eval semantics)
    h = x @ W_in.T
    h = _spmm(edge_index, h)
    # kan_layers[:num_layers-1] with num_layers=3 -> 2 fourierKAN layers
    for fc in (fc1, fc2):
        h = _fourier_kan(h, fc)
        h = _spmm(edge_index, h)
    logits = h @ W_out.T
    return jax.nn.log_softmax(logits, axis=-1)

if __name__ == "__main__":
    import jax
    _d = setup_inputs()
    print(jax.jit(kernel)(*tuple(_d.values())))

</pallas_src>

<mosaic_0001>
#map = affine_map<(d0, d1) -> (0)>
module attributes {stable_mosaic.version = 14 : i64} {
  func.func @k(%arg0: i32, %arg1: i32, %arg2: memref<1310720xf32, #tpu.memory_space<hbm>>, %arg3: memref<320000xi32, #tpu.memory_space<hbm>>, %arg4: memref<320000xi32, #tpu.memory_space<hbm>>, %arg5: memref<1310720xf32, #tpu.memory_space<hbm>>, %arg6: memref<40960xf32, #tpu.memory_space<vmem>>, %arg7: memref<40960xf32, #tpu.memory_space<vmem>>, %arg8: memref<10000xi32, #tpu.memory_space<vmem>>, %arg9: memref<10000xi32, #tpu.memory_space<vmem>>, %arg10: memref<10000xi32, #tpu.memory_space<vmem>>, %arg11: memref<10000xi32, #tpu.memory_space<vmem>>, %arg12: memref<!tpu.dma_semaphore, #tpu.memory_space<semaphore_mem>>, %arg13: memref<!tpu.dma_semaphore, #tpu.memory_space<semaphore_mem>>, %arg14: memref<!tpu.dma_semaphore, #tpu.memory_space<semaphore_mem>>, %arg15: memref<!tpu.dma_semaphore, #tpu.memory_space<semaphore_mem>>, %arg16: memref<!tpu.dma_semaphore, #tpu.memory_space<semaphore_mem>>) attributes {dimension_semantics = [#tpu.dimension_semantics<core_parallel>, #tpu.dimension_semantics<subcore_parallel>], iteration_bounds = array<i64: 2, 16>, scalar_prefetch = 0 : i64, scratch_operands = 11 : i64, tpu.core_type = #tpu.core_type<sc_vector_subcore>, window_params = [{transform_indices = #map}, {transform_indices = #map}, {transform_indices = #map}, {transform_indices = #map}]} {
    %mul3A = arith.constant 2 : i32
    %mul3A_0 = arith.muli %arg1, %mul3A : i32
    %add3A = arith.addi %mul3A_0, %arg0 : i32
    %mul3A_1 = arith.constant 40960 : i32
    %mul3A_2 = arith.muli %add3A, %mul3A_1 : i32
    %dma_start3A = tpu.memref_slice %arg2[%mul3A_2] : memref<1310720xf32, #tpu.memory_space<hbm>> -> memref<40960xf32, #tpu.memory_space<hbm>>
    %dma_start3A_3 = tpu.memref_slice %arg2[%mul3A_2] : memref<1310720xf32, #tpu.memory_space<hbm>> -> memref<40960xf32, #tpu.memory_space<hbm>>
    tpu.enqueue_dma source(%dma_start3A_3 : memref<40960xf32, #tpu.memory_space<hbm>>) target(%arg6 : memref<40960xf32, #tpu.memory_space<vmem>>) target_semaphore(%arg16 : memref<!tpu.dma_semaphore, #tpu.memory_space<semaphore_mem>>)
    %broadcast_in_dim3A = arith.constant 0.000000e+00 : f32
    %broadcast_in_dim3A_4 = vector.broadcast %broadcast_in_dim3A : f32 to vector<16xf32>
    %parallel_loop3A = arith.constant 0 : i32
    %parallel_loop3A_5 = arith.constant 40960 : i32
    %parallel_loop3A_6 = arith.constant 16 : i32
    scf.for %parallel_loop3A_30 = %parallel_loop3A to %parallel_loop3A_5 step %parallel_loop3A_6  : i32 {
      %parallel_loop3A_31 = arith.index_cast %parallel_loop3A_30 : i32 to index
      %parallel_loop3A_32 = tpu.vector_load %arg7[%parallel_loop3A_31] {strides = array<i32>} : memref<40960xf32, #tpu.memory_space<vmem>>, vector<16xf32>,
      tpu.vector_store %arg7[%parallel_loop3A_31], %broadcast_in_dim3A_4 {strides = array<i32>} : memref<40960xf32, #tpu.memory_space<vmem>>, vector<16xf32>,
    } {sc.loop_unroll_factor = 8 : i64, sc.parallel_access}
    %dma_start3A_7 = arith.constant 0 : i32
    %dma_start3A_8 = tpu.memref_slice %arg4[%dma_start3A_7] : memref<320000xi32, #tpu.memory_space<hbm>> -> memref<10000xi32, #tpu.memory_space<hbm>>
    %dma_start3A_9 = arith.constant 0 : i32
    %dma_start3A_10 = tpu.memref_slice %arg4[%dma_start3A_9] : memref<320000xi32, #tpu.memory_space<hbm>> -> memref<10000xi32, #tpu.memory_space<hbm>>
    tpu.enqueue_dma source(%dma_start3A_10 : memref<10000xi32, #tpu.memory_space<hbm>>) target(%arg8 : memref<10000xi32, #tpu.memory_space<vmem>>) target_semaphore(%arg12 : memref<!tpu.dma_semaphore, #tpu.memory_space<semaphore_mem>>)
    %dma_start3A_11 = arith.constant 0 : i32
    %dma_start3A_12 = tpu.memref_slice %arg3[%dma_start3A_11] : memref<320000xi32, #tpu.memory_space<hbm>> -> memref<10000xi32, #tpu.memory_space<hbm>>
    %dma_start3A_13 = arith.constant 0 : i32
    %dma_start3A_14 = tpu.memref_slice %arg3[%dma_start3A_13] : memref<320000xi32, #tpu.memory_space<hbm>> -> memref<10000xi32, #tpu.memory_space<hbm>>
    tpu.enqueue_dma source(%dma_start3A_14 : memref<10000xi32, #tpu.memory_space<hbm>>) target(%arg10 : memref<10000xi32, #tpu.memory_space<vmem>>) target_semaphore(%arg14 : memref<!tpu.dma_semaphore, #tpu.memory_space<semaphore_mem>>)
    %dma_wait3A = tpu.memref_slice %arg2[%mul3A_2] : memref<1310720xf32, #tpu.memory_space<hbm>> -> memref<40960xf32, #tpu.memory_space<hbm>>
    %dma_wait3A_15 = tpu.memref_slice %arg2[%mul3A_2] : memref<1310720xf32, #tpu.memory_space<hbm>> -> memref<40960xf32, #tpu.memory_space<hbm>>
    tpu.wait_dma2 semaphore(%arg16 : memref<!tpu.dma_semaphore, #tpu.memory_space<semaphore_mem>>) src(%dma_wait3A_15 : memref<40960xf32, #tpu.memory_space<hbm>>) dst(%arg6 : memref<40960xf32, #tpu.memory_space<vmem>>)
    %scan3A = arith.constant 0 : i32
    %scan3A_16 = arith.constant 0 : i32
    %scan3A_17 = arith.constant 16 : i32
    %scan3A_18 = arith.addi %scan3A_16, %scan3A_17 : i32
    %scan3A_19 = arith.constant 1 : i32
    %scan3A_20 = scf.for %scan3A_30 = %scan3A_16 to %scan3A_18 step %scan3A_19 iter_args(%scan3A_31 = %scan3A) -> (i32)  : i32 {
      %mul3A_32 = arith.constant 2 : i32
      %mul3A_33 = arith.muli %mul3A_32, %scan3A_30 : i32
      %add3A_34 = arith.constant 1 : i32
      %add3A_35 = arith.addi %mul3A_33, %add3A_34 : i32
      %mul3A_36 = arith.constant 10000 : i32
      %mul3A_37 = arith.muli %add3A_35, %mul3A_36 : i32
      %dma_start3A_38 = tpu.memref_slice %arg4[%mul3A_37] : memref<320000xi32, #tpu.memory_space<hbm>> -> memref<10000xi32, #tpu.memory_space<hbm>>
      %dma_start3A_39 = tpu.memref_slice %arg4[%mul3A_37] : memref<320000xi32, #tpu.memory_space<hbm>> -> memref<10000xi32, #tpu.memory_space<hbm>>
      tpu.enqueue_dma source(%dma_start3A_39 : memref<10000xi32, #tpu.memory_space<hbm>>) target(%arg9 : memref<10000xi32, #tpu.memory_space<vmem>>) target_semaphore(%arg13 : memref<!tpu.dma_semaphore, #tpu.memory_space<semaphore_mem>>)
      %mul3A_40 = arith.constant 10000 : i32
      %mul3A_41 = arith.muli %add3A_35, %mul3A_40 : i32
      %dma_start3A_42 = tpu.memref_slice %arg3[%mul3A_41] : memref<320000xi32, #tpu.memory_space<hbm>> -> memref<10000xi32, #tpu.memory_space<hbm>>
      %dma_start3A_43 = tpu.memref_slice %arg3[%mul3A_41] : memref<320000xi32, #tpu.memory_space<hbm>> -> memref<10000xi32, #tpu.memory_space<hbm>>
      tpu.enqueue_dma source(%dma_start3A_43 : memref<10000xi32, #tpu.memory_space<hbm>>) target(%arg11 : memref<10000xi32, #tpu.memory_space<vmem>>) target_semaphore(%arg15 : memref<!tpu.dma_semaphore, #tpu.memory_space<semaphore_mem>>)
      %dma_wait3A_44 = arith.constant 0 : i32
      %dma_wait3A_45 = tpu.memref_slice %arg4[%dma_wait3A_44] : memref<320000xi32, #tpu.memory_space<hbm>> -> memref<10000xi32, #tpu.memory_space<hbm>>
      %dma_wait3A_46 = arith.constant 0 : i32
      %dma_wait3A_47 = tpu.memref_slice %arg4[%dma_wait3A_46] : memref<320000xi32, #tpu.memory_space<hbm>> -> memref<10000xi32, #tpu.memory_space<hbm>>
      tpu.wait_dma2 semaphore(%arg12 : memref<!tpu.dma_semaphore, #tpu.memory_space<semaphore_mem>>) src(%dma_wait3A_47 : memref<10000xi32, #tpu.memory_space<hbm>>) dst(%arg8 : memref<10000xi32, #tpu.memory_space<vmem>>)
      %dma_wait3A_48 = arith.constant 0 : i32
      %dma_wait3A_49 = tpu.memref_slice %arg3[%dma_wait3A_48] : memref<320000xi32, #tpu.memory_space<hbm>> -> memref<10000xi32, #tpu.memory_space<hbm>>
      %dma_wait3A_50 = arith.constant 0 : i32
      %dma_wait3A_51 = tpu.memref_slice %arg3[%dma_wait3A_50] : memref<320000xi32, #tpu.memory_space<hbm>> -> memref<10000xi32, #tpu.memory_space<hbm>>
      tpu.wait_dma2 semaphore(%arg14 : memref<!tpu.dma_semaphore, #tpu.memory_space<semaphore_mem>>) src(%dma_wait3A_51 : memref<10000xi32, #tpu.memory_space<hbm>>) dst(%arg10 : memref<10000xi32, #tpu.memory_space<vmem>>)
      %parallel_loop3A_52 = arith.constant 0 : i32
      %parallel_loop3A_53 = arith.constant 10000 : i32
      %parallel_loop3A_54 = arith.constant 16 : i32
      scf.for %parallel_loop3A_80 = %parallel_loop3A_52 to %parallel_loop3A_53 step %parallel_loop3A_54  : i32 {
        %parallel_loop3A_81 = arith.index_cast %parallel_loop3A_80 : i32 to index
        %parallel_loop3A_82 = tpu.vector_load %arg8[%parallel_loop3A_81] {strides = array<i32>} : memref<10000xi32, #tpu.memory_space<vmem>>, vector<16xi32>,
        %parallel_loop3A_83 = arith.index_cast %parallel_loop3A_80 : i32 to index
        %parallel_loop3A_84 = tpu.vector_load %arg10[%parallel_loop3A_83] {strides = array<i32>} : memref<10000xi32, #tpu.memory_space<vmem>>, vector<16xi32>,
        %parallel_loop3A_85 = arith.constant 0 : i32
        %parallel_loop3A_86 = vector.broadcast %parallel_loop3A_85 : i32 to vector<16xi32>
        %parallel_loop3A_87 = arith.addi %parallel_loop3A_82, %parallel_loop3A_86 : vector<16xi32>
        %parallel_loop3A_88 = tpu.vector_load_idx %arg6[%parallel_loop3A_87] : memref<40960xf32, #tpu.memory_space<vmem>>[vector<16xi32>], vector<16xf32>,
        %parallel_loop3A_89 = arith.constant 0 : i32
        %parallel_loop3A_90 = vector.broadcast %parallel_loop3A_89 : i32 to vector<16xi32>
        %parallel_loop3A_91 = arith.addi %parallel_loop3A_84, %parallel_loop3A_90 : vector<16xi32>
        tpu.vector_store_idx %arg7[%parallel_loop3A_91], %parallel_loop3A_88 {add = true} : memref<40960xf32, #tpu.memory_space<vmem>>[vector<16xi32>], vector<16xf32>,
        %parallel_loop3A_92 = arith.constant 10240 : i32
        %parallel_loop3A_93 = vector.broadcast %parallel_loop3A_92 : i32 to vector<16xi32>
        %parallel_loop3A_94 = arith.addi %parallel_loop3A_82, %parallel_loop3A_93 : vector<16xi32>
        %parallel_loop3A_95 = tpu.vector_load_idx %arg6[%parallel_loop3A_94] : memref<40960xf32, #tpu.memory_space<vmem>>[vector<16xi32>], vector<16xf32>,
        %parallel_loop3A_96 = arith.constant 10240 : i32
        %parallel_loop3A_97 = vector.broadcast %parallel_loop3A_96 : i32 to vector<16xi32>
        %parallel_loop3A_98 = arith.addi %parallel_loop3A_84, %parallel_loop3A_97 : vector<16xi32>
        tpu.vector_store_idx %arg7[%parallel_loop3A_98], %parallel_loop3A_95 {add = true} : memref<40960xf32, #tpu.memory_space<vmem>>[vector<16xi32>], vector<16xf32>,
        %parallel_loop3A_99 = arith.constant 20480 : i32
        %parallel_loop3A_100 = vector.broadcast %parallel_loop3A_99 : i32 to vector<16xi32>
        %parallel_loop3A_101 = arith.addi %parallel_loop3A_82, %parallel_loop3A_100 : vector<16xi32>
        %parallel_loop3A_102 = tpu.vector_load_idx %arg6[%parallel_loop3A_101] : memref<40960xf32, #tpu.memory_space<vmem>>[vector<16xi32>], vector<16xf32>,
        %parallel_loop3A_103 = arith.constant 20480 : i32
        %parallel_loop3A_104 = vector.broadcast %parallel_loop3A_103 : i32 to vector<16xi32>
        %parallel_loop3A_105 = arith.addi %parallel_loop3A_84, %parallel_loop3A_104 : vector<16xi32>
        tpu.vector_store_idx %arg7[%parallel_loop3A_105], %parallel_loop3A_102 {add = true} : memref<40960xf32, #tpu.memory_space<vmem>>[vector<16xi32>], vector<16xf32>,
        %parallel_loop3A_106 = arith.constant 30720 : i32
        %parallel_loop3A_107 = vector.broadcast %parallel_loop3A_106 : i32 to vector<16xi32>
        %parallel_loop3A_108 = arith.addi %parallel_loop3A_82, %parallel_loop3A_107 : vector<16xi32>
        %parallel_loop3A_109 = tpu.vector_load_idx %arg6[%parallel_loop3A_108] : memref<40960xf32, #tpu.memory_space<vmem>>[vector<16xi32>], vector<16xf32>,
        %parallel_loop3A_110 = arith.constant 30720 : i32
        %parallel_loop3A_111 = vector.broadcast %parallel_loop3A_110 : i32 to vector<16xi32>
        %parallel_loop3A_112 = arith.addi %parallel_loop3A_84, %parallel_loop3A_111 : vector<16xi32>
        tpu.vector_store_idx %arg7[%parallel_loop3A_112], %parallel_loop3A_109 {add = true} : memref<40960xf32, #tpu.memory_space<vmem>>[vector<16xi32>], vector<16xf32>,
      } {sc.loop_unroll_factor = 8 : i64, sc.parallel_access}
      %mul3A_55 = arith.constant 2 : i32
      %mul3A_56 = arith.muli %mul3A_55, %scan3A_30 : i32
      %add3A_57 = arith.constant 2 : i32
      %add3A_58 = arith.addi %mul3A_56, %add3A_57 : i32
      %min3A = arith.constant 30 : i32
      %min3A_59 = arith.minsi %add3A_58, %min3A : i32
      %mul3A_60 = arith.constant 10000 : i32
      %mul3A_61 = arith.muli %min3A_59, %mul3A_60 : i32
      %dma_start3A_62 = tpu.memref_slice %arg4[%mul3A_61] : memref<320000xi32, #tpu.memory_space<hbm>> -> memref<10000xi32, #tpu.memory_space<hbm>>
      %dma_start3A_63 = tpu.memref_slice %arg4[%mul3A_61] : memref<320000xi32, #tpu.memory_space<hbm>> -> memref<10000xi32, #tpu.memory_space<hbm>>
      tpu.enqueue_dma source(%dma_start3A_63 : memref<10000xi32, #tpu.memory_space<hbm>>) target(%arg8 : memref<10000xi32, #tpu.memory_space<vmem>>) target_semaphore(%arg12 : memref<!tpu.dma_semaphore, #tpu.memory_space<semaphore_mem>>)
      %mul3A_64 = arith.constant 10000 : i32
      %mul3A_65 = arith.muli %min3A_59, %mul3A_64 : i32
      %dma_start3A_66 = tpu.memref_slice %arg3[%mul3A_65] : memref<320000xi32, #tpu.memory_space<hbm>> -> memref<10000xi32, #tpu.memory_space<hbm>>
      %dma_start3A_67 = tpu.memref_slice %arg3[%mul3A_65] : memref<320000xi32, #tpu.memory_space<hbm>> -> memref<10000xi32, #tpu.memory_space<hbm>>
      tpu.enqueue_dma source(%dma_start3A_67 : memref<10000xi32, #tpu.memory_space<hbm>>) target(%arg10 : memref<10000xi32, #tpu.memory_space<vmem>>) target_semaphore(%arg14 : memref<!tpu.dma_semaphore, #tpu.memory_space<semaphore_mem>>)
      %dma_wait3A_68 = arith.constant 0 : i32
      %dma_wait3A_69 = tpu.memref_slice %arg4[%dma_wait3A_68] : memref<320000xi32, #tpu.memory_space<hbm>> -> memref<10000xi32, #tpu.memory_space<hbm>>
      %dma_wait3A_70 = arith.constant 0 : i32
      %dma_wait3A_71 = tpu.memref_slice %arg4[%dma_wait3A_70] : memref<320000xi32, #tpu.memory_space<hbm>> -> memref<10000xi32, #tpu.memory_space<hbm>>
      tpu.wait_dma2 semaphore(%arg13 : memref<!tpu.dma_semaphore, #tpu.memory_space<semaphore_mem>>) src(%dma_wait3A_71 : memref<10000xi32, #tpu.memory_space<hbm>>) dst(%arg9 : memref<10000xi32, #tpu.memory_space<vmem>>)
      %dma_wait3A_72 = arith.constant 0 : i32
      %dma_wait3A_73 = tpu.memref_slice %arg3[%dma_wait3A_72] : memref<320000xi32, #tpu.memory_space<hbm>> -> memref<10000xi32, #tpu.memory_space<hbm>>
      %dma_wait3A_74 = arith.constant 0 : i32
      %dma_wait3A_75 = tpu.memref_slice %arg3[%dma_wait3A_74] : memref<320000xi32, #tpu.memory_space<hbm>> -> memref<10000xi32, #tpu.memory_space<hbm>>
      tpu.wait_dma2 semaphore(%arg15 : memref<!tpu.dma_semaphore, #tpu.memory_space<semaphore_mem>>) src(%dma_wait3A_75 : memref<10000xi32, #tpu.memory_space<hbm>>) dst(%arg11 : memref<10000xi32, #tpu.memory_space<vmem>>)
      %parallel_loop3A_76 = arith.constant 0 : i32
      %parallel_loop3A_77 = arith.constant 10000 : i32
      %parallel_loop3A_78 = arith.constant 16 : i32
      scf.for %parallel_loop3A_80 = %parallel_loop3A_76 to %parallel_loop3A_77 step %parallel_loop3A_78  : i32 {
        %parallel_loop3A_81 = arith.index_cast %parallel_loop3A_80 : i32 to index
        %parallel_loop3A_82 = tpu.vector_load %arg9[%parallel_loop3A_81] {strides = array<i32>} : memref<10000xi32, #tpu.memory_space<vmem>>, vector<16xi32>,
        %parallel_loop3A_83 = arith.index_cast %parallel_loop3A_80 : i32 to index
        %parallel_loop3A_84 = tpu.vector_load %arg11[%parallel_loop3A_83] {strides = array<i32>} : memref<10000xi32, #tpu.memory_space<vmem>>, vector<16xi32>,
        %parallel_loop3A_85 = arith.constant 0 : i32
        %parallel_loop3A_86 = vector.broadcast %parallel_loop3A_85 : i32 to vector<16xi32>
        %parallel_loop3A_87 = arith.addi %parallel_loop3A_82, %parallel_loop3A_86 : vector<16xi32>
        %parallel_loop3A_88 = tpu.vector_load_idx %arg6[%parallel_loop3A_87] : memref<40960xf32, #tpu.memory_space<vmem>>[vector<16xi32>], vector<16xf32>,
        %parallel_loop3A_89 = arith.constant 0 : i32
        %parallel_loop3A_90 = vector.broadcast %parallel_loop3A_89 : i32 to vector<16xi32>
        %parallel_loop3A_91 = arith.addi %parallel_loop3A_84, %parallel_loop3A_90 : vector<16xi32>
        tpu.vector_store_idx %arg7[%parallel_loop3A_91], %parallel_loop3A_88 {add = true} : memref<40960xf32, #tpu.memory_space<vmem>>[vector<16xi32>], vector<16xf32>,
        %parallel_loop3A_92 = arith.constant 10240 : i32
        %parallel_loop3A_93 = vector.broadcast %parallel_loop3A_92 : i32 to vector<16xi32>
        %parallel_loop3A_94 = arith.addi %parallel_loop3A_82, %parallel_loop3A_93 : vector<16xi32>
        %parallel_loop3A_95 = tpu.vector_load_idx %arg6[%parallel_loop3A_94] : memref<40960xf32, #tpu.memory_space<vmem>>[vector<16xi32>], vector<16xf32>,
        %parallel_loop3A_96 = arith.constant 10240 : i32
        %parallel_loop3A_97 = vector.broadcast %parallel_loop3A_96 : i32 to vector<16xi32>
        %parallel_loop3A_98 = arith.addi %parallel_loop3A_84, %parallel_loop3A_97 : vector<16xi32>
        tpu.vector_store_idx %arg7[%parallel_loop3A_98], %parallel_loop3A_95 {add = true} : memref<40960xf32, #tpu.memory_space<vmem>>[vector<16xi32>], vector<16xf32>,
        %parallel_loop3A_99 = arith.constant 20480 : i32
        %parallel_loop3A_100 = vector.broadcast %parallel_loop3A_99 : i32 to vector<16xi32>
        %parallel_loop3A_101 = arith.addi %parallel_loop3A_82, %parallel_loop3A_100 : vector<16xi32>
        %parallel_loop3A_102 = tpu.vector_load_idx %arg6[%parallel_loop3A_101] : memref<40960xf32, #tpu.memory_space<vmem>>[vector<16xi32>], vector<16xf32>,
        %parallel_loop3A_103 = arith.constant 20480 : i32
        %parallel_loop3A_104 = vector.broadcast %parallel_loop3A_103 : i32 to vector<16xi32>
        %parallel_loop3A_105 = arith.addi %parallel_loop3A_84, %parallel_loop3A_104 : vector<16xi32>
        tpu.vector_store_idx %arg7[%parallel_loop3A_105], %parallel_loop3A_102 {add = true} : memref<40960xf32, #tpu.memory_space<vmem>>[vector<16xi32>], vector<16xf32>,
        %parallel_loop3A_106 = arith.constant 30720 : i32
        %parallel_loop3A_107 = vector.broadcast %parallel_loop3A_106 : i32 to vector<16xi32>
        %parallel_loop3A_108 = arith.addi %parallel_loop3A_82, %parallel_loop3A_107 : vector<16xi32>
        %parallel_loop3A_109 = tpu.vector_load_idx %arg6[%parallel_loop3A_108] : memref<40960xf32, #tpu.memory_space<vmem>>[vector<16xi32>], vector<16xf32>,
        %parallel_loop3A_110 = arith.constant 30720 : i32
        %parallel_loop3A_111 = vector.broadcast %parallel_loop3A_110 : i32 to vector<16xi32>
        %parallel_loop3A_112 = arith.addi %parallel_loop3A_84, %parallel_loop3A_111 : vector<16xi32>
        tpu.vector_store_idx %arg7[%parallel_loop3A_112], %parallel_loop3A_109 {add = true} : memref<40960xf32, #tpu.memory_space<vmem>>[vector<16xi32>], vector<16xf32>,
      } {sc.loop_unroll_factor = 8 : i64, sc.parallel_access}
      %scan3A_79 = arith.constant 0 : i32
      scf.yield %scan3A_79 : i32
    }
    %scan3A_21 = arith.constant 16 : i32
    %dma_wait3A_22 = arith.constant 0 : i32
    %dma_wait3A_23 = tpu.memref_slice %arg4[%dma_wait3A_22] : memref<320000xi32, #tpu.memory_space<hbm>> -> memref<10000xi32, #tpu.memory_space<hbm>>
    %dma_wait3A_24 = arith.constant 0 : i32
    %dma_wait3A_25 = tpu.memref_slice %arg4[%dma_wait3A_24] : memref<320000xi32, #tpu.memory_space<hbm>> -> memref<10000xi32, #tpu.memory_space<hbm>>
    tpu.wait_dma2 semaphore(%arg12 : memref<!tpu.dma_semaphore, #tpu.memory_space<semaphore_mem>>) src(%dma_wait3A_25 : memref<10000xi32, #tpu.memory_space<hbm>>) dst(%arg8 : memref<10000xi32, #tpu.memory_space<vmem>>)
    %dma_wait3A_26 = arith.constant 0 : i32
    %dma_wait3A_27 = tpu.memref_slice %arg3[%dma_wait3A_26] : memref<320000xi32, #tpu.memory_space<hbm>> -> memref<10000xi32, #tpu.memory_space<hbm>>
    %dma_wait3A_28 = arith.constant 0 : i32
    %dma_wait3A_29 = tpu.memref_slice %arg3[%dma_wait3A_28] : memref<320000xi32, #tpu.memory_space<hbm>> -> memref<10000xi32, #tpu.memory_space<hbm>>
    tpu.wait_dma2 semaphore(%arg14 : memref<!tpu.dma_semaphore, #tpu.memory_space<semaphore_mem>>) src(%dma_wait3A_29 : memref<10000xi32, #tpu.memory_space<hbm>>) dst(%arg10 : memref<10000xi32, #tpu.memory_space<vmem>>)
    "tpu.region"() ({
      %run_scoped3A = tpu.sem_alloc : memref<!tpu.dma_semaphore, #tpu.memory_space<semaphore_mem>>
      %dma_start3A_30 = tpu.memref_slice %arg5[%mul3A_2] : memref<1310720xf32, #tpu.memory_space<hbm>> -> memref<40960xf32, #tpu.memory_space<hbm>>
      %dma_start3A_31 = tpu.memref_slice %arg5[%mul3A_2] : memref<1310720xf32, #tpu.memory_space<hbm>> -> memref<40960xf32, #tpu.memory_space<hbm>>
      tpu.enqueue_dma source(%arg7 : memref<40960xf32, #tpu.memory_space<vmem>>) target(%dma_start3A_31 : memref<40960xf32, #tpu.memory_space<hbm>>) target_semaphore(%run_scoped3A : memref<!tpu.dma_semaphore, #tpu.memory_space<semaphore_mem>>)
      %dma_wait3A_32 = tpu.memref_slice %arg5[%mul3A_2] : memref<1310720xf32, #tpu.memory_space<hbm>> -> memref<40960xf32, #tpu.memory_space<hbm>>
      %dma_wait3A_33 = tpu.memref_slice %arg5[%mul3A_2] : memref<1310720xf32, #tpu.memory_space<hbm>> -> memref<40960xf32, #tpu.memory_space<hbm>>
      tpu.wait_dma2 semaphore(%run_scoped3A : memref<!tpu.dma_semaphore, #tpu.memory_space<semaphore_mem>>) src(%arg7 : memref<40960xf32, #tpu.memory_space<vmem>>) dst(%dma_wait3A_33 : memref<40960xf32, #tpu.memory_space<hbm>>)
      tpu.yield
    }) : () -> ()
    return
  }
}

#map = affine_map<(d0, d1) -> (0)>
module attributes {stable_mosaic.version = 14 : i64} {
  func.func @k(%arg0: i32, %arg1: i32, %arg2: memref<1310720xf32, #tpu.memory_space<hbm>>, %arg3: memref<320000xi32, #tpu.memory_space<hbm>>, %arg4: memref<320000xi32, #tpu.memory_space<hbm>>, %arg5: memref<1310720xf32, #tpu.memory_space<hbm>>, %arg6: memref<40960xf32, #tpu.memory_space<vmem>>, %arg7: memref<40960xf32, #tpu.memory_space<vmem>>, %arg8: memref<10000xi32, #tpu.memory_space<vmem>>, %arg9: memref<10000xi32, #tpu.memory_space<vmem>>, %arg10: memref<10000xi32, #tpu.memory_space<vmem>>, %arg11: memref<10000xi32, #tpu.memory_space<vmem>>, %arg12: memref<!tpu.dma_semaphore, #tpu.memory_space<semaphore_mem>>, %arg13: memref<!tpu.dma_semaphore, #tpu.memory_space<semaphore_mem>>, %arg14: memref<!tpu.dma_semaphore, #tpu.memory_space<semaphore_mem>>, %arg15: memref<!tpu.dma_semaphore, #tpu.memory_space<semaphore_mem>>, %arg16: memref<!tpu.dma_semaphore, #tpu.memory_space<semaphore_mem>>) attributes {dimension_semantics = [#tpu.dimension_semantics<core_parallel>, #tpu.dimension_semantics<subcore_parallel>], iteration_bounds = array<i64: 2, 16>, scalar_prefetch = 0 : i64, scratch_operands = 11 : i64, tpu.core_type = #tpu.core_type<sc_vector_subcore>, window_params = [{transform_indices = #map}, {transform_indices = #map}, {transform_indices = #map}, {transform_indices = #map}]} {
    %mul3A = arith.constant 2 : i32
    %mul3A_0 = arith.muli %arg1, %mul3A : i32
    %add3A = arith.addi %mul3A_0, %arg0 : i32
    %mul3A_1 = arith.constant 40960 : i32
    %mul3A_2 = arith.muli %add3A, %mul3A_1 : i32
    %dma_start3A = tpu.memref_slice %arg2[%mul3A_2] : memref<1310720xf32, #tpu.memory_space<hbm>> -> memref<40960xf32, #tpu.memory_space<hbm>>
    %dma_start3A_3 = tpu.memref_slice %arg2[%mul3A_2] : memref<1310720xf32, #tpu.memory_space<hbm>> -> memref<40960xf32, #tpu.memory_space<hbm>>
    tpu.enqueue_dma source(%dma_start3A_3 : memref<40960xf32, #tpu.memory_space<hbm>>) target(%arg6 : memref<40960xf32, #tpu.memory_space<vmem>>) target_semaphore(%arg16 : memref<!tpu.dma_semaphore, #tpu.memory_space<semaphore_mem>>)
    %broadcast_in_dim3A = arith.constant 0.000000e+00 : f32
    %broadcast_in_dim3A_4 = vector.broadcast %broadcast_in_dim3A : f32 to vector<16xf32>
    %parallel_loop3A = arith.constant 0 : i32
    %parallel_loop3A_5 = arith.constant 40960 : i32
    %parallel_loop3A_6 = arith.constant 16 : i32
    scf.for %parallel_loop3A_30 = %parallel_loop3A to %parallel_loop3A_5 step %parallel_loop3A_6  : i32 {
      %parallel_loop3A_31 = arith.index_cast %parallel_loop3A_30 : i32 to index
      %parallel_loop3A_32 = tpu.vector_load %arg7[%parallel_loop3A_31] {strides = array<i32>} : memref<40960xf32, #tpu.memory_space<vmem>>, vector<16xf32>,
      tpu.vector_store %arg7[%parallel_loop3A_31], %broadcast_in_dim3A_4 {strides = array<i32>} : memref<40960xf32, #tpu.memory_space<vmem>>, vector<16xf32>,
    } {sc.loop_unroll_factor = 8 : i64, sc.parallel_access}
    %dma_start3A_7 = arith.constant 0 : i32
    %dma_start3A_8 = tpu.memref_slice %arg4[%dma_start3A_7] : memref<320000xi32, #tpu.memory_space<hbm>> -> memref<10000xi32, #tpu.memory_space<hbm>>
    %dma_start3A_9 = arith.constant 0 : i32
    %dma_start3A_10 = tpu.memref_slice %arg4[%dma_start3A_9] : memref<320000xi32, #tpu.memory_space<hbm>> -> memref<10000xi32, #tpu.memory_space<hbm>>
    tpu.enqueue_dma source(%dma_start3A_10 : memref<10000xi32, #tpu.memory_space<hbm>>) target(%arg8 : memref<10000xi32, #tpu.memory_space<vmem>>) target_semaphore(%arg12 : memref<!tpu.dma_semaphore, #tpu.memory_space<semaphore_mem>>)
    %dma_start3A_11 = arith.constant 0 : i32
    %dma_start3A_12 = tpu.memref_slice %arg3[%dma_start3A_11] : memref<320000xi32, #tpu.memory_space<hbm>> -> memref<10000xi32, #tpu.memory_space<hbm>>
    %dma_start3A_13 = arith.constant 0 : i32
    %dma_start3A_14 = tpu.memref_slice %arg3[%dma_start3A_13] : memref<320000xi32, #tpu.memory_space<hbm>> -> memref<10000xi32, #tpu.memory_space<hbm>>
    tpu.enqueue_dma source(%dma_start3A_14 : memref<10000xi32, #tpu.memory_space<hbm>>) target(%arg10 : memref<10000xi32, #tpu.memory_space<vmem>>) target_semaphore(%arg14 : memref<!tpu.dma_semaphore, #tpu.memory_space<semaphore_mem>>)
    %dma_wait3A = tpu.memref_slice %arg2[%mul3A_2] : memref<1310720xf32, #tpu.memory_space<hbm>> -> memref<40960xf32, #tpu.memory_space<hbm>>
    %dma_wait3A_15 = tpu.memref_slice %arg2[%mul3A_2] : memref<1310720xf32, #tpu.memory_space<hbm>> -> memref<40960xf32, #tpu.memory_space<hbm>>
    tpu.wait_dma2 semaphore(%arg16 : memref<!tpu.dma_semaphore, #tpu.memory_space<semaphore_mem>>) src(%dma_wait3A_15 : memref<40960xf32, #tpu.memory_space<hbm>>) dst(%arg6 : memref<40960xf32, #tpu.memory_space<vmem>>)
    %scan3A = arith.constant 0 : i32
    %scan3A_16 = arith.constant 0 : i32
    %scan3A_17 = arith.constant 16 : i32
    %scan3A_18 = arith.addi %scan3A_16, %scan3A_17 : i32
    %scan3A_19 = arith.constant 1 : i32
    %scan3A_20 = scf.for %scan3A_30 = %scan3A_16 to %scan3A_18 step %scan3A_19 iter_args(%scan3A_31 = %scan3A) -> (i32)  : i32 {
      %mul3A_32 = arith.constant 2 : i32
      %mul3A_33 = arith.muli %mul3A_32, %scan3A_30 : i32
      %add3A_34 = arith.constant 1 : i32
      %add3A_35 = arith.addi %mul3A_33, %add3A_34 : i32
      %mul3A_36 = arith.constant 10000 : i32
      %mul3A_37 = arith.muli %add3A_35, %mul3A_36 : i32
      %dma_start3A_38 = tpu.memref_slice %arg4[%mul3A_37] : memref<320000xi32, #tpu.memory_space<hbm>> -> memref<10000xi32, #tpu.memory_space<hbm>>
      %dma_start3A_39 = tpu.memref_slice %arg4[%mul3A_37] : memref<320000xi32, #tpu.memory_space<hbm>> -> memref<10000xi32, #tpu.memory_space<hbm>>
      tpu.enqueue_dma source(%dma_start3A_39 : memref<10000xi32, #tpu.memory_space<hbm>>) target(%arg9 : memref<10000xi32, #tpu.memory_space<vmem>>) target_semaphore(%arg13 : memref<!tpu.dma_semaphore, #tpu.memory_space<semaphore_mem>>)
      %mul3A_40 = arith.constant 10000 : i32
      %mul3A_41 = arith.muli %add3A_35, %mul3A_40 : i32
      %dma_start3A_42 = tpu.memref_slice %arg3[%mul3A_41] : memref<320000xi32, #tpu.memory_space<hbm>> -> memref<10000xi32, #tpu.memory_space<hbm>>
      %dma_start3A_43 = tpu.memref_slice %arg3[%mul3A_41] : memref<320000xi32, #tpu.memory_space<hbm>> -> memref<10000xi32, #tpu.memory_space<hbm>>
      tpu.enqueue_dma source(%dma_start3A_43 : memref<10000xi32, #tpu.memory_space<hbm>>) target(%arg11 : memref<10000xi32, #tpu.memory_space<vmem>>) target_semaphore(%arg15 : memref<!tpu.dma_semaphore, #tpu.memory_space<semaphore_mem>>)
      %dma_wait3A_44 = arith.constant 0 : i32
      %dma_wait3A_45 = tpu.memref_slice %arg4[%dma_wait3A_44] : memref<320000xi32, #tpu.memory_space<hbm>> -> memref<10000xi32, #tpu.memory_space<hbm>>
      %dma_wait3A_46 = arith.constant 0 : i32
      %dma_wait3A_47 = tpu.memref_slice %arg4[%dma_wait3A_46] : memref<320000xi32, #tpu.memory_space<hbm>> -> memref<10000xi32, #tpu.memory_space<hbm>>
      tpu.wait_dma2 semaphore(%arg12 : memref<!tpu.dma_semaphore, #tpu.memory_space<semaphore_mem>>) src(%dma_wait3A_47 : memref<10000xi32, #tpu.memory_space<hbm>>) dst(%arg8 : memref<10000xi32, #tpu.memory_space<vmem>>)
      %dma_wait3A_48 = arith.constant 0 : i32
      %dma_wait3A_49 = tpu.memref_slice %arg3[%dma_wait3A_48] : memref<320000xi32, #tpu.memory_space<hbm>> -> memref<10000xi32, #tpu.memory_space<hbm>>
      %dma_wait3A_50 = arith.constant 0 : i32
      %dma_wait3A_51 = tpu.memref_slice %arg3[%dma_wait3A_50] : memref<320000xi32, #tpu.memory_space<hbm>> -> memref<10000xi32, #tpu.memory_space<hbm>>
      tpu.wait_dma2 semaphore(%arg14 : memref<!tpu.dma_semaphore, #tpu.memory_space<semaphore_mem>>) src(%dma_wait3A_51 : memref<10000xi32, #tpu.memory_space<hbm>>) dst(%arg10 : memref<10000xi32, #tpu.memory_space<vmem>>)
      %parallel_loop3A_52 = arith.constant 0 : i32
      %parallel_loop3A_53 = arith.constant 10000 : i32
      %parallel_loop3A_54 = arith.constant 16 : i32
      scf.for %parallel_loop3A_80 = %parallel_loop3A_52 to %parallel_loop3A_53 step %parallel_loop3A_54  : i32 {
        %parallel_loop3A_81 = arith.index_cast %parallel_loop3A_80 : i32 to index
        %parallel_loop3A_82 = tpu.vector_load %arg8[%parallel_loop3A_81] {strides = array<i32>} : memref<10000xi32, #tpu.memory_space<vmem>>, vector<16xi32>,
        %parallel_loop3A_83 = arith.index_cast %parallel_loop3A_80 : i32 to index
        %parallel_loop3A_84 = tpu.vector_load %arg10[%parallel_loop3A_83] {strides = array<i32>} : memref<10000xi32, #tpu.memory_space<vmem>>, vector<16xi32>,
        %parallel_loop3A_85 = arith.constant 0 : i32
        %parallel_loop3A_86 = vector.broadcast %parallel_loop3A_85 : i32 to vector<16xi32>
        %parallel_loop3A_87 = arith.addi %parallel_loop3A_82, %parallel_loop3A_86 : vector<16xi32>
        %parallel_loop3A_88 = tpu.vector_load_idx %arg6[%parallel_loop3A_87] : memref<40960xf32, #tpu.memory_space<vmem>>[vector<16xi32>], vector<16xf32>,
        %parallel_loop3A_89 = arith.constant 0 : i32
        %parallel_loop3A_90 = vector.broadcast %parallel_loop3A_89 : i32 to vector<16xi32>
        %parallel_loop3A_91 = arith.addi %parallel_loop3A_84, %parallel_loop3A_90 : vector<16xi32>
        tpu.vector_store_idx %arg7[%parallel_loop3A_91], %parallel_loop3A_88 {add = true} : memref<40960xf32, #tpu.memory_space<vmem>>[vector<16xi32>], vector<16xf32>,
        %parallel_loop3A_92 = arith.constant 10240 : i32
        %parallel_loop3A_93 = vector.broadcast %parallel_loop3A_92 : i32 to vector<16xi32>
        %parallel_loop3A_94 = arith.addi %parallel_loop3A_82, %parallel_loop3A_93 : vector<16xi32>
        %parallel_loop3A_95 = tpu.vector_load_idx %arg6[%parallel_loop3A_94] : memref<40960xf32, #tpu.memory_space<vmem>>[vector<16xi32>], vector<16xf32>,
        %parallel_loop3A_96 = arith.constant 10240 : i32
        %parallel_loop3A_97 = vector.broadcast %parallel_loop3A_96 : i32 to vector<16xi32>
        %parallel_loop3A_98 = arith.addi %parallel_loop3A_84, %parallel_loop3A_97 : vector<16xi32>
        tpu.vector_store_idx %arg7[%parallel_loop3A_98], %parallel_loop3A_95 {add = true} : memref<40960xf32, #tpu.memory_space<vmem>>[vector<16xi32>], vector<16xf32>,
        %parallel_loop3A_99 = arith.constant 20480 : i32
        %parallel_loop3A_100 = vector.broadcast %parallel_loop3A_99 : i32 to vector<16xi32>
        %parallel_loop3A_101 = arith.addi %parallel_loop3A_82, %parallel_loop3A_100 : vector<16xi32>
        %parallel_loop3A_102 = tpu.vector_load_idx %arg6[%parallel_loop3A_101] : memref<40960xf32, #tpu.memory_space<vmem>>[vector<16xi32>], vector<16xf32>,
        %parallel_loop3A_103 = arith.constant 20480 : i32
        %parallel_loop3A_104 = vector.broadcast %parallel_loop3A_103 : i32 to vector<16xi32>
        %parallel_loop3A_105 = arith.addi %parallel_loop3A_84, %parallel_loop3A_104 : vector<16xi32>
        tpu.vector_store_idx %arg7[%parallel_loop3A_105], %parallel_loop3A_102 {add = true} : memref<40960xf32, #tpu.memory_space<vmem>>[vector<16xi32>], vector<16xf32>,
        %parallel_loop3A_106 = arith.constant 30720 : i32
        %parallel_loop3A_107 = vector.broadcast %parallel_loop3A_106 : i32 to vector<16xi32>
        %parallel_loop3A_108 = arith.addi %parallel_loop3A_82, %parallel_loop3A_107 : vector<16xi32>
        %parallel_loop3A_109 = tpu.vector_load_idx %arg6[%parallel_loop3A_108] : memref<40960xf32, #tpu.memory_space<vmem>>[vector<16xi32>], vector<16xf32>,
        %parallel_loop3A_110 = arith.constant 30720 : i32
        %parallel_loop3A_111 = vector.broadcast %parallel_loop3A_110 : i32 to vector<16xi32>
        %parallel_loop3A_112 = arith.addi %parallel_loop3A_84, %parallel_loop3A_111 : vector<16xi32>
        tpu.vector_store_idx %arg7[%parallel_loop3A_112], %parallel_loop3A_109 {add = true} : memref<40960xf32, #tpu.memory_space<vmem>>[vector<16xi32>], vector<16xf32>,
      } {sc.loop_unroll_factor = 8 : i64, sc.parallel_access}
      %mul3A_55 = arith.constant 2 : i32
      %mul3A_56 = arith.muli %mul3A_55, %scan3A_30 : i32
      %add3A_57 = arith.constant 2 : i32
      %add3A_58 = arith.addi %mul3A_56, %add3A_57 : i32
      %min3A = arith.constant 30 : i32
      %min3A_59 = arith.minsi %add3A_58, %min3A : i32
      %mul3A_60 = arith.constant 10000 : i32
      %mul3A_61 = arith.muli %min3A_59, %mul3A_60 : i32
      %dma_start3A_62 = tpu.memref_slice %arg4[%mul3A_61] : memref<320000xi32, #tpu.memory_space<hbm>> -> memref<10000xi32, #tpu.memory_space<hbm>>
      %dma_start3A_63 = tpu.memref_slice %arg4[%mul3A_61] : memref<320000xi32, #tpu.memory_space<hbm>> -> memref<10000xi32, #tpu.memory_space<hbm>>
      tpu.enqueue_dma source(%dma_start3A_63 : memref<10000xi32, #tpu.memory_space<hbm>>) target(%arg8 : memref<10000xi32, #tpu.memory_space<vmem>>) target_semaphore(%arg12 : memref<!tpu.dma_semaphore, #tpu.memory_space<semaphore_mem>>)
      %mul3A_64 = arith.constant 10000 : i32
      %mul3A_65 = arith.muli %min3A_59, %mul3A_64 : i32
      %dma_start3A_66 = tpu.memref_slice %arg3[%mul3A_65] : memref<320000xi32, #tpu.memory_space<hbm>> -> memref<10000xi32, #tpu.memory_space<hbm>>
      %dma_start3A_67 = tpu.memref_slice %arg3[%mul3A_65] : memref<320000xi32, #tpu.memory_space<hbm>> -> memref<10000xi32, #tpu.memory_space<hbm>>
      tpu.enqueue_dma source(%dma_start3A_67 : memref<10000xi32, #tpu.memory_space<hbm>>) target(%arg10 : memref<10000xi32, #tpu.memory_space<vmem>>) target_semaphore(%arg14 : memref<!tpu.dma_semaphore, #tpu.memory_space<semaphore_mem>>)
      %dma_wait3A_68 = arith.constant 0 : i32
      %dma_wait3A_69 = tpu.memref_slice %arg4[%dma_wait3A_68] : memref<320000xi32, #tpu.memory_space<hbm>> -> memref<10000xi32, #tpu.memory_space<hbm>>
      %dma_wait3A_70 = arith.constant 0 : i32
      %dma_wait3A_71 = tpu.memref_slice %arg4[%dma_wait3A_70] : memref<320000xi32, #tpu.memory_space<hbm>> -> memref<10000xi32, #tpu.memory_space<hbm>>
      tpu.wait_dma2 semaphore(%arg13 : memref<!tpu.dma_semaphore, #tpu.memory_space<semaphore_mem>>) src(%dma_wait3A_71 : memref<10000xi32, #tpu.memory_space<hbm>>) dst(%arg9 : memref<10000xi32, #tpu.memory_space<vmem>>)
      %dma_wait3A_72 = arith.constant 0 : i32
      %dma_wait3A_73 = tpu.memref_slice %arg3[%dma_wait3A_72] : memref<320000xi32, #tpu.memory_space<hbm>> -> memref<10000xi32, #tpu.memory_space<hbm>>
      %dma_wait3A_74 = arith.constant 0 : i32
      %dma_wait3A_75 = tpu.memref_slice %arg3[%dma_wait3A_74] : memref<320000xi32, #tpu.memory_space<hbm>> -> memref<10000xi32, #tpu.memory_space<hbm>>
      tpu.wait_dma2 semaphore(%arg15 : memref<!tpu.dma_semaphore, #tpu.memory_space<semaphore_mem>>) src(%dma_wait3A_75 : memref<10000xi32, #tpu.memory_space<hbm>>) dst(%arg11 : memref<10000xi32, #tpu.memory_space<vmem>>)
      %parallel_loop3A_76 = arith.constant 0 : i32
      %parallel_loop3A_77 = arith.constant 10000 : i32
      %parallel_loop3A_78 = arith.constant 16 : i32
      scf.for %parallel_loop3A_80 = %parallel_loop3A_76 to %parallel_loop3A_77 step %parallel_loop3A_78  : i32 {
        %parallel_loop3A_81 = arith.index_cast %parallel_loop3A_80 : i32 to index
        %parallel_loop3A_82 = tpu.vector_load %arg9[%parallel_loop3A_81] {strides = array<i32>} : memref<10000xi32, #tpu.memory_space<vmem>>, vector<16xi32>,
        %parallel_loop3A_83 = arith.index_cast %parallel_loop3A_80 : i32 to index
        %parallel_loop3A_84 = tpu.vector_load %arg11[%parallel_loop3A_83] {strides = array<i32>} : memref<10000xi32, #tpu.memory_space<vmem>>, vector<16xi32>,
        %parallel_loop3A_85 = arith.constant 0 : i32
        %parallel_loop3A_86 = vector.broadcast %parallel_loop3A_85 : i32 to vector<16xi32>
        %parallel_loop3A_87 = arith.addi %parallel_loop3A_82, %parallel_loop3A_86 : vector<16xi32>
        %parallel_loop3A_88 = tpu.vector_load_idx %arg6[%parallel_loop3A_87] : memref<40960xf32, #tpu.memory_space<vmem>>[vector<16xi32>], vector<16xf32>,
        %parallel_loop3A_89 = arith.constant 0 : i32
        %parallel_loop3A_90 = vector.broadcast %parallel_loop3A_89 : i32 to vector<16xi32>
        %parallel_loop3A_91 = arith.addi %parallel_loop3A_84, %parallel_loop3A_90 : vector<16xi32>
        tpu.vector_store_idx %arg7[%parallel_loop3A_91], %parallel_loop3A_88 {add = true} : memref<40960xf32, #tpu.memory_space<vmem>>[vector<16xi32>], vector<16xf32>,
        %parallel_loop3A_92 = arith.constant 10240 : i32
        %parallel_loop3A_93 = vector.broadcast %parallel_loop3A_92 : i32 to vector<16xi32>
        %parallel_loop3A_94 = arith.addi %parallel_loop3A_82, %parallel_loop3A_93 : vector<16xi32>
        %parallel_loop3A_95 = tpu.vector_load_idx %arg6[%parallel_loop3A_94] : memref<40960xf32, #tpu.memory_space<vmem>>[vector<16xi32>], vector<16xf32>,
        %parallel_loop3A_96 = arith.constant 10240 : i32
        %parallel_loop3A_97 = vector.broadcast %parallel_loop3A_96 : i32 to vector<16xi32>
        %parallel_loop3A_98 = arith.addi %parallel_loop3A_84, %parallel_loop3A_97 : vector<16xi32>
        tpu.vector_store_idx %arg7[%parallel_loop3A_98], %parallel_loop3A_95 {add = true} : memref<40960xf32, #tpu.memory_space<vmem>>[vector<16xi32>], vector<16xf32>,
        %parallel_loop3A_99 = arith.constant 20480 : i32
        %parallel_loop3A_100 = vector.broadcast %parallel_loop3A_99 : i32 to vector<16xi32>
        %parallel_loop3A_101 = arith.addi %parallel_loop3A_82, %parallel_loop3A_100 : vector<16xi32>
        %parallel_loop3A_102 = tpu.vector_load_idx %arg6[%parallel_loop3A_101] : memref<40960xf32, #tpu.memory_space<vmem>>[vector<16xi32>], vector<16xf32>,
        %parallel_loop3A_103 = arith.constant 20480 : i32
        %parallel_loop3A_104 = vector.broadcast %parallel_loop3A_103 : i32 to vector<16xi32>
        %parallel_loop3A_105 = arith.addi %parallel_loop3A_84, %parallel_loop3A_104 : vector<16xi32>
        tpu.vector_store_idx %arg7[%parallel_loop3A_105], %parallel_loop3A_102 {add = true} : memref<40960xf32, #tpu.memory_space<vmem>>[vector<16xi32>], vector<16xf32>,
        %parallel_loop3A_106 = arith.constant 30720 : i32
        %parallel_loop3A_107 = vector.broadcast %parallel_loop3A_106 : i32 to vector<16xi32>
        %parallel_loop3A_108 = arith.addi %parallel_loop3A_82, %parallel_loop3A_107 : vector<16xi32>
        %parallel_loop3A_109 = tpu.vector_load_idx %arg6[%parallel_loop3A_108] : memref<40960xf32, #tpu.memory_space<vmem>>[vector<16xi32>], vector<16xf32>,
        %parallel_loop3A_110 = arith.constant 30720 : i32
        %parallel_loop3A_111 = vector.broadcast %parallel_loop3A_110 : i32 to vector<16xi32>
        %parallel_loop3A_112 = arith.addi %parallel_loop3A_84, %parallel_loop3A_111 : vector<16xi32>
        tpu.vector_store_idx %arg7[%parallel_loop3A_112], %parallel_loop3A_109 {add = true} : memref<40960xf32, #tpu.memory_space<vmem>>[vector<16xi32>], vector<16xf32>,
      } {sc.loop_unroll_factor = 8 : i64, sc.parallel_access}
      %scan3A_79 = arith.constant 0 : i32
      scf.yield %scan3A_79 : i32
    }
    %scan3A_21 = arith.constant 16 : i32
    %dma_wait3A_22 = arith.constant 0 : i32
    %dma_wait3A_23 = tpu.memref_slice %arg4[%dma_wait3A_22] : memref<320000xi32, #tpu.memory_space<hbm>> -> memref<10000xi32, #tpu.memory_space<hbm>>
    %dma_wait3A_24 = arith.constant 0 : i32
    %dma_wait3A_25 = tpu.memref_slice %arg4[%dma_wait3A_24] : memref<320000xi32, #tpu.memory_space<hbm>> -> memref<10000xi32, #tpu.memory_space<hbm>>
    tpu.wait_dma2 semaphore(%arg12 : memref<!tpu.dma_semaphore, #tpu.memory_space<semaphore_mem>>) src(%dma_wait3A_25 : memref<10000xi32, #tpu.memory_space<hbm>>) dst(%arg8 : memref<10000xi32, #tpu.memory_space<vmem>>)
    %dma_wait3A_26 = arith.constant 0 : i32
    %dma_wait3A_27 = tpu.memref_slice %arg3[%dma_wait3A_26] : memref<320000xi32, #tpu.memory_space<hbm>> -> memref<10000xi32, #tpu.memory_space<hbm>>
    %dma_wait3A_28 = arith.constant 0 : i32
    %dma_wait3A_29 = tpu.memref_slice %arg3[%dma_wait3A_28] : memref<320000xi32, #tpu.memory_space<hbm>> -> memref<10000xi32, #tpu.memory_space<hbm>>
    tpu.wait_dma2 semaphore(%arg14 : memref<!tpu.dma_semaphore, #tpu.memory_space<semaphore_mem>>) src(%dma_wait3A_29 : memref<10000xi32, #tpu.memory_space<hbm>>) dst(%arg10 : memref<10000xi32, #tpu.memory_space<vmem>>)
    "tpu.region"() ({
      %run_scoped3A = tpu.sem_alloc : memref<!tpu.dma_semaphore, #tpu.memory_space<semaphore_mem>>
      %dma_start3A_30 = tpu.memref_slice %arg5[%mul3A_2] : memref<1310720xf32, #tpu.memory_space<hbm>> -> memref<40960xf32, #tpu.memory_space<hbm>>
      %dma_start3A_31 = tpu.memref_slice %arg5[%mul3A_2] : memref<1310720xf32, #tpu.memory_space<hbm>> -> memref<40960xf32, #tpu.memory_space<hbm>>
      tpu.enqueue_dma source(%arg7 : memref<40960xf32, #tpu.memory_space<vmem>>) target(%dma_start3A_31 : memref<40960xf32, #tpu.memory_space<hbm>>) target_semaphore(%run_scoped3A : memref<!tpu.dma_semaphore, #tpu.memory_space<semaphore_mem>>)
      %dma_wait3A_32 = tpu.memref_slice %arg5[%mul3A_2] : memref<1310720xf32, #tpu.memory_space<hbm>> -> memref<40960xf32, #tpu.memory_space<hbm>>
      %dma_wait3A_33 = tpu.memref_slice %arg5[%mul3A_2] : memref<1310720xf32, #tpu.memory_space<hbm>> -> memref<40960xf32, #tpu.memory_space<hbm>>
      tpu.wait_dma2 semaphore(%run_scoped3A : memref<!tpu.dma_semaphore, #tpu.memory_space<semaphore_mem>>) src(%arg7 : memref<40960xf32, #tpu.memory_space<vmem>>) dst(%dma_wait3A_33 : memref<40960xf32, #tpu.memory_space<hbm>>)
      tpu.yield
    }) : () -> ()
    return
  }
}

#map = affine_map<(d0, d1) -> (0)>
module attributes {stable_mosaic.version = 14 : i64} {
  func.func @k(%arg0: i32, %arg1: i32, %arg2: memref<1310720xf32, #tpu.memory_space<hbm>>, %arg3: memref<320000xi32, #tpu.memory_space<hbm>>, %arg4: memref<320000xi32, #tpu.memory_space<hbm>>, %arg5: memref<1310720xf32, #tpu.memory_space<hbm>>, %arg6: memref<40960xf32, #tpu.memory_space<vmem>>, %arg7: memref<40960xf32, #tpu.memory_space<vmem>>, %arg8: memref<10000xi32, #tpu.memory_space<vmem>>, %arg9: memref<10000xi32, #tpu.memory_space<vmem>>, %arg10: memref<10000xi32, #tpu.memory_space<vmem>>, %arg11: memref<10000xi32, #tpu.memory_space<vmem>>, %arg12: memref<!tpu.dma_semaphore, #tpu.memory_space<semaphore_mem>>, %arg13: memref<!tpu.dma_semaphore, #tpu.memory_space<semaphore_mem>>, %arg14: memref<!tpu.dma_semaphore, #tpu.memory_space<semaphore_mem>>, %arg15: memref<!tpu.dma_semaphore, #tpu.memory_space<semaphore_mem>>, %arg16: memref<!tpu.dma_semaphore, #tpu.memory_space<semaphore_mem>>) attributes {dimension_semantics = [#tpu.dimension_semantics<core_parallel>, #tpu.dimension_semantics<subcore_parallel>], iteration_bounds = array<i64: 2, 16>, scalar_prefetch = 0 : i64, scratch_operands = 11 : i64, tpu.core_type = #tpu.core_type<sc_vector_subcore>, window_params = [{transform_indices = #map}, {transform_indices = #map}, {transform_indices = #map}, {transform_indices = #map}]} {
    %mul3A = arith.constant 2 : i32
    %mul3A_0 = arith.muli %arg1, %mul3A : i32
    %add3A = arith.addi %mul3A_0, %arg0 : i32
    %mul3A_1 = arith.constant 40960 : i32
    %mul3A_2 = arith.muli %add3A, %mul3A_1 : i32
    %dma_start3A = tpu.memref_slice %arg2[%mul3A_2] : memref<1310720xf32, #tpu.memory_space<hbm>> -> memref<40960xf32, #tpu.memory_space<hbm>>
    %dma_start3A_3 = tpu.memref_slice %arg2[%mul3A_2] : memref<1310720xf32, #tpu.memory_space<hbm>> -> memref<40960xf32, #tpu.memory_space<hbm>>
    tpu.enqueue_dma source(%dma_start3A_3 : memref<40960xf32, #tpu.memory_space<hbm>>) target(%arg6 : memref<40960xf32, #tpu.memory_space<vmem>>) target_semaphore(%arg16 : memref<!tpu.dma_semaphore, #tpu.memory_space<semaphore_mem>>)
    %broadcast_in_dim3A = arith.constant 0.000000e+00 : f32
    %broadcast_in_dim3A_4 = vector.broadcast %broadcast_in_dim3A : f32 to vector<16xf32>
    %parallel_loop3A = arith.constant 0 : i32
    %parallel_loop3A_5 = arith.constant 40960 : i32
    %parallel_loop3A_6 = arith.constant 16 : i32
    scf.for %parallel_loop3A_30 = %parallel_loop3A to %parallel_loop3A_5 step %parallel_loop3A_6  : i32 {
      %parallel_loop3A_31 = arith.index_cast %parallel_loop3A_30 : i32 to index
      %parallel_loop3A_32 = tpu.vector_load %arg7[%parallel_loop3A_31] {strides = array<i32>} : memref<40960xf32, #tpu.memory_space<vmem>>, vector<16xf32>,
      tpu.vector_store %arg7[%parallel_loop3A_31], %broadcast_in_dim3A_4 {strides = array<i32>} : memref<40960xf32, #tpu.memory_space<vmem>>, vector<16xf32>,
    } {sc.loop_unroll_factor = 8 : i64, sc.parallel_access}
    %dma_start3A_7 = arith.constant 0 : i32
    %dma_start3A_8 = tpu.memref_slice %arg4[%dma_start3A_7] : memref<320000xi32, #tpu.memory_space<hbm>> -> memref<10000xi32, #tpu.memory_space<hbm>>
    %dma_start3A_9 = arith.constant 0 : i32
    %dma_start3A_10 = tpu.memref_slice %arg4[%dma_start3A_9] : memref<320000xi32, #tpu.memory_space<hbm>> -> memref<10000xi32, #tpu.memory_space<hbm>>
    tpu.enqueue_dma source(%dma_start3A_10 : memref<10000xi32, #tpu.memory_space<hbm>>) target(%arg8 : memref<10000xi32, #tpu.memory_space<vmem>>) target_semaphore(%arg12 : memref<!tpu.dma_semaphore, #tpu.memory_space<semaphore_mem>>)
    %dma_start3A_11 = arith.constant 0 : i32
    %dma_start3A_12 = tpu.memref_slice %arg3[%dma_start3A_11] : memref<320000xi32, #tpu.memory_space<hbm>> -> memref<10000xi32, #tpu.memory_space<hbm>>
    %dma_start3A_13 = arith.constant 0 : i32
    %dma_start3A_14 = tpu.memref_slice %arg3[%dma_start3A_13] : memref<320000xi32, #tpu.memory_space<hbm>> -> memref<10000xi32, #tpu.memory_space<hbm>>
    tpu.enqueue_dma source(%dma_start3A_14 : memref<10000xi32, #tpu.memory_space<hbm>>) target(%arg10 : memref<10000xi32, #tpu.memory_space<vmem>>) target_semaphore(%arg14 : memref<!tpu.dma_semaphore, #tpu.memory_space<semaphore_mem>>)
    %dma_wait3A = tpu.memref_slice %arg2[%mul3A_2] : memref<1310720xf32, #tpu.memory_space<hbm>> -> memref<40960xf32, #tpu.memory_space<hbm>>
    %dma_wait3A_15 = tpu.memref_slice %arg2[%mul3A_2] : memref<1310720xf32, #tpu.memory_space<hbm>> -> memref<40960xf32, #tpu.memory_space<hbm>>
    tpu.wait_dma2 semaphore(%arg16 : memref<!tpu.dma_semaphore, #tpu.memory_space<semaphore_mem>>) src(%dma_wait3A_15 : memref<40960xf32, #tpu.memory_space<hbm>>) dst(%arg6 : memref<40960xf32, #tpu.memory_space<vmem>>)
    %scan3A = arith.constant 0 : i32
    %scan3A_16 = arith.constant 0 : i32
    %scan3A_17 = arith.constant 16 : i32
    %scan3A_18 = arith.addi %scan3A_16, %scan3A_17 : i32
    %scan3A_19 = arith.constant 1 : i32
    %scan3A_20 = scf.for %scan3A_30 = %scan3A_16 to %scan3A_18 step %scan3A_19 iter_args(%scan3A_31 = %scan3A) -> (i32)  : i32 {
      %mul3A_32 = arith.constant 2 : i32
      %mul3A_33 = arith.muli %mul3A_32, %scan3A_30 : i32
      %add3A_34 = arith.constant 1 : i32
      %add3A_35 = arith.addi %mul3A_33, %add3A_34 : i32
      %mul3A_36 = arith.constant 10000 : i32
      %mul3A_37 = arith.muli %add3A_35, %mul3A_36 : i32
      %dma_start3A_38 = tpu.memref_slice %arg4[%mul3A_37] : memref<320000xi32, #tpu.memory_space<hbm>> -> memref<10000xi32, #tpu.memory_space<hbm>>
      %dma_start3A_39 = tpu.memref_slice %arg4[%mul3A_37] : memref<320000xi32, #tpu.memory_space<hbm>> -> memref<10000xi32, #tpu.memory_space<hbm>>
      tpu.enqueue_dma source(%dma_start3A_39 : memref<10000xi32, #tpu.memory_space<hbm>>) target(%arg9 : memref<10000xi32, #tpu.memory_space<vmem>>) target_semaphore(%arg13 : memref<!tpu.dma_semaphore, #tpu.memory_space<semaphore_mem>>)
      %mul3A_40 = arith.constant 10000 : i32
      %mul3A_41 = arith.muli %add3A_35, %mul3A_40 : i32
      %dma_start3A_42 = tpu.memref_slice %arg3[%mul3A_41] : memref<320000xi32, #tpu.memory_space<hbm>> -> memref<10000xi32, #tpu.memory_space<hbm>>
      %dma_start3A_43 = tpu.memref_slice %arg3[%mul3A_41] : memref<320000xi32, #tpu.memory_space<hbm>> -> memref<10000xi32, #tpu.memory_space<hbm>>
      tpu.enqueue_dma source(%dma_start3A_43 : memref<10000xi32, #tpu.memory_space<hbm>>) target(%arg11 : memref<10000xi32, #tpu.memory_space<vmem>>) target_semaphore(%arg15 : memref<!tpu.dma_semaphore, #tpu.memory_space<semaphore_mem>>)
      %dma_wait3A_44 = arith.constant 0 : i32
      %dma_wait3A_45 = tpu.memref_slice %arg4[%dma_wait3A_44] : memref<320000xi32, #tpu.memory_space<hbm>> -> memref<10000xi32, #tpu.memory_space<hbm>>
      %dma_wait3A_46 = arith.constant 0 : i32
      %dma_wait3A_47 = tpu.memref_slice %arg4[%dma_wait3A_46] : memref<320000xi32, #tpu.memory_space<hbm>> -> memref<10000xi32, #tpu.memory_space<hbm>>
      tpu.wait_dma2 semaphore(%arg12 : memref<!tpu.dma_semaphore, #tpu.memory_space<semaphore_mem>>) src(%dma_wait3A_47 : memref<10000xi32, #tpu.memory_space<hbm>>) dst(%arg8 : memref<10000xi32, #tpu.memory_space<vmem>>)
      %dma_wait3A_48 = arith.constant 0 : i32
      %dma_wait3A_49 = tpu.memref_slice %arg3[%dma_wait3A_48] : memref<320000xi32, #tpu.memory_space<hbm>> -> memref<10000xi32, #tpu.memory_space<hbm>>
      %dma_wait3A_50 = arith.constant 0 : i32
      %dma_wait3A_51 = tpu.memref_slice %arg3[%dma_wait3A_50] : memref<320000xi32, #tpu.memory_space<hbm>> -> memref<10000xi32, #tpu.memory_space<hbm>>
      tpu.wait_dma2 semaphore(%arg14 : memref<!tpu.dma_semaphore, #tpu.memory_space<semaphore_mem>>) src(%dma_wait3A_51 : memref<10000xi32, #tpu.memory_space<hbm>>) dst(%arg10 : memref<10000xi32, #tpu.memory_space<vmem>>)
      %parallel_loop3A_52 = arith.constant 0 : i32
      %parallel_loop3A_53 = arith.constant 10000 : i32
      %parallel_loop3A_54 = arith.constant 16 : i32
      scf.for %parallel_loop3A_80 = %parallel_loop3A_52 to %parallel_loop3A_53 step %parallel_loop3A_54  : i32 {
        %parallel_loop3A_81 = arith.index_cast %parallel_loop3A_80 : i32 to index
        %parallel_loop3A_82 = tpu.vector_load %arg8[%parallel_loop3A_81] {strides = array<i32>} : memref<10000xi32, #tpu.memory_space<vmem>>, vector<16xi32>,
        %parallel_loop3A_83 = arith.index_cast %parallel_loop3A_80 : i32 to index
        %parallel_loop3A_84 = tpu.vector_load %arg10[%parallel_loop3A_83] {strides = array<i32>} : memref<10000xi32, #tpu.memory_space<vmem>>, vector<16xi32>,
        %parallel_loop3A_85 = arith.constant 0 : i32
        %parallel_loop3A_86 = vector.broadcast %parallel_loop3A_85 : i32 to vector<16xi32>
        %parallel_loop3A_87 = arith.addi %parallel_loop3A_82, %parallel_loop3A_86 : vector<16xi32>
        %parallel_loop3A_88 = tpu.vector_load_idx %arg6[%parallel_loop3A_87] : memref<40960xf32, #tpu.memory_space<vmem>>[vector<16xi32>], vector<16xf32>,
        %parallel_loop3A_89 = arith.constant 0 : i32
        %parallel_loop3A_90 = vector.broadcast %parallel_loop3A_89 : i32 to vector<16xi32>
        %parallel_loop3A_91 = arith.addi %parallel_loop3A_84, %parallel_loop3A_90 : vector<16xi32>
        tpu.vector_store_idx %arg7[%parallel_loop3A_91], %parallel_loop3A_88 {add = true} : memref<40960xf32, #tpu.memory_space<vmem>>[vector<16xi32>], vector<16xf32>,
        %parallel_loop3A_92 = arith.constant 10240 : i32
        %parallel_loop3A_93 = vector.broadcast %parallel_loop3A_92 : i32 to vector<16xi32>
        %parallel_loop3A_94 = arith.addi %parallel_loop3A_82, %parallel_loop3A_93 : vector<16xi32>
        %parallel_loop3A_95 = tpu.vector_load_idx %arg6[%parallel_loop3A_94] : memref<40960xf32, #tpu.memory_space<vmem>>[vector<16xi32>], vector<16xf32>,
        %parallel_loop3A_96 = arith.constant 10240 : i32
        %parallel_loop3A_97 = vector.broadcast %parallel_loop3A_96 : i32 to vector<16xi32>
        %parallel_loop3A_98 = arith.addi %parallel_loop3A_84, %parallel_loop3A_97 : vector<16xi32>
        tpu.vector_store_idx %arg7[%parallel_loop3A_98], %parallel_loop3A_95 {add = true} : memref<40960xf32, #tpu.memory_space<vmem>>[vector<16xi32>], vector<16xf32>,
        %parallel_loop3A_99 = arith.constant 20480 : i32
        %parallel_loop3A_100 = vector.broadcast %parallel_loop3A_99 : i32 to vector<16xi32>
        %parallel_loop3A_101 = arith.addi %parallel_loop3A_82, %parallel_loop3A_100 : vector<16xi32>
        %parallel_loop3A_102 = tpu.vector_load_idx %arg6[%parallel_loop3A_101] : memref<40960xf32, #tpu.memory_space<vmem>>[vector<16xi32>], vector<16xf32>,
        %parallel_loop3A_103 = arith.constant 20480 : i32
        %parallel_loop3A_104 = vector.broadcast %parallel_loop3A_103 : i32 to vector<16xi32>
        %parallel_loop3A_105 = arith.addi %parallel_loop3A_84, %parallel_loop3A_104 : vector<16xi32>
        tpu.vector_store_idx %arg7[%parallel_loop3A_105], %parallel_loop3A_102 {add = true} : memref<40960xf32, #tpu.memory_space<vmem>>[vector<16xi32>], vector<16xf32>,
        %parallel_loop3A_106 = arith.constant 30720 : i32
        %parallel_loop3A_107 = vector.broadcast %parallel_loop3A_106 : i32 to vector<16xi32>
        %parallel_loop3A_108 = arith.addi %parallel_loop3A_82, %parallel_loop3A_107 : vector<16xi32>
        %parallel_loop3A_109 = tpu.vector_load_idx %arg6[%parallel_loop3A_108] : memref<40960xf32, #tpu.memory_space<vmem>>[vector<16xi32>], vector<16xf32>,
        %parallel_loop3A_110 = arith.constant 30720 : i32
        %parallel_loop3A_111 = vector.broadcast %parallel_loop3A_110 : i32 to vector<16xi32>
        %parallel_loop3A_112 = arith.addi %parallel_loop3A_84, %parallel_loop3A_111 : vector<16xi32>
        tpu.vector_store_idx %arg7[%parallel_loop3A_112], %parallel_loop3A_109 {add = true} : memref<40960xf32, #tpu.memory_space<vmem>>[vector<16xi32>], vector<16xf32>,
      } {sc.loop_unroll_factor = 8 : i64, sc.parallel_access}
      %mul3A_55 = arith.constant 2 : i32
      %mul3A_56 = arith.muli %mul3A_55, %scan3A_30 : i32
      %add3A_57 = arith.constant 2 : i32
      %add3A_58 = arith.addi %mul3A_56, %add3A_57 : i32
      %min3A = arith.constant 30 : i32
      %min3A_59 = arith.minsi %add3A_58, %min3A : i32
      %mul3A_60 = arith.constant 10000 : i32
      %mul3A_61 = arith.muli %min3A_59, %mul3A_60 : i32
      %dma_start3A_62 = tpu.memref_slice %arg4[%mul3A_61] : memref<320000xi32, #tpu.memory_space<hbm>> -> memref<10000xi32, #tpu.memory_space<hbm>>
      %dma_start3A_63 = tpu.memref_slice %arg4[%mul3A_61] : memref<320000xi32, #tpu.memory_space<hbm>> -> memref<10000xi32, #tpu.memory_space<hbm>>
      tpu.enqueue_dma source(%dma_start3A_63 : memref<10000xi32, #tpu.memory_space<hbm>>) target(%arg8 : memref<10000xi32, #tpu.memory_space<vmem>>) target_semaphore(%arg12 : memref<!tpu.dma_semaphore, #tpu.memory_space<semaphore_mem>>)
      %mul3A_64 = arith.constant 10000 : i32
      %mul3A_65 = arith.muli %min3A_59, %mul3A_64 : i32
      %dma_start3A_66 = tpu.memref_slice %arg3[%mul3A_65] : memref<320000xi32, #tpu.memory_space<hbm>> -> memref<10000xi32, #tpu.memory_space<hbm>>
      %dma_start3A_67 = tpu.memref_slice %arg3[%mul3A_65] : memref<320000xi32, #tpu.memory_space<hbm>> -> memref<10000xi32, #tpu.memory_space<hbm>>
      tpu.enqueue_dma source(%dma_start3A_67 : memref<10000xi32, #tpu.memory_space<hbm>>) target(%arg10 : memref<10000xi32, #tpu.memory_space<vmem>>) target_semaphore(%arg14 : memref<!tpu.dma_semaphore, #tpu.memory_space<semaphore_mem>>)
      %dma_wait3A_68 = arith.constant 0 : i32
      %dma_wait3A_69 = tpu.memref_slice %arg4[%dma_wait3A_68] : memref<320000xi32, #tpu.memory_space<hbm>> -> memref<10000xi32, #tpu.memory_space<hbm>>
      %dma_wait3A_70 = arith.constant 0 : i32
      %dma_wait3A_71 = tpu.memref_slice %arg4[%dma_wait3A_70] : memref<320000xi32, #tpu.memory_space<hbm>> -> memref<10000xi32, #tpu.memory_space<hbm>>
      tpu.wait_dma2 semaphore(%arg13 : memref<!tpu.dma_semaphore, #tpu.memory_space<semaphore_mem>>) src(%dma_wait3A_71 : memref<10000xi32, #tpu.memory_space<hbm>>) dst(%arg9 : memref<10000xi32, #tpu.memory_space<vmem>>)
      %dma_wait3A_72 = arith.constant 0 : i32
      %dma_wait3A_73 = tpu.memref_slice %arg3[%dma_wait3A_72] : memref<320000xi32, #tpu.memory_space<hbm>> -> memref<10000xi32, #tpu.memory_space<hbm>>
      %dma_wait3A_74 = arith.constant 0 : i32
      %dma_wait3A_75 = tpu.memref_slice %arg3[%dma_wait3A_74] : memref<320000xi32, #tpu.memory_space<hbm>> -> memref<10000xi32, #tpu.memory_space<hbm>>
      tpu.wait_dma2 semaphore(%arg15 : memref<!tpu.dma_semaphore, #tpu.memory_space<semaphore_mem>>) src(%dma_wait3A_75 : memref<10000xi32, #tpu.memory_space<hbm>>) dst(%arg11 : memref<10000xi32, #tpu.memory_space<vmem>>)
      %parallel_loop3A_76 = arith.constant 0 : i32
      %parallel_loop3A_77 = arith.constant 10000 : i32
      %parallel_loop3A_78 = arith.constant 16 : i32
      scf.for %parallel_loop3A_80 = %parallel_loop3A_76 to %parallel_loop3A_77 step %parallel_loop3A_78  : i32 {
        %parallel_loop3A_81 = arith.index_cast %parallel_loop3A_80 : i32 to index
        %parallel_loop3A_82 = tpu.vector_load %arg9[%parallel_loop3A_81] {strides = array<i32>} : memref<10000xi32, #tpu.memory_space<vmem>>, vector<16xi32>,
        %parallel_loop3A_83 = arith.index_cast %parallel_loop3A_80 : i32 to index
        %parallel_loop3A_84 = tpu.vector_load %arg11[%parallel_loop3A_83] {strides = array<i32>} : memref<10000xi32, #tpu.memory_space<vmem>>, vector<16xi32>,
        %parallel_loop3A_85 = arith.constant 0 : i32
        %parallel_loop3A_86 = vector.broadcast %parallel_loop3A_85 : i32 to vector<16xi32>
        %parallel_loop3A_87 = arith.addi %parallel_loop3A_82, %parallel_loop3A_86 : vector<16xi32>
        %parallel_loop3A_88 = tpu.vector_load_idx %arg6[%parallel_loop3A_87] : memref<40960xf32, #tpu.memory_space<vmem>>[vector<16xi32>], vector<16xf32>,
        %parallel_loop3A_89 = arith.constant 0 : i32
        %parallel_loop3A_90 = vector.broadcast %parallel_loop3A_89 : i32 to vector<16xi32>
        %parallel_loop3A_91 = arith.addi %parallel_loop3A_84, %parallel_loop3A_90 : vector<16xi32>
        tpu.vector_store_idx %arg7[%parallel_loop3A_91], %parallel_loop3A_88 {add = true} : memref<40960xf32, #tpu.memory_space<vmem>>[vector<16xi32>], vector<16xf32>,
        %parallel_loop3A_92 = arith.constant 10240 : i32
        %parallel_loop3A_93 = vector.broadcast %parallel_loop3A_92 : i32 to vector<16xi32>
        %parallel_loop3A_94 = arith.addi %parallel_loop3A_82, %parallel_loop3A_93 : vector<16xi32>
        %parallel_loop3A_95 = tpu.vector_load_idx %arg6[%parallel_loop3A_94] : memref<40960xf32, #tpu.memory_space<vmem>>[vector<16xi32>], vector<16xf32>,
        %parallel_loop3A_96 = arith.constant 10240 : i32
        %parallel_loop3A_97 = vector.broadcast %parallel_loop3A_96 : i32 to vector<16xi32>
        %parallel_loop3A_98 = arith.addi %parallel_loop3A_84, %parallel_loop3A_97 : vector<16xi32>
        tpu.vector_store_idx %arg7[%parallel_loop3A_98], %parallel_loop3A_95 {add = true} : memref<40960xf32, #tpu.memory_space<vmem>>[vector<16xi32>], vector<16xf32>,
        %parallel_loop3A_99 = arith.constant 20480 : i32
        %parallel_loop3A_100 = vector.broadcast %parallel_loop3A_99 : i32 to vector<16xi32>
        %parallel_loop3A_101 = arith.addi %parallel_loop3A_82, %parallel_loop3A_100 : vector<16xi32>
        %parallel_loop3A_102 = tpu.vector_load_idx %arg6[%parallel_loop3A_101] : memref<40960xf32, #tpu.memory_space<vmem>>[vector<16xi32>], vector<16xf32>,
        %parallel_loop3A_103 = arith.constant 20480 : i32
        %parallel_loop3A_104 = vector.broadcast %parallel_loop3A_103 : i32 to vector<16xi32>
        %parallel_loop3A_105 = arith.addi %parallel_loop3A_84, %parallel_loop3A_104 : vector<16xi32>
        tpu.vector_store_idx %arg7[%parallel_loop3A_105], %parallel_loop3A_102 {add = true} : memref<40960xf32, #tpu.memory_space<vmem>>[vector<16xi32>], vector<16xf32>,
        %parallel_loop3A_106 = arith.constant 30720 : i32
        %parallel_loop3A_107 = vector.broadcast %parallel_loop3A_106 : i32 to vector<16xi32>
        %parallel_loop3A_108 = arith.addi %parallel_loop3A_82, %parallel_loop3A_107 : vector<16xi32>
        %parallel_loop3A_109 = tpu.vector_load_idx %arg6[%parallel_loop3A_108] : memref<40960xf32, #tpu.memory_space<vmem>>[vector<16xi32>], vector<16xf32>,
        %parallel_loop3A_110 = arith.constant 30720 : i32
        %parallel_loop3A_111 = vector.broadcast %parallel_loop3A_110 : i32 to vector<16xi32>
        %parallel_loop3A_112 = arith.addi %parallel_loop3A_84, %parallel_loop3A_111 : vector<16xi32>
        tpu.vector_store_idx %arg7[%parallel_loop3A_112], %parallel_loop3A_109 {add = true} : memref<40960xf32, #tpu.memory_space<vmem>>[vector<16xi32>], vector<16xf32>,
      } {sc.loop_unroll_factor = 8 : i64, sc.parallel_access}
      %scan3A_79 = arith.constant 0 : i32
      scf.yield %scan3A_79 : i32
    }
    %scan3A_21 = arith.constant 16 : i32
    %dma_wait3A_22 = arith.constant 0 : i32
    %dma_wait3A_23 = tpu.memref_slice %arg4[%dma_wait3A_22] : memref<320000xi32, #tpu.memory_space<hbm>> -> memref<10000xi32, #tpu.memory_space<hbm>>
    %dma_wait3A_24 = arith.constant 0 : i32
    %dma_wait3A_25 = tpu.memref_slice %arg4[%dma_wait3A_24] : memref<320000xi32, #tpu.memory_space<hbm>> -> memref<10000xi32, #tpu.memory_space<hbm>>
    tpu.wait_dma2 semaphore(%arg12 : memref<!tpu.dma_semaphore, #tpu.memory_space<semaphore_mem>>) src(%dma_wait3A_25 : memref<10000xi32, #tpu.memory_space<hbm>>) dst(%arg8 : memref<10000xi32, #tpu.memory_space<vmem>>)
    %dma_wait3A_26 = arith.constant 0 : i32
    %dma_wait3A_27 = tpu.memref_slice %arg3[%dma_wait3A_26] : memref<320000xi32, #tpu.memory_space<hbm>> -> memref<10000xi32, #tpu.memory_space<hbm>>
    %dma_wait3A_28 = arith.constant 0 : i32
    %dma_wait3A_29 = tpu.memref_slice %arg3[%dma_wait3A_28] : memref<320000xi32, #tpu.memory_space<hbm>> -> memref<10000xi32, #tpu.memory_space<hbm>>
    tpu.wait_dma2 semaphore(%arg14 : memref<!tpu.dma_semaphore, #tpu.memory_space<semaphore_mem>>) src(%dma_wait3A_29 : memref<10000xi32, #tpu.memory_space<hbm>>) dst(%arg10 : memref<10000xi32, #tpu.memory_space<vmem>>)
    "tpu.region"() ({
      %run_scoped3A = tpu.sem_alloc : memref<!tpu.dma_semaphore, #tpu.memory_space<semaphore_mem>>
      %dma_start3A_30 = tpu.memref_slice %arg5[%mul3A_2] : memref<1310720xf32, #tpu.memory_space<hbm>> -> memref<40960xf32, #tpu.memory_space<hbm>>
      %dma_start3A_31 = tpu.memref_slice %arg5[%mul3A_2] : memref<1310720xf32, #tpu.memory_space<hbm>> -> memref<40960xf32, #tpu.memory_space<hbm>>
      tpu.enqueue_dma source(%arg7 : memref<40960xf32, #tpu.memory_space<vmem>>) target(%dma_start3A_31 : memref<40960xf32, #tpu.memory_space<hbm>>) target_semaphore(%run_scoped3A : memref<!tpu.dma_semaphore, #tpu.memory_space<semaphore_mem>>)
      %dma_wait3A_32 = tpu.memref_slice %arg5[%mul3A_2] : memref<1310720xf32, #tpu.memory_space<hbm>> -> memref<40960xf32, #tpu.memory_space<hbm>>
      %dma_wait3A_33 = tpu.memref_slice %arg5[%mul3A_2] : memref<1310720xf32, #tpu.memory_space<hbm>> -> memref<40960xf32, #tpu.memory_space<hbm>>
      tpu.wait_dma2 semaphore(%run_scoped3A : memref<!tpu.dma_semaphore, #tpu.memory_space<semaphore_mem>>) src(%arg7 : memref<40960xf32, #tpu.memory_space<vmem>>) dst(%dma_wait3A_33 : memref<40960xf32, #tpu.memory_space<hbm>>)
      tpu.yield
    }) : () -> ()
    return
  }
}

module attributes {stable_mosaic.version = 14 : i64} {
  func.func @_in_proj_body(%arg0: i32, %arg1: memref<2048x128xf32, #tpu.memory_space<vmem>>, %arg2: memref<128x128xf32, #tpu.memory_space<vmem>>, %arg3: memref<128x2048xf32, #tpu.memory_space<vmem>>) attributes {dimension_semantics = [#tpu.dimension_semantics<arbitrary>], iteration_bounds = array<i64: 5>, scalar_prefetch = 0 : i64, scratch_operands = 0 : i64, tpu.core_type = #tpu.core_type<tc>, window_params = [{transform_indices = @transform_0, window_bounds = array<i64: 2048, 128>}, {pipeline_mode = #tpu.pipeline_mode<synchronous>, transform_indices = @transform_1, window_bounds = array<i64: 128, 128>}, {transform_indices = @transform_2, window_bounds = array<i64: 128, 2048>}]} {
    %get3A = arith.constant 0 : index
    %get3A_0 = arith.constant 0 : index
    %get3A_1 = vector.load %arg2[%get3A, %get3A_0] : memref<128x128xf32, #tpu.memory_space<vmem>>, vector<128x128xf32>
    %get3A_2 = arith.constant 0 : index
    %get3A_3 = arith.constant 0 : index
    %get3A_4 = vector.load %arg1[%get3A_2, %get3A_3] : memref<2048x128xf32, #tpu.memory_space<vmem>>, vector<2048x128xf32>
    %dot_general3A = arith.constant dense<0.000000e+00> : vector<128x2048xf32>
    %dot_general3A_5 = tpu.matmul %get3A_1, %get3A_4, %dot_general3A {dimension_numbers = #tpu.dot_dimension_numbers<[1], [1], [0], [0], [0, 0, 1, 0], [], []>, transpose_lhs_hint = false} : vector<128x128xf32>, vector<2048x128xf32>, vector<128x2048xf32> -> vector<128x2048xf32>
    %swap3A = arith.constant 0 : index
    %swap3A_6 = arith.constant 0 : index
    %swap3A_7 = vector.load %arg3[%swap3A, %swap3A_6] : memref<128x2048xf32, #tpu.memory_space<vmem>>, vector<128x2048xf32>
    tpu.vector_store %arg3[%swap3A, %swap3A_6], %dot_general3A_5 {strides = array<i32>} : memref<128x2048xf32, #tpu.memory_space<vmem>>, vector<128x2048xf32>,
    return
  }
  func.func @transform_0(%arg0: i32) -> (i32, i32) {
    %c0_i32 = arith.constant 0 : i32
    %c0_i32_0 = arith.constant 0 : i32
    return %arg0, %c0_i32 : i32, i32
  }
  func.func @transform_1(%arg0: i32) -> (i32, i32) {
    %c0_i32 = arith.constant 0 : i32
    %c0_i32_0 = arith.constant 0 : i32
    %c0_i32_1 = arith.constant 0 : i32
    return %c0_i32, %c0_i32_0 : i32, i32
  }
  func.func @transform_2(%arg0: i32) -> (i32, i32) {
    %c0_i32 = arith.constant 0 : i32
    %c0_i32_0 = arith.constant 0 : i32
    return %c0_i32, %arg0 : i32, i32
  }
}

module attributes {stable_mosaic.version = 14 : i64} {
  func.func @_head_body(%arg0: i32, %arg1: memref<128x2048xf32, #tpu.memory_space<vmem>>, %arg2: memref<16x128xf32, #tpu.memory_space<vmem>>, %arg3: memref<2048x16xf32, #tpu.memory_space<vmem>>) attributes {dimension_semantics = [#tpu.dimension_semantics<arbitrary>], iteration_bounds = array<i64: 5>, scalar_prefetch = 0 : i64, scratch_operands = 0 : i64, tpu.core_type = #tpu.core_type<tc>, window_params = [{transform_indices = @transform_0, window_bounds = array<i64: 128, 2048>}, {pipeline_mode = #tpu.pipeline_mode<synchronous>, transform_indices = @transform_1, window_bounds = array<i64: 16, 128>}, {transform_indices = @transform_2, window_bounds = array<i64: 2048, 16>}]} {
    %get3A = arith.constant 0 : index
    %get3A_0 = arith.constant 0 : index
    %get3A_1 = vector.load %arg2[%get3A, %get3A_0] : memref<16x128xf32, #tpu.memory_space<vmem>>, vector<16x128xf32>
    %get3A_2 = arith.constant 0 : index
    %get3A_3 = arith.constant 0 : index
    %get3A_4 = vector.load %arg1[%get3A_2, %get3A_3] : memref<128x2048xf32, #tpu.memory_space<vmem>>, vector<128x2048xf32>
    %dot_general3A = arith.constant dense<0.000000e+00> : vector<16x2048xf32>
    %dot_general3A_5 = tpu.matmul %get3A_1, %get3A_4, %dot_general3A {dimension_numbers = #tpu.dot_dimension_numbers<[1], [0], [0], [1], [0, 0, 1, 1], [], []>, transpose_lhs_hint = false} : vector<16x128xf32>, vector<128x2048xf32>, vector<16x2048xf32> -> vector<16x2048xf32>
    %reduce_max3A = arith.constant dense<0xFF800000> : vector<2048xf32>
    %reduce_max3A_6 = vector.multi_reduction <maximumf>, %dot_general3A_5, %reduce_max3A [0] : vector<16x2048xf32> to vector<2048xf32>
    %broadcast_in_dim3A = vector.shape_cast %reduce_max3A_6 : vector<2048xf32> to vector<1x2048xf32>
    %sub3A = vector.broadcast %broadcast_in_dim3A : vector<1x2048xf32> to vector<16x2048xf32>
    %sub3A_7 = arith.subf %dot_general3A_5, %sub3A : vector<16x2048xf32>
    %exp3A = math.exp %sub3A_7 : vector<16x2048xf32>
    %reduce_sum3A = arith.constant dense<0.000000e+00> : vector<2048xf32>
    %reduce_sum3A_8 = vector.multi_reduction <add>, %exp3A, %reduce_sum3A [0] : vector<16x2048xf32> to vector<2048xf32>
    %broadcast_in_dim3A_9 = vector.shape_cast %reduce_sum3A_8 : vector<2048xf32> to vector<1x2048xf32>
    %log3A = math.log %broadcast_in_dim3A_9 : vector<1x2048xf32>
    %add3A = arith.addf %log3A, %broadcast_in_dim3A : vector<1x2048xf32>
    %sub3A_10 = vector.broadcast %add3A : vector<1x2048xf32> to vector<16x2048xf32>
    %sub3A_11 = arith.subf %dot_general3A_5, %sub3A_10 : vector<16x2048xf32>
    %transpose3A = tpu.transpose %sub3A_11, [1, 0] : vector<16x2048xf32> -> vector<2048x16xf32>
    %swap3A = arith.constant 0 : index
    %swap3A_12 = arith.constant 0 : index
    %swap3A_13 = vector.load %arg3[%swap3A, %swap3A_12] : memref<2048x16xf32, #tpu.memory_space<vmem>>, vector<2048x16xf32>
    tpu.vector_store %arg3[%swap3A, %swap3A_12], %transpose3A {strides = array<i32>} : memref<2048x16xf32, #tpu.memory_space<vmem>>, vector<2048x16xf32>,
    return
  }
  func.func @transform_0(%arg0: i32) -> (i32, i32) {
    %c0_i32 = arith.constant 0 : i32
    %c0_i32_0 = arith.constant 0 : i32
    return %c0_i32, %arg0 : i32, i32
  }
  func.func @transform_1(%arg0: i32) -> (i32, i32) {
    %c0_i32 = arith.constant 0 : i32
    %c0_i32_0 = arith.constant 0 : i32
    %c0_i32_1 = arith.constant 0 : i32
    return %c0_i32, %c0_i32_0 : i32, i32
  }
  func.func @transform_2(%arg0: i32) -> (i32, i32) {
    %c0_i32 = arith.constant 0 : i32
    %c0_i32_0 = arith.constant 0 : i32
    return %arg0, %c0_i32 : i32, i32
  }
}

module attributes {stable_mosaic.version = 14 : i64} {
  func.func @_kan_body(%arg0: i32, %arg1: memref<128x2048xf32, #tpu.memory_space<vmem>>, %arg2: memref<5x128x128xf32, #tpu.memory_space<vmem>>, %arg3: memref<5x128x128xf32, #tpu.memory_space<vmem>>, %arg4: memref<128x2048xf32, #tpu.memory_space<vmem>>) attributes {dimension_semantics = [#tpu.dimension_semantics<arbitrary>], iteration_bounds = array<i64: 5>, scalar_prefetch = 0 : i64, scratch_operands = 0 : i64, tpu.core_type = #tpu.core_type<tc>, window_params = [{transform_indices = @transform_0, window_bounds = array<i64: 128, 2048>}, {pipeline_mode = #tpu.pipeline_mode<synchronous>, transform_indices = @transform_1, window_bounds = array<i64: 5, 128, 128>}, {pipeline_mode = #tpu.pipeline_mode<synchronous>, transform_indices = @transform_2, window_bounds = array<i64: 5, 128, 128>}, {transform_indices = @transform_3, window_bounds = array<i64: 128, 2048>}]} {
    %get3A = arith.constant 0 : index
    %get3A_0 = arith.constant 0 : index
    %get3A_1 = vector.load %arg1[%get3A, %get3A_0] : memref<128x2048xf32, #tpu.memory_space<vmem>>, vector<128x2048xf32>
    %cos3A = math.cos %get3A_1 : vector<128x2048xf32>
    %sin3A = math.sin %get3A_1 : vector<128x2048xf32>
    %mul3A = arith.constant 2.000000e+00 : f32
    %mul3A_2 = vector.broadcast %mul3A : f32 to vector<128x2048xf32>
    %mul3A_3 = arith.mulf %mul3A_2, %cos3A : vector<128x2048xf32>
    %broadcast_in_dim3A = arith.constant 1.000000e+00 : f32
    %broadcast_in_dim3A_4 = vector.broadcast %broadcast_in_dim3A : f32 to vector<128x2048xf32>
    %broadcast_in_dim3A_5 = arith.constant 0.000000e+00 : f32
    %broadcast_in_dim3A_6 = vector.broadcast %broadcast_in_dim3A_5 : f32 to vector<128x2048xf32>
    %get3A_7 = arith.constant 0 : index
    %get3A_8 = arith.constant 0 : index
    %get3A_9 = arith.constant 0 : index
    %get3A_10 = vector.load %arg2[%get3A_7, %get3A_8, %get3A_9] : memref<5x128x128xf32, #tpu.memory_space<vmem>>, vector<1x128x128xf32>
    %get3A_11 = vector.shape_cast %get3A_10 : vector<1x128x128xf32> to vector<128x128xf32>
    %dot_general3A = arith.constant dense<0.000000e+00> : vector<128x2048xf32>
    %dot_general3A_12 = tpu.matmul %get3A_11, %cos3A, %dot_general3A {dimension_numbers = #tpu.dot_dimension_numbers<[1], [0], [0], [1], [0, 0, 1, 1], [], []>, transpose_lhs_hint = false} : vector<128x128xf32>, vector<128x2048xf32>, vector<128x2048xf32> -> vector<128x2048xf32>
    %get3A_13 = arith.constant 0 : index
    %get3A_14 = arith.constant 0 : index
    %get3A_15 = arith.constant 0 : index
    %get3A_16 = vector.load %arg3[%get3A_13, %get3A_14, %get3A_15] : memref<5x128x128xf32, #tpu.memory_space<vmem>>, vector<1x128x128xf32>
    %get3A_17 = vector.shape_cast %get3A_16 : vector<1x128x128xf32> to vector<128x128xf32>
    %dot_general3A_18 = arith.constant dense<0.000000e+00> : vector<128x2048xf32>
    %dot_general3A_19 = tpu.matmul %get3A_17, %sin3A, %dot_general3A_18 {dimension_numbers = #tpu.dot_dimension_numbers<[1], [0], [0], [1], [0, 0, 1, 1], [], []>, transpose_lhs_hint = false} : vector<128x128xf32>, vector<128x2048xf32>, vector<128x2048xf32> -> vector<128x2048xf32>
    %add3A = arith.addf %dot_general3A_12, %dot_general3A_19 : vector<128x2048xf32>
    %mul3A_20 = arith.mulf %mul3A_3, %cos3A : vector<128x2048xf32>
    %sub3A = arith.subf %mul3A_20, %broadcast_in_dim3A_4 : vector<128x2048xf32>
    %mul3A_21 = arith.mulf %mul3A_3, %sin3A : vector<128x2048xf32>
    %sub3A_22 = arith.subf %mul3A_21, %broadcast_in_dim3A_6 : vector<128x2048xf32>
    %get3A_23 = arith.constant 1 : index
    %get3A_24 = arith.constant 0 : index
    %get3A_25 = arith.constant 0 : index
    %get3A_26 = vector.load %arg2[%get3A_23, %get3A_24, %get3A_25] : memref<5x128x128xf32, #tpu.memory_space<vmem>>, vector<1x128x128xf32>
    %get3A_27 = vector.shape_cast %get3A_26 : vector<1x128x128xf32> to vector<128x128xf32>
    %dot_general3A_28 = arith.constant dense<0.000000e+00> : vector<128x2048xf32>
    %dot_general3A_29 = tpu.matmul %get3A_27, %sub3A, %dot_general3A_28 {dimension_numbers = #tpu.dot_dimension_numbers<[1], [0], [0], [1], [0, 0, 1, 1], [], []>, transpose_lhs_hint = false} : vector<128x128xf32>, vector<128x2048xf32>, vector<128x2048xf32> -> vector<128x2048xf32>
    %get3A_30 = arith.constant 1 : index
    %get3A_31 = arith.constant 0 : index
    %get3A_32 = arith.constant 0 : index
    %get3A_33 = vector.load %arg3[%get3A_30, %get3A_31, %get3A_32] : memref<5x128x128xf32, #tpu.memory_space<vmem>>, vector<1x128x128xf32>
    %get3A_34 = vector.shape_cast %get3A_33 : vector<1x128x128xf32> to vector<128x128xf32>
    %dot_general3A_35 = arith.constant dense<0.000000e+00> : vector<128x2048xf32>
    %dot_general3A_36 = tpu.matmul %get3A_34, %sub3A_22, %dot_general3A_35 {dimension_numbers = #tpu.dot_dimension_numbers<[1], [0], [0], [1], [0, 0, 1, 1], [], []>, transpose_lhs_hint = false} : vector<128x128xf32>, vector<128x2048xf32>, vector<128x2048xf32> -> vector<128x2048xf32>
    %add3A_37 = arith.addf %dot_general3A_29, %dot_general3A_36 : vector<128x2048xf32>
    %add3A_38 = arith.addf %add3A, %add3A_37 : vector<128x2048xf32>
    %mul3A_39 = arith.mulf %mul3A_3, %sub3A : vector<128x2048xf32>
    %sub3A_40 = arith.subf %mul3A_39, %cos3A : vector<128x2048xf32>
    %mul3A_41 = arith.mulf %mul3A_3, %sub3A_22 : vector<128x2048xf32>
    %sub3A_42 = arith.subf %mul3A_41, %sin3A : vector<128x2048xf32>
    %get3A_43 = arith.constant 2 : index
    %get3A_44 = arith.constant 0 : index
    %get3A_45 = arith.constant 0 : index
    %get3A_46 = vector.load %arg2[%get3A_43, %get3A_44, %get3A_45] : memref<5x128x128xf32, #tpu.memory_space<vmem>>, vector<1x128x128xf32>
    %get3A_47 = vector.shape_cast %get3A_46 : vector<1x128x128xf32> to vector<128x128xf32>
    %dot_general3A_48 = arith.constant dense<0.000000e+00> : vector<128x2048xf32>
    %dot_general3A_49 = tpu.matmul %get3A_47, %sub3A_40, %dot_general3A_48 {dimension_numbers = #tpu.dot_dimension_numbers<[1], [0], [0], [1], [0, 0, 1, 1], [], []>, transpose_lhs_hint = false} : vector<128x128xf32>, vector<128x2048xf32>, vector<128x2048xf32> -> vector<128x2048xf32>
    %get3A_50 = arith.constant 2 : index
    %get3A_51 = arith.constant 0 : index
    %get3A_52 = arith.constant 0 : index
    %get3A_53 = vector.load %arg3[%get3A_50, %get3A_51, %get3A_52] : memref<5x128x128xf32, #tpu.memory_space<vmem>>, vector<1x128x128xf32>
    %get3A_54 = vector.shape_cast %get3A_53 : vector<1x128x128xf32> to vector<128x128xf32>
    %dot_general3A_55 = arith.constant dense<0.000000e+00> : vector<128x2048xf32>
    %dot_general3A_56 = tpu.matmul %get3A_54, %sub3A_42, %dot_general3A_55 {dimension_numbers = #tpu.dot_dimension_numbers<[1], [0], [0], [1], [0, 0, 1, 1], [], []>, transpose_lhs_hint = false} : vector<128x128xf32>, vector<128x2048xf32>, vector<128x2048xf32> -> vector<128x2048xf32>
    %add3A_57 = arith.addf %dot_general3A_49, %dot_general3A_56 : vector<128x2048xf32>
    %add3A_58 = arith.addf %add3A_38, %add3A_57 : vector<128x2048xf32>
    %mul3A_59 = arith.mulf %mul3A_3, %sub3A_40 : vector<128x2048xf32>
    %sub3A_60 = arith.subf %mul3A_59, %sub3A : vector<128x2048xf32>
    %mul3A_61 = arith.mulf %mul3A_3, %sub3A_42 : vector<128x2048xf32>
    %sub3A_62 = arith.subf %mul3A_61, %sub3A_22 : vector<128x2048xf32>
    %get3A_63 = arith.constant 3 : index
    %get3A_64 = arith.constant 0 : index
    %get3A_65 = arith.constant 0 : index
    %get3A_66 = vector.load %arg2[%get3A_63, %get3A_64, %get3A_65] : memref<5x128x128xf32, #tpu.memory_space<vmem>>, vector<1x128x128xf32>
    %get3A_67 = vector.shape_cast %get3A_66 : vector<1x128x128xf32> to vector<128x128xf32>
    %dot_general3A_68 = arith.constant dense<0.000000e+00> : vector<128x2048xf32>
    %dot_general3A_69 = tpu.matmul %get3A_67, %sub3A_60, %dot_general3A_68 {dimension_numbers = #tpu.dot_dimension_numbers<[1], [0], [0], [1], [0, 0, 1, 1], [], []>, transpose_lhs_hint = false} : vector<128x128xf32>, vector<128x2048xf32>, vector<128x2048xf32> -> vector<128x2048xf32>
    %get3A_70 = arith.constant 3 : index
    %get3A_71 = arith.constant 0 : index
    %get3A_72 = arith.constant 0 : index
    %get3A_73 = vector.load %arg3[%get3A_70, %get3A_71, %get3A_72] : memref<5x128x128xf32, #tpu.memory_space<vmem>>, vector<1x128x128xf32>
    %get3A_74 = vector.shape_cast %get3A_73 : vector<1x128x128xf32> to vector<128x128xf32>
    %dot_general3A_75 = arith.constant dense<0.000000e+00> : vector<128x2048xf32>
    %dot_general3A_76 = tpu.matmul %get3A_74, %sub3A_62, %dot_general3A_75 {dimension_numbers = #tpu.dot_dimension_numbers<[1], [0], [0], [1], [0, 0, 1, 1], [], []>, transpose_lhs_hint = false} : vector<128x128xf32>, vector<128x2048xf32>, vector<128x2048xf32> -> vector<128x2048xf32>
    %add3A_77 = arith.addf %dot_general3A_69, %dot_general3A_76 : vector<128x2048xf32>
    %add3A_78 = arith.addf %add3A_58, %add3A_77 : vector<128x2048xf32>
    %mul3A_79 = arith.mulf %mul3A_3, %sub3A_60 : vector<128x2048xf32>
    %sub3A_80 = arith.subf %mul3A_79, %sub3A_40 : vector<128x2048xf32>
    %mul3A_81 = arith.mulf %mul3A_3, %sub3A_62 : vector<128x2048xf32>
    %sub3A_82 = arith.subf %mul3A_81, %sub3A_42 : vector<128x2048xf32>
    %get3A_83 = arith.constant 4 : index
    %get3A_84 = arith.constant 0 : index
    %get3A_85 = arith.constant 0 : index
    %get3A_86 = vector.load %arg2[%get3A_83, %get3A_84, %get3A_85] : memref<5x128x128xf32, #tpu.memory_space<vmem>>, vector<1x128x128xf32>
    %get3A_87 = vector.shape_cast %get3A_86 : vector<1x128x128xf32> to vector<128x128xf32>
    %dot_general3A_88 = arith.constant dense<0.000000e+00> : vector<128x2048xf32>
    %dot_general3A_89 = tpu.matmul %get3A_87, %sub3A_80, %dot_general3A_88 {dimension_numbers = #tpu.dot_dimension_numbers<[1], [0], [0], [1], [0, 0, 1, 1], [], []>, transpose_lhs_hint = false} : vector<128x128xf32>, vector<128x2048xf32>, vector<128x2048xf32> -> vector<128x2048xf32>
    %get3A_90 = arith.constant 4 : index
    %get3A_91 = arith.constant 0 : index
    %get3A_92 = arith.constant 0 : index
    %get3A_93 = vector.load %arg3[%get3A_90, %get3A_91, %get3A_92] : memref<5x128x128xf32, #tpu.memory_space<vmem>>, vector<1x128x128xf32>
    %get3A_94 = vector.shape_cast %get3A_93 : vector<1x128x128xf32> to vector<128x128xf32>
    %dot_general3A_95 = arith.constant dense<0.000000e+00> : vector<128x2048xf32>
    %dot_general3A_96 = tpu.matmul %get3A_94, %sub3A_82, %dot_general3A_95 {dimension_numbers = #tpu.dot_dimension_numbers<[1], [0], [0], [1], [0, 0, 1, 1], [], []>, transpose_lhs_hint = false} : vector<128x128xf32>, vector<128x2048xf32>, vector<128x2048xf32> -> vector<128x2048xf32>
    %add3A_97 = arith.addf %dot_general3A_89, %dot_general3A_96 : vector<128x2048xf32>
    %add3A_98 = arith.addf %add3A_78, %add3A_97 : vector<128x2048xf32>
    %swap3A = arith.constant 0 : index
    %swap3A_99 = arith.constant 0 : index
    %swap3A_100 = vector.load %arg4[%swap3A, %swap3A_99] : memref<128x2048xf32, #tpu.memory_space<vmem>>, vector<128x2048xf32>
    tpu.vector_store %arg4[%swap3A, %swap3A_99], %add3A_98 {strides = array<i32>} : memref<128x2048xf32, #tpu.memory_space<vmem>>, vector<128x2048xf32>,
    return
  }
  func.func @transform_0(%arg0: i32) -> (i32, i32) {
    %c0_i32 = arith.constant 0 : i32
    %c0_i32_0 = arith.constant 0 : i32
    return %c0_i32, %arg0 : i32, i32
  }
  func.func @transform_1(%arg0: i32) -> (i32, i32, i32) {
    %c0_i32 = arith.constant 0 : i32
    %c0_i32_0 = arith.constant 0 : i32
    %c0_i32_1 = arith.constant 0 : i32
    %c0_i32_2 = arith.constant 0 : i32
    return %c0_i32, %c0_i32_0, %c0_i32_1 : i32, i32, i32
  }
  func.func @transform_2(%arg0: i32) -> (i32, i32, i32) {
    %c0_i32 = arith.constant 0 : i32
    %c0_i32_0 = arith.constant 0 : i32
    %c0_i32_1 = arith.constant 0 : i32
    %c0_i32_2 = arith.constant 0 : i32
    return %c0_i32, %c0_i32_0, %c0_i32_1 : i32, i32, i32
  }
  func.func @transform_3(%arg0: i32) -> (i32, i32) {
    %c0_i32 = arith.constant 0 : i32
    %c0_i32_0 = arith.constant 0 : i32
    return %c0_i32, %arg0 : i32, i32
  }
}

</mosaic_0001>

<sc_bundles>
// kernel: kernel.12.cloned.1.call-start
scs
__scs_entry_jumppad:
0x0: {  	(pc) =	sbr.rel $0x88, $3  }
0x1: {  	(tag) =	ssettag $0x0;
	lr =	simm.s32 $0x1  }
0x2: {  	[smem:$0x3F9B] =	sst lr;
	_ =	strace $0xD0000000  }
0x3: {  	_ = 	snop  }
0x4: {  	_ = 	snop  }
0x5: {  	_ = 	snop  }
0x6: {  	_ = 	snop  }
0x7: {  	_ = 	snop  }
__scs_overlays_trampoline_lowered:
0x8: {  	[smem:$0x3FAA] =	sst s0  }
0x9: {  	[smem:$0x3FAB] =	sst s1  }
0xa: {  	[smem:$0x3FAC] =	sst s2  }
0xb: {  	[smem:$0x3FAD] =	sst s3  }
0xc: {  	[smem:$0x3FAE] =	sst s4  }
0xd: {  	[smem:$0x3FAF] =	sst s5  }
0xe: {  	[smem:$0x3FB0] =	sst s6  }
0xf: {  	[smem:$0x3FB1] =	sst s7  }
0x10: {  	[smem:$0x3FB2] =	sst s8  }
0x11: {  	[smem:$0x3FB3] =	sst s9;
	s0 =	simm.s32 @!p0 $0x0  }
0x12: {  	s1 =	sld [smem:$0x3F99];
	s0 =	simm.s32 @p0 $0x1  }
0x13: {  	[smem:$0x3FB4] =	sst s0;
	s0 =	simm.s32 @!p1 $0x0  }
0x14: {  	s2 =	sld [smem:$0x3F98];
	s0 =	simm.s32 @p1 $0x1  }
0x15: {  	[smem:$0x3FB5] =	sst s0;
	s0 =	simm.s32 @!p2 $0x0  }
0x16: {  	s3 =	sld [smem:$0x3FDB];
	s0 =	simm.s32 @p2 $0x1  }
0x17: {  	s4 =	simm.s32 $0x1BF5;
	[smem:$0x3FB7] =	sst s0  }
0x18: {  	s0 =	sld [smem:$0x3F9A];
	_ =	swait.ge [sflag:s4], $0x0  }
0x19: {  	s7 =	sld [smem:$0x3F9B]  }
0x1a: {  	s8 =	sadd.s32 $0xFFFFE003, lr  }
0x1b: {  	s9 =	sadd.s32 $0xFFFFFEF7, lr;
	s5 =	simm.s32 $0xFFFFFFFF;
	p2 =	slt.u32 s8, $0xFFFFF086  }
0x1c: {  	p1 =	slt.u32 s9, $0xF7A;
	s5 =	simm.s32 @!p2 $0x0  }
0x1d: {  	s5 =	simm.s32 @p1 $0x1;
	p0 =	seq.s32 s7, s2  }
0x1e: {  	s7 =	smul.u32 @!p0 $0xF7A, s2;
	p2 =	seq.s32 @!p0 s5, $0x0  }
0x1f: {  	s9 =	smul.u32 $0xF7A, s1;
	s8 =	simm.s32 @!p0 $0x1BF5;
	p2 =	por !p2, p0  }
0x20: {  	[sflag:s8] =	ssyncset.s32 @!p0 $0xFFFFF086;
	s6 =	sadd.s32 @!p0 s3, s7;
	s7 =	simm.s32 @!p0 $0x108  }
0x21: {  	s3 =	sadd.s32 s3, s9;
	s6 =	sadd.s32 @!p0 $0x88, s6;
	s7 =	simm.s32 @p2 $0x1082  }
0x22: {  	[simem:s7], [sflag:s8] =	dma.local @!p0 [hbm:s6], $0xF7A  }
0x23: {  	s9 =	sor.u32 $0xD0000000, s2;
	s6 =	simm.s32 $0x108;
	_ =	swait.ge @!p0 [sflag:s8], $0x0  }
0x24: {  	s3 =	sadd.s32 $0x88, s3;
	s6 =	simm.s32 @!p1 $0x1082;
	[sflag:s4] =	ssyncset.s32 $0xFFFFF086  }
0x25: {  	[simem:s6], [sflag:s4] =	dma.local [hbm:s3], $0xF7A  }
0x26: {  	[smem:$0x3F9B] =	sst s1;
	(tag) =	ssettag s2;
	_ =	strace s9  }
0x27: {  	s1 =	sld [smem:$0x3FAB]  }
0x28: {  	s2 =	sld [smem:$0x3FAC]  }
0x29: {  	s4 =	sld [smem:$0x3FAE]  }
0x2a: {  	p0 =	seq.s32 s5, $0x0;
	s5 =	sld [smem:$0x3FAF]  }
0x2b: {  	s6 =	sld [smem:$0x3FB0]  }
0x2c: {  	s7 =	sld [smem:$0x3FB1]  }
0x2d: {  	s3 =	simm.s32 $0x108;
	s8 =	sld [smem:$0x3FB2]  }
0x2e: {  	s3 =	simm.s32 @!p0 $0x1082;
	s9 =	sld [smem:$0x3FB3]  }
0x2f: {  	lr =	sadd.s32 s0, s3;
	s0 =	sld [smem:$0x3FAA]  }
0x30: {  	s3 =	sld [smem:$0x3FAD]  }
0x31: {  	[smem:$0x3FB6] =	sst s10  }
0x32: {  	s10 =	sld [smem:$0x3FB4];
	_ =	sdelay $0x3  }
0x33: {  	p0 =	seq.s32 s10, $0x1;
	s10 =	sld [smem:$0x3FB6];
	_ =	sdelay $0x3  }
0x34: {  	[smem:$0x3FB6] =	sst s10  }
0x35: {  	s10 =	sld [smem:$0x3FB5];
	_ =	sdelay $0x3  }
0x36: {  	p1 =	seq.s32 s10, $0x1;
	s10 =	sld [smem:$0x3FB6];
	_ =	sdelay $0x3  }
0x37: {  	[smem:$0x3FB6] =	sst s10  }
0x38: {  	s10 =	sld [smem:$0x3FB7]  }
0x39: {  	_ = 	snop;
	(pc) =	sbr.ind lr, $3  }
0x3a: {  	_ = 	snop  }
0x3b: {  	_ = 	snop  }
0x3c: {  	p2 =	seq.s32 s10, $0x1;
	s10 =	sld [smem:$0x3FB6]  }
0x3d: {  	_ =	shalt  }
0x3e: {  	_ =	shalt  }
0x3f: {  	_ =	shalt  }
0x40: {  	_ =	shalt  }
0x41: {  	_ =	shalt  }
0x42: {  	_ =	shalt  }
0x43: {  	_ =	shalt  }
0x44: {  	_ =	shalt  }
0x45: {  	_ =	shalt  }
0x46: {  	_ =	shalt  }
0x47: {  	_ =	shalt  }
0x48: {  	_ =	shalt  }
0x49: {  	_ =	shalt  }
0x4a: {  	_ =	shalt  }
0x4b: {  	_ =	shalt  }
0x4c: {  	_ =	shalt  }
0x4d: {  	_ =	shalt  }
0x4e: {  	_ =	shalt  }
0x4f: {  	_ =	shalt  }
0x50: {  	_ =	shalt  }
0x51: {  	_ =	shalt  }
0x52: {  	_ =	shalt  }
0x53: {  	_ =	shalt  }
0x54: {  	_ =	shalt  }
0x55: {  	_ =	shalt  }
0x56: {  	_ =	shalt  }
0x57: {  	_ =	shalt  }
0x58: {  	_ =	shalt  }
0x59: {  	_ =	shalt  }
0x5a: {  	_ =	shalt  }
0x5b: {  	_ =	shalt  }
0x5c: {  	_ =	shalt  }
0x5d: {  	_ =	shalt  }
0x5e: {  	_ =	shalt  }
0x5f: {  	_ =	shalt  }
0x60: {  	_ =	shalt  }
0x61: {  	_ =	shalt  }
0x62: {  	_ =	shalt  }
0x63: {  	_ =	shalt  }
0x64: {  	_ =	shalt  }
0x65: {  	_ =	shalt  }
0x66: {  	_ =	shalt  }
0x67: {  	_ =	shalt  }
0x68: {  	_ =	shalt  }
0x69: {  	_ =	shalt  }
0x6a: {  	_ =	shalt  }
0x6b: {  	_ =	shalt  }
0x6c: {  	_ =	shalt  }
0x6d: {  	_ =	shalt  }
0x6e: {  	_ =	shalt  }
0x6f: {  	_ =	shalt  }
0x70: {  	_ =	shalt  }
0x71: {  	_ =	shalt  }
0x72: {  	_ =	shalt  }
0x73: {  	_ =	shalt  }
0x74: {  	_ =	shalt  }
0x75: {  	_ =	shalt  }
0x76: {  	_ =	shalt  }
0x77: {  	_ =	shalt  }
0x78: {  	_ =	shalt  }
0x79: {  	_ =	shalt  }
0x7a: {  	_ =	shalt  }
0x7b: {  	_ =	shalt  }
0x7c: {  	_ =	shalt  }
0x7d: {  	_ =	shalt  }
0x7e: {  	_ =	shalt  }
0x7f: {  	_ =	shalt  }
0x80: {  	_ =	shalt  }
0x81: {  	_ =	shalt  }
0x82: {  	_ =	shalt  }
0x83: {  	_ =	shalt  }
0x84: {  	_ =	shalt  }
0x85: {  	_ =	shalt  }
0x86: {  	_ =	shalt  }
0x87: {  	_ =	shalt  }
.Lfunc_end0:
.L_simem_size_0:
called_computation.1_lowered:
.L_overlay_start_0:
0x88: {  	s2 =	sld [smem:$0x3FD9]  }
0x89: {  	s3 =	sld [smem:$0x3FFE];
	_ =	sdelay $0x1  }
0x8a: {  	s1 =	srdreg.scid  }
0x8b: {  	s0 =	sand.u32 $0x1, s1  }
0x8c: {  	s16 =	sshll.u32 s0, $0xA;
	s2 =	sadd.s32 s3, s2  }
0x8d: {  	s2 =	sadd.s32 s2, s16  }
0x8e: {  	[smem:$0x3FC2] =	sst s2  }
0x8f: {  	_ = 	snop  }
0x90: {  	(tm) =	ssettm $0x1  }
0x91: {  	s17 =	sld [smem:$0x3FFB];
	_ =	sdelay $0x3  }
0x92: {  	_ =	strace s17  }
0x93: {  	s2 =	sld [smem:$0x3FFC];
	_ =	sdelay $0x3  }
0x94: {  	_ =	strace s2  }
0x95: {  	s2 =	sld [smem:$0x3FFD];
	_ =	sdelay $0x3  }
0x96: {  	_ =	strace s2  }
0x97: {  	_ =	strace $0x8FFFFFFF  }
0x98: {  	s18 =	sld [smem:$0x3FDB];
	_ =	sdelay $0x1  }
0x99: {  	s19 =	simm.s32 $_scs_section_size  }
0x9a: {  	s4 =	simm.s32 $_size__tile_overlayer_lowered;
	s5 =	simm.s32 $_tile_overlayer_lowered  }
0x9b: {  	s22 =	simm.s32 $0x1BFF;
	s21 =	sshll.u32 s5, $0x1;
	s2 =	sadd.s32 s19, s18  }
0x9c: {  	s6 =	simm.s32 $0x0;
	s20 =	sshll.u32 s4, $0x1;
	s4 =	sadd.s32 s21, s2  }
0x9d: {  	[timem:s6], [sflag:s22] =	dma.local [hbm:s4], s20  }
0x9e: {  	_ =	swait.ge [sflag:s22], s20  }
0x9f: {  	s3 =	ssub.s32 $0x0, s20;
	[sflag:s22] =	ssyncset.done $0x0  }
0xa0: {  	[sflag:s22] =	ssyncadd.s32 s3;
	_ =	sdelay $0x1  }
0xa1: {  	s23 =	simm.s32 $0x1B8B  }
0xa2: {  	_ =	swait.ge [sflag:s23], $0x1  }
0xa3: {  	[sflag:s23] =	ssyncset.done $0x0  }
0xa4: {  	s25 =	simm.s32 $0x1B8E;
	s24 =	sld [smem:$0x3FFE];
	[sflag:s23] =	ssyncadd.s32 $0xFFFFFFFF  }
0xa5: {  	s26 =	simm.s32 $execute0_lowered;
	[smem:$0x3FD2] =	sst s25  }
0xa6: {  	s4 =	sshll.u32 s26, $0x1;
	_ =	strace $0x80000049;
	[dreg:$0x1] =	wrdreg $0xFFFFFFFF  }
0xa7: {  	s28 =	simm.s32 $_size_execute0_lowered;
	s2 =	sadd.s32 s2, s4;
	[dreg:$0x0] =	wrdreg $0x0  }
0xa8: {  	s4 =	sshll.u32 s28, $0x1;
	[dreg:$0x2] =	wrdreg s2  }
0xa9: {  	[dreg:$0x3] =	wrdreg s4  }
0xaa: {  	[dreg:$0x4] =	wrdreg $0xC0  }
0xab: {  	_ =	task [dreg:s6], $0x5FFFF  }
0xac: {  	[dreg:$0x1] =	wrdreg $0xFFFFFFFF  }
0xad: {  	[dreg:$0x0] =	wrdreg $0x60  }
0xae: {  	[dreg:$0x2] =	wrdreg s24  }
0xaf: {  	[dreg:$0x3] =	wrdreg $0x9  }
0xb0: {  	_ =	task.clear_ibuf [dreg:s6], $0x4FFFF;
	_ =	strace $0x90000049  }
0xb1: {  	s29 =	simm.s32 $0x9;
	_ =	strace $0x8000004B  }
0xb2: {  	_ =	swait.ge [sflag:s29], $0x1  }
0xb3: {  	[sflag:s29] =	ssyncadd.s32 $0xFFFFFFFF  }
0xb4: {  	_ =	strace $0x9000004B  }
0xb5: {  	_ =	sfence  }
0xb6: {  	s30 =	sld [smem:$0x0];
	_ =	sdelay $0x2  }
0xb7: {  	s31 =	sshll.u32 s1, $0xD;
	s1 =	sshrl.u32 s1, $0x2  }
0xb8: {  	s3 =	sand.u32 $0x4000, s31;
	s1 =	sadd.s32 s1, s30  }
0xb9: {  	s0 =	sor.u32 s3, s0;
	s1 =	sshll.u32 s1, $0x11  }
0xba: {  	s0 =	sor.u32 s1, s0  }
0xbb: {  	s0 =	sadd.s32 $0x8F2B, s0  }
0xbc: {  	[sflag:s0] =	ssyncadd.remote.s32 $0x1  }
0xbd: {  	_ =	sfence.sel $0xFFFF  }
0xbe: {  	[dreg:$0x0] =	wrdreg $0xFFFFFFFF;
	(pc) =	sbr.abs _section_cstart, $3  }
0xbf: {  	[dreg:$0x1] =	wrdreg $0xFFFFFFFF  }
0xc0: {  	_ =	task.clear_ibuf [dreg:s6], $0x2FFFF;
	_ =	strace $0x9FFFFFFF  }
0xc1: {  	(tm) =	ssettm $0x7FFFFFFF  }
tec
execute0_lowered:
.L_overlay_start_1:
0x0: {  	(tag) =	ssettag $0x1  }
0x1: {  	s1 =	srdreg.scid;
	s0 =	stileid.u32  }
0x2: {  	s5 =	rddreg [dreg:$0x0];
	s2 =	simm.s32 $0x0;
	s9 =	simm.s32 $0x18F00  }
0x3: {  	s10 =	simm.s32 $0x5;
	s11 =	simm.s32 $0x16780;
	s12 =	simm.s32 $0x1B680  }
0x4: {  	s13 =	simm.s32 $0x1;
	s14 =	simm.s32 $0x3;
	s15 =	simm.s32 $0xA000  }
0x5: {  	s16 =	simm.s32 $0x2;
	s17 =	simm.s32 $0x4;
	s18 =	simm.s32 $0x6  }
0x6: {  	s3 =	sand.u32 $0x1, s1;
	s4 =	sshll.u32 s0, $0x1;
	s1 =	rddreg [dreg:$0x1]  }
0x7: {  	s19 =	simm.s32 $0x0;
	[smem:$0x7FF] =	sst s2;
	s4 =	sor.u32 s3, s4  }
0x8: {  	s7 =	ssub.s32 $0x2, s3;
	_ =	strace $0x8000004A;
	s6 =	smul.u32 $0x1400, s4  }
0x9: {  	s3 =	sadd.s32 $0xB000, s5;
	s8 =	sshrl.u32 s7, $0x1;
	s4 =	sadd.s32 $0x1200, s5  }
0xa: {  	s7 =	ssub.s32 s7, s8;
	s8 =	simm.s32 $0x14000;
	s6 =	sadd.s32 s6, s5  }
0xb: {  	v0 =	vimm.f32 $0.0e+00;
	s7 =	smax.u32 s7, $0x1;
	s5 =	sadd.s32 $0x14E00, s6;
	s6 =	sadd.s32 $0x3CE00, s6  }
.LBB2_1:
0xc: {  	[tilespmem:s2], [sflag:$0x5] =	stream.linear.gather [hbm4b:s5+s2], $0xA000, $0x38;
	[tilespmem:$0x1DE00] =	vst v63  }
0xd: {  	s20 =	simm.s32 $0xA040  }
0xe: {  	[tilespmem:s20+$0xFFFFFFC0] =	vst v0  }
0xf: {  	[tilespmem:s20+$0x30] =	vst v0  }
0x10: {  	[tilespmem:s20+$0x20] =	vst v0  }
0x11: {  	[tilespmem:s20+$0x10] =	vst v0  }
0x12: {  	[tilespmem:s20+$0x0] =	vst v0  }
0x13: {  	[tilespmem:s20+$0xFFFFFFF0] =	vst v0  }
0x14: {  	s21 =	simm.s32 $0x0;
	[tilespmem:s20+$0xFFFFFFE0] =	vst v0  }
.LBB2_2:
0x15: {  	s21 =	sadd.s32 $0x80, s21;
	[tilespmem:s20+$0xFFFFFFD0] =	vst v0;
	s20 =	sadd.s32 $0x80, s20  }
0x16: {  	[tilespmem:s20+$0xFFFFFFC0] =	vst v0;
	p0 =	slt.u32 s21, $0x9F80  }
0x17: {  	[tilespmem:s20+$0x30] =	vst v0  }
.Ltmp0:
0x18: {  	[tilespmem:s20+$0x20] =	vst v0;
	(pc) =	sbr.rel @p0 .LBB2_2-.Ltmp0, $4  }
0x19: {  	[tilespmem:s20+$0x10] =	vst v0  }
0x1a: {  	[tilespmem:s20+$0x0] =	vst v0  }
0x1b: {  	[tilespmem:s20+$0xFFFFFFF0] =	vst v0  }
0x1c: {  	[tilespmem:s20+$0xFFFFFFE0] =	vst v0  }
0x1d: {  	[tilespmem:s20+$0xFFFFFFD0] =	vst v0;
	s20 =	simm.s32 $0x0  }
0x1e: {  	[tilespmem:s8], [sflag:$0x1] =	stream.linear.gather [hbm4b:s4+s20], $0x2710, $0x38;
	[tilespmem:$0x1DE00] =	vst v63  }
0x1f: {  	_ = 	snop  }
0x20: {  	[tilespmem:s9], [sflag:$0x3] =	stream.linear.gather [hbm4b:s3+s20], $0x2710, $0x38;
	[tilespmem:$0x1DE00] =	vst v63  }
0x21: {  	_ =	swait.ge [sflag:s10], $0xA000  }
0x22: {  	[sflag:s10] =	ssyncset.done $0x0  }
0x23: {  	[sflag:s10] =	ssyncadd.s32 $0xFFFF6000  }
.LBB2_4:
0x24: {  	s21 =	smul.u32 $0x4E20, s20;
	_ =	sdelay $0x1  }
0x25: {  	s21 =	sshrl.u32 s21, $0x3  }
0x26: {  	s21 =	sadd.s32 $0x4E2, s21  }
0x27: {  	s22 =	sadd.s32 s4, s21  }
0x28: {  	[tilespmem:s11], [sflag:$0x2] =	stream.linear.gather [hbm4b:s22+s2], $0x2710, $0x38;
	[tilespmem:$0x1DE00] =	vst v63  }
0x29: {  	s21 =	sadd.s32 s3, s21  }
0x2a: {  	[tilespmem:s12], [sflag:$0x4] =	stream.linear.gather [hbm4b:s21+s2], $0x2710, $0x38;
	[tilespmem:$0x1DE00] =	vst v63  }
0x2b: {  	_ =	swait.ge [sflag:s13], $0x2710  }
0x2c: {  	[sflag:s13] =	ssyncset.done $0x0  }
0x2d: {  	[sflag:s13] =	ssyncadd.s32 $0xFFFFD8F0  }
0x2e: {  	_ =	swait.ge [sflag:s14], $0x2710  }
0x2f: {  	[sflag:s14] =	ssyncset.done $0x0  }
0x30: {  	s31 =	simm.s32 $0x14040;
	[sflag:s14] =	ssyncadd.s32 $0xFFFFD8F0  }
0x31: {  	v1 =	vld [tilespmem:s31+$0x30]  }
0x32: {  	v2 =	vld [tilespmem:s31+$0xFFFFFFD0]  }
0x33: {  	v3 =	vld [tilespmem:s31+$0xFFFFFFE0]  }
0x34: {  	v4 =	vld [tilespmem:s31+$0xFFFFFFF0]  }
0x35: {  	v5 =	vld [tilespmem:s31+$0x0]  }
0x36: {  	s21 =	simm.s32 $0x18F40;
	v6 =	vld [tilespmem:s31+$0x10]  }
0x37: {  	v7 =	vld [tilespmem:s21+$0x30]  }
0x38: {  	v8 =	vld [tilespmem:s31+$0x20]  }
0x39: {  	v10 =	vld [tilespmem:s31+$0xFFFFFFC0]  }
0x3a: {  	v20 =	vld [tilespmem:s21+$0xFFFFFFC0]  }
0x3b: {  	v21 =	vld [tilespmem:s21+$0xFFFFFFD0]  }
0x3c: {  	v63 =	vld [tilespmem:s21+$0xFFFFFFE0]  }
0x3d: {  	v22 =	vld [tilespmem:s21+$0xFFFFFFF0]  }
0x3e: {  	v23 =	vld [tilespmem:s21+$0x0]  }
0x3f: {  	v24 =	vld [tilespmem:s21+$0x10]  }
0x40: {  	v25 =	vld [tilespmem:s21+$0x20]  }
0x41: {  	v9 =	vld.idx.msk [tilespmem:v1+s2+$0x0], $0xffff  }
0x42: {  	v11 =	vld.idx.msk [tilespmem:v2+s2+$0x0], $0xffff  }
0x43: {  	v13 =	vld.idx.msk [tilespmem:v3+s2+$0x0], $0xffff  }
0x44: {  	v14 =	vld.idx.msk [tilespmem:v4+s2+$0x0], $0xffff  }
0x45: {  	v17 =	vld.idx.msk [tilespmem:v10+s2+$0x0], $0xffff  }
0x46: {  	v15 =	vld.idx.msk [tilespmem:v5+s2+$0x0], $0xffff  }
0x47: {  	v62 =	vld.idx.msk [tilespmem:v6+s2+$0x0], $0xffff  }
0x48: {  	v19 =	vld.idx.msk [tilespmem:v8+s2+$0x0], $0xffff  }
0x49: {  	[tilespmem:v7+s15+$0x0] =	vst.idx.add.f32.msk $0xffff, v9  }
0x4a: {  	v12 =	vadd.s32 $0x2800, v1;
	[tilespmem:v20+s15+$0x0] =	vst.idx.add.f32.msk $0xffff, v17  }
0x4b: {  	[tilespmem:v21+s15+$0x0] =	vst.idx.add.f32.msk $0xffff, v11  }
0x4c: {  	[tilespmem:v63+s15+$0x0] =	vst.idx.add.f32.msk $0xffff, v13  }
0x4d: {  	v30 =	vadd.s32 $0x2800, v2;
	[tilespmem:v22+s15+$0x0] =	vst.idx.add.f32.msk $0xffff, v14  }
0x4e: {  	v31 =	vadd.s32 $0x2800, v3;
	[tilespmem:v23+s15+$0x0] =	vst.idx.add.f32.msk $0xffff, v15  }
0x4f: {  	v16 =	vadd.s32 $0x2800, v7;
	v9 =	vld.idx.msk [tilespmem:v12+s2+$0x0], $0xffff  }
0x50: {  	v18 =	vadd.s32 $0x5000, v1;
	[tilespmem:v24+s15+$0x0] =	vst.idx.add.f32.msk $0xffff, v62  }
0x51: {  	v33 =	vadd.s32 $0x2800, v6;
	[tilespmem:v25+s15+$0x0] =	vst.idx.add.f32.msk $0xffff, v19  }
0x52: {  	v34 =	vadd.s32 $0x2800, v8;
	v11 =	vld.idx.msk [tilespmem:v30+s2+$0x0], $0xffff  }
0x53: {  	v36 =	vadd.s32 $0x2800, v21;
	v13 =	vld.idx.msk [tilespmem:v31+s2+$0x0], $0xffff  }
0x54: {  	v37 =	vadd.s32 $0x2800, v63;
	[tilespmem:v16+s15+$0x0] =	vst.idx.add.f32.msk $0xffff, v9  }
0x55: {  	v28 =	vadd.s32 $0x5000, v7;
	v9 =	vld.idx.msk [tilespmem:v18+s2+$0x0], $0xffff  }
0x56: {  	v1 =	vadd.s32 $0x7800, v1;
	v12 =	vld.idx.msk [tilespmem:v33+s2+$0x0], $0xffff  }
0x57: {  	v27 =	vadd.s32 $0x2800, v24;
	v14 =	vld.idx.msk [tilespmem:v34+s2+$0x0], $0xffff  }
0x58: {  	v41 =	vadd.s32 $0x5000, v2;
	[tilespmem:v36+s15+$0x0] =	vst.idx.add.f32.msk $0xffff, v11  }
0x59: {  	v29 =	vadd.s32 $0x2800, v10;
	[tilespmem:v37+s15+$0x0] =	vst.idx.add.f32.msk $0xffff, v13  }
0x5a: {  	v39 =	vadd.s32 $0x2800, v25;
	[tilespmem:v28+s15+$0x0] =	vst.idx.add.f32.msk $0xffff, v9  }
0x5b: {  	v7 =	vadd.s32 $0x7800, v7;
	v1 =	vld.idx.msk [tilespmem:v1+s2+$0x0], $0xffff  }
0x5c: {  	v45 =	vadd.s32 $0x5000, v8;
	[tilespmem:v27+s15+$0x0] =	vst.idx.add.f32.msk $0xffff, v12  }
0x5d: {  	v47 =	vadd.s32 $0x5000, v21;
	v13 =	vld.idx.msk [tilespmem:v41+s2+$0x0], $0xffff  }
0x5e: {  	v35 =	vadd.s32 $0x2800, v20;
	v9 =	vld.idx.msk [tilespmem:v29+s2+$0x0], $0xffff  }
0x5f: {  	v44 =	vadd.s32 $0x5000, v6;
	[tilespmem:v39+s15+$0x0] =	vst.idx.add.f32.msk $0xffff, v14  }
0x60: {  	[tilespmem:v7+s15+$0x0] =	vst.idx.add.f32.msk $0xffff, v1;
	v1 =	vadd.s32 $0x2800, v4  }
0x61: {  	v32 =	vadd.s32 $0x2800, v5;
	v14 =	vld.idx.msk [tilespmem:v45+s2+$0x0], $0xffff  }
0x62: {  	v40 =	vadd.s32 $0x5000, v10;
	[tilespmem:v47+s15+$0x0] =	vst.idx.add.f32.msk $0xffff, v13  }
0x63: {  	v52 =	vadd.s32 $0x5000, v25;
	[tilespmem:v35+s15+$0x0] =	vst.idx.add.f32.msk $0xffff, v9  }
0x64: {  	v51 =	vadd.s32 $0x5000, v24;
	v9 =	vld.idx.msk [tilespmem:v44+s2+$0x0], $0xffff  }
0x65: {  	v38 =	vadd.s32 $0x2800, v22;
	v1 =	vld.idx.msk [tilespmem:v1+s2+$0x0], $0xffff  }
0x66: {  	v26 =	vadd.s32 $0x2800, v23;
	v7 =	vld.idx.msk [tilespmem:v32+s2+$0x0], $0xffff  }
0x67: {  	v46 =	vadd.s32 $0x5000, v20;
	v11 =	vld.idx.msk [tilespmem:v40+s2+$0x0], $0xffff  }
0x68: {  	v54 =	vadd.s32 $0x7800, v6;
	[tilespmem:v52+s15+$0x0] =	vst.idx.add.f32.msk $0xffff, v14  }
0x69: {  	v43 =	vadd.s32 $0x5000, v5;
	[tilespmem:v51+s15+$0x0] =	vst.idx.add.f32.msk $0xffff, v9  }
0x6a: {  	[tilespmem:v38+s15+$0x0] =	vst.idx.add.f32.msk $0xffff, v1;
	v1 =	vadd.s32 $0x5000, v3  }
0x6b: {  	v10 =	vadd.s32 $0x7800, v10;
	[tilespmem:v26+s15+$0x0] =	vst.idx.add.f32.msk $0xffff, v7  }
0x6c: {  	v42 =	vadd.s32 $0x5000, v4;
	[tilespmem:v46+s15+$0x0] =	vst.idx.add.f32.msk $0xffff, v11  }
0x6d: {  	v53 =	vadd.s32 $0x7800, v5;
	v62 =	vadd.s32 $0x7800, v24;
	v5 =	vld.idx.msk [tilespmem:v54+s2+$0x0], $0xffff  }
0x6e: {  	v50 =	vadd.s32 $0x5000, v23;
	v12 =	vld.idx.msk [tilespmem:v43+s2+$0x0], $0xffff  }
0x6f: {  	v48 =	vadd.s32 $0x5000, v63;
	v1 =	vld.idx.msk [tilespmem:v1+s2+$0x0], $0xffff  }
0x70: {  	v57 =	vadd.s32 $0x7800, v20;
	v55 =	vld.idx.msk [tilespmem:v10+s2+$0x0], $0xffff  }
0x71: {  	v49 =	vadd.s32 $0x5000, v22;
	v7 =	vld.idx.msk [tilespmem:v42+s2+$0x0], $0xffff  }
0x72: {  	v56 =	vadd.s32 $0x7800, v8;
	[tilespmem:v62+s15+$0x0] =	vst.idx.add.f32.msk $0xffff, v5  }
0x73: {  	[tilespmem:v50+s15+$0x0] =	vst.idx.add.f32.msk $0xffff, v12  }
0x74: {  	[tilespmem:v48+s15+$0x0] =	vst.idx.add.f32.msk $0xffff, v1;
	v1 =	vadd.s32 $0x7800, v2  }
0x75: {  	[tilespmem:v57+s15+$0x0] =	vst.idx.add.f32.msk $0xffff, v55;
	v2 =	vadd.s32 $0x7800, v3  }
0x76: {  	[tilespmem:v49+s15+$0x0] =	vst.idx.add.f32.msk $0xffff, v7;
	v3 =	vadd.s32 $0x7800, v4  }
0x77: {  	v59 =	vadd.s32 $0x7800, v63;
	v63 =	vadd.s32 $0x7800, v25;
	v7 =	vld.idx.msk [tilespmem:v56+s2+$0x0], $0xffff  }
0x78: {  	v61 =	vadd.s32 $0x7800, v23;
	v4 =	vld.idx.msk [tilespmem:v53+s2+$0x0], $0xffff  }
0x79: {  	v58 =	vadd.s32 $0x7800, v21;
	v1 =	vld.idx.msk [tilespmem:v1+s2+$0x0], $0xffff  }
0x7a: {  	v2 =	vld.idx.msk [tilespmem:v2+s2+$0x0], $0xffff  }
0x7b: {  	v60 =	vadd.s32 $0x7800, v22;
	v3 =	vld.idx.msk [tilespmem:v3+s2+$0x0], $0xffff  }
0x7c: {  	[tilespmem:v63+s15+$0x0] =	vst.idx.add.f32.msk $0xffff, v7  }
0x7d: {  	[tilespmem:v61+s15+$0x0] =	vst.idx.add.f32.msk $0xffff, v4  }
0x7e: {  	[tilespmem:v58+s15+$0x0] =	vst.idx.add.f32.msk $0xffff, v1  }
0x7f: {  	[tilespmem:v59+s15+$0x0] =	vst.idx.add.f32.msk $0xffff, v2  }
0x80: {  	s23 =	simm.s32 $0x140C0;
	s22 =	simm.s32 $0x0;
	[tilespmem:v60+s15+$0x0] =	vst.idx.add.f32.msk $0xffff, v3  }
.LBB2_5:
0x81: {  	v12 =	vld [tilespmem:s23+$0x30];
	s22 =	sadd.s32 $0x80, s22  }
0x82: {  	v5 =	vld [tilespmem:s23+$0xFFFFFFD0];
	p0 =	slt.u32 s22, $0x2680  }
0x83: {  	v6 =	vld [tilespmem:s23+$0xFFFFFFE0]  }
0x84: {  	v10 =	vld [tilespmem:s23+$0xFFFFFFF0]  }
0x85: {  	v13 =	vld [tilespmem:s23+$0x0]  }
0x86: {  	s21 =	sadd.s32 $0x80, s21;
	v14 =	vld [tilespmem:s23+$0x10]  }
0x87: {  	v15 =	vadd.s32 $0x2800, v5;
	v7 =	vadd.s32 $0x5000, v5;
	v1 =	vadd.s32 $0x7800, v5;
	v16 =	vld [tilespmem:s21+$0x30]  }
0x88: {  	v17 =	vadd.s32 $0x2800, v6;
	v8 =	vadd.s32 $0x5000, v6;
	v2 =	vadd.s32 $0x7800, v6;
	v18 =	vld [tilespmem:s23+$0x20]  }
0x89: {  	v19 =	vadd.s32 $0x2800, v10;
	v9 =	vadd.s32 $0x5000, v10;
	v3 =	vadd.s32 $0x7800, v10;
	v20 =	vld.idx.msk [tilespmem:v12+s2+$0x0], $0xffff  }
0x8a: {  	v21 =	vld [tilespmem:s23+$0xFFFFFFC0];
	v22 =	vadd.s32 $0x2800, v13;
	v11 =	vadd.s32 $0x5000, v13;
	v4 =	vadd.s32 $0x7800, v13  }
0x8b: {  	v26 =	vadd.s32 $0x2800, v12;
	v23 =	vld.idx.msk [tilespmem:v5+s2+$0x0], $0xffff;
	v24 =	vadd.s32 $0x2800, v14;
	v25 =	vadd.s32 $0x5000, v14  }
0x8c: {  	v5 =	vadd.s32 $0x7800, v14;
	v27 =	vld.idx.msk [tilespmem:v6+s2+$0x0], $0xffff  }
0x8d: {  	v28 =	vld.idx.msk [tilespmem:v10+s2+$0x0], $0xffff;
	v29 =	vadd.s32 $0x2800, v18;
	v30 =	vadd.s32 $0x5000, v18;
	v6 =	vadd.s32 $0x7800, v18  }
0x8e: {  	v13 =	vld.idx.msk [tilespmem:v13+s2+$0x0], $0xffff  }
0x8f: {  	v31 =	vadd.s32 $0x2800, v21;
	v32 =	vadd.s32 $0x5000, v21;
	v10 =	vadd.s32 $0x7800, v21;
	[tilespmem:v16+s15+$0x0] =	vst.idx.add.f32.msk $0xffff, v20  }
0x90: {  	v20 =	vld.idx.msk [tilespmem:v26+s2+$0x0], $0xffff  }
0x91: {  	v26 =	vadd.s32 $0x2800, v16;
	v14 =	vld.idx.msk [tilespmem:v14+s2+$0x0], $0xffff  }
0x92: {  	v33 =	vadd.s32 $0x5000, v12;
	v21 =	vld.idx.msk [tilespmem:v21+s2+$0x0], $0xffff  }
0x93: {  	v18 =	vld.idx.msk [tilespmem:v18+s2+$0x0], $0xffff  }
0x94: {  	v34 =	vld [tilespmem:s21+$0xFFFFFFC0]  }
0x95: {  	v35 =	vld [tilespmem:s21+$0xFFFFFFD0]  }
0x96: {  	[tilespmem:v26+s15+$0x0] =	vst.idx.add.f32.msk $0xffff, v20  }
0x97: {  	v20 =	vld.idx.msk [tilespmem:v33+s2+$0x0], $0xffff  }
0x98: {  	v33 =	vadd.s32 $0x5000, v16;
	v26 =	vld [tilespmem:s21+$0xFFFFFFE0]  }
0x99: {  	v12 =	vadd.s32 $0x7800, v12;
	v36 =	vadd.s32 $0x2800, v34;
	v37 =	vadd.s32 $0x5000, v34;
	v38 =	vld [tilespmem:s21+$0xFFFFFFF0]  }
0x9a: {  	v39 =	vadd.s32 $0x7800, v34;
	v40 =	vadd.s32 $0x2800, v35;
	v41 =	vadd.s32 $0x5000, v35;
	v42 =	vld [tilespmem:s21+$0x0]  }
0x9b: {  	v43 =	vadd.s32 $0x7800, v35;
	v44 =	vld [tilespmem:s21+$0x10]  }
0x9c: {  	v45 =	vld [tilespmem:s21+$0x20]  }
0x9d: {  	v46 =	vadd.s32 $0x2800, v26;
	v47 =	vadd.s32 $0x5000, v26;
	v48 =	vadd.s32 $0x7800, v26;
	[tilespmem:v33+s15+$0x0] =	vst.idx.add.f32.msk $0xffff, v20  }
0x9e: {  	v20 =	vadd.s32 $0x2800, v38;
	v33 =	vadd.s32 $0x5000, v38;
	v49 =	vadd.s32 $0x7800, v38;
	v12 =	vld.idx.msk [tilespmem:v12+s2+$0x0], $0xffff  }
0x9f: {  	v16 =	vadd.s32 $0x7800, v16;
	[tilespmem:v34+s15+$0x0] =	vst.idx.add.f32.msk $0xffff, v21;
	v21 =	vadd.s32 $0x2800, v42;
	v34 =	vadd.s32 $0x5000, v42  }
0xa0: {  	[tilespmem:v35+s15+$0x0] =	vst.idx.add.f32.msk $0xffff, v23;
	v23 =	vadd.s32 $0x7800, v42;
	v35 =	vadd.s32 $0x2800, v44;
	v50 =	vadd.s32 $0x5000, v44  }
0xa1: {  	[tilespmem:v26+s15+$0x0] =	vst.idx.add.f32.msk $0xffff, v27;
	v26 =	vadd.s32 $0x7800, v44;
	v27 =	vadd.s32 $0x2800, v45;
	v51 =	vadd.s32 $0x5000, v45  }
0xa2: {  	[tilespmem:v38+s15+$0x0] =	vst.idx.add.f32.msk $0xffff, v28;
	v28 =	vadd.s32 $0x7800, v45  }
0xa3: {  	[tilespmem:v42+s15+$0x0] =	vst.idx.add.f32.msk $0xffff, v13  }
0xa4: {  	[tilespmem:v16+s15+$0x0] =	vst.idx.add.f32.msk $0xffff, v12  }
0xa5: {  	[tilespmem:v44+s15+$0x0] =	vst.idx.add.f32.msk $0xffff, v14  }
0xa6: {  	[tilespmem:v45+s15+$0x0] =	vst.idx.add.f32.msk $0xffff, v18  }
0xa7: {  	v12 =	vld.idx.msk [tilespmem:v31+s2+$0x0], $0xffff  }
0xa8: {  	v13 =	vld.idx.msk [tilespmem:v15+s2+$0x0], $0xffff  }
0xa9: {  	v14 =	vld.idx.msk [tilespmem:v17+s2+$0x0], $0xffff  }
0xaa: {  	v15 =	vld.idx.msk [tilespmem:v19+s2+$0x0], $0xffff  }
0xab: {  	v16 =	vld.idx.msk [tilespmem:v22+s2+$0x0], $0xffff  }
0xac: {  	v17 =	vld.idx.msk [tilespmem:v24+s2+$0x0], $0xffff  }
0xad: {  	v18 =	vld.idx.msk [tilespmem:v29+s2+$0x0], $0xffff  }
0xae: {  	[tilespmem:v36+s15+$0x0] =	vst.idx.add.f32.msk $0xffff, v12  }
0xaf: {  	[tilespmem:v40+s15+$0x0] =	vst.idx.add.f32.msk $0xffff, v13  }
0xb0: {  	[tilespmem:v46+s15+$0x0] =	vst.idx.add.f32.msk $0xffff, v14  }
0xb1: {  	[tilespmem:v20+s15+$0x0] =	vst.idx.add.f32.msk $0xffff, v15  }
0xb2: {  	[tilespmem:v21+s15+$0x0] =	vst.idx.add.f32.msk $0xffff, v16  }
0xb3: {  	[tilespmem:v35+s15+$0x0] =	vst.idx.add.f32.msk $0xffff, v17  }
0xb4: {  	[tilespmem:v27+s15+$0x0] =	vst.idx.add.f32.msk $0xffff, v18  }
0xb5: {  	v12 =	vld.idx.msk [tilespmem:v32+s2+$0x0], $0xffff  }
0xb6: {  	v7 =	vld.idx.msk [tilespmem:v7+s2+$0x0], $0xffff  }
0xb7: {  	v8 =	vld.idx.msk [tilespmem:v8+s2+$0x0], $0xffff  }
0xb8: {  	v9 =	vld.idx.msk [tilespmem:v9+s2+$0x0], $0xffff  }
0xb9: {  	v11 =	vld.idx.msk [tilespmem:v11+s2+$0x0], $0xffff  }
0xba: {  	v13 =	vld.idx.msk [tilespmem:v25+s2+$0x0], $0xffff  }
0xbb: {  	v14 =	vld.idx.msk [tilespmem:v30+s2+$0x0], $0xffff  }
0xbc: {  	[tilespmem:v37+s15+$0x0] =	vst.idx.add.f32.msk $0xffff, v12  }
0xbd: {  	[tilespmem:v41+s15+$0x0] =	vst.idx.add.f32.msk $0xffff, v7  }
0xbe: {  	[tilespmem:v47+s15+$0x0] =	vst.idx.add.f32.msk $0xffff, v8  }
0xbf: {  	[tilespmem:v33+s15+$0x0] =	vst.idx.add.f32.msk $0xffff, v9  }
0xc0: {  	[tilespmem:v34+s15+$0x0] =	vst.idx.add.f32.msk $0xffff, v11  }
0xc1: {  	[tilespmem:v50+s15+$0x0] =	vst.idx.add.f32.msk $0xffff, v13  }
0xc2: {  	[tilespmem:v51+s15+$0x0] =	vst.idx.add.f32.msk $0xffff, v14  }
0xc3: {  	v7 =	vld.idx.msk [tilespmem:v10+s2+$0x0], $0xffff  }
0xc4: {  	v1 =	vld.idx.msk [tilespmem:v1+s2+$0x0], $0xffff  }
0xc5: {  	v2 =	vld.idx.msk [tilespmem:v2+s2+$0x0], $0xffff  }
0xc6: {  	v3 =	vld.idx.msk [tilespmem:v3+s2+$0x0], $0xffff  }
0xc7: {  	v4 =	vld.idx.msk [tilespmem:v4+s2+$0x0], $0xffff  }
0xc8: {  	v5 =	vld.idx.msk [tilespmem:v5+s2+$0x0], $0xffff  }
0xc9: {  	v6 =	vld.idx.msk [tilespmem:v6+s2+$0x0], $0xffff  }
0xca: {  	[tilespmem:v39+s15+$0x0] =	vst.idx.add.f32.msk $0xffff, v7  }
0xcb: {  	[tilespmem:v43+s15+$0x0] =	vst.idx.add.f32.msk $0xffff, v1  }
.Ltmp1:
0xcc: {  	[tilespmem:v48+s15+$0x0] =	vst.idx.add.f32.msk $0xffff, v2;
	(pc) =	sbr.rel @p0 .LBB2_5-.Ltmp1, $4  }
0xcd: {  	[tilespmem:v49+s15+$0x0] =	vst.idx.add.f32.msk $0xffff, v3  }
0xce: {  	[tilespmem:v23+s15+$0x0] =	vst.idx.add.f32.msk $0xffff, v4  }
0xcf: {  	[tilespmem:v26+s15+$0x0] =	vst.idx.add.f32.msk $0xffff, v5  }
0xd0: {  	s23 =	sadd.s32 $0x80, s23;
	[tilespmem:v28+s15+$0x0] =	vst.idx.add.f32.msk $0xffff, v6  }
0xd1: {  	v1 =	vld [tilespmem:$0x16700];
	_ =	sdelay $0x4  }
0xd2: {  	v2 =	vld [tilespmem:$0x1B600];
	_ =	sdelay $0x2  }
0xd3: {  	v3 =	vld.idx.msk [tilespmem:v1+s2+$0x0], $0xffff  }
0xd4: {  	v4 =	vadd.s32 $0x2800, v1;
	_ =	sdelay $0x3  }
0xd5: {  	[tilespmem:v2+s15+$0x0] =	vst.idx.add.f32.msk $0xffff, v3  }
0xd6: {  	v58 =	vadd.s32 $0x2800, v2;
	v3 =	vld.idx.msk [tilespmem:v4+s2+$0x0], $0xffff  }
0xd7: {  	v5 =	vadd.s32 $0x5000, v1;
	_ =	sdelay $0x3  }
0xd8: {  	[tilespmem:v58+s15+$0x0] =	vst.idx.add.f32.msk $0xffff, v3  }
0xd9: {  	v59 =	vadd.s32 $0x5000, v2;
	v3 =	vld.idx.msk [tilespmem:v5+s2+$0x0], $0xffff  }
0xda: {  	v1 =	vadd.s32 $0x7800, v1;
	_ =	sdelay $0x3  }
0xdb: {  	s21 =	sshll.u32 s20, $0x1;
	[tilespmem:v59+s15+$0x0] =	vst.idx.add.f32.msk $0xffff, v3  }
0xdc: {  	s21 =	smin.u32 s21, $0x1C;
	v2 =	vadd.s32 $0x7800, v2;
	v1 =	vld.idx.msk [tilespmem:v1+s2+$0x0], $0xffff  }
0xdd: {  	s21 =	smul.u32 $0x2710, s21;
	_ =	sdelay $0x1  }
0xde: {  	s21 =	sshrl.u32 s21, $0x3  }
0xdf: {  	s21 =	sadd.s32 $0x9C4, s21  }
0xe0: {  	s22 =	sadd.s32 s4, s21;
	[tilespmem:v2+s15+$0x0] =	vst.idx.add.f32.msk $0xffff, v1  }
0xe1: {  	[tilespmem:s8], [sflag:$0x1] =	stream.linear.gather [hbm4b:s22+s2], $0x2710, $0x38;
	[tilespmem:$0x1DE00] =	vst v63  }
0xe2: {  	s21 =	sadd.s32 s3, s21  }
0xe3: {  	[tilespmem:s9], [sflag:$0x3] =	stream.linear.gather [hbm4b:s21+s2], $0x2710, $0x38;
	[tilespmem:$0x1DE00] =	vst v63  }
0xe4: {  	_ =	swait.ge [sflag:s16], $0x2710  }
0xe5: {  	[sflag:s16] =	ssyncset.done $0x0  }
0xe6: {  	[sflag:s16] =	ssyncadd.s32 $0xFFFFD8F0  }
0xe7: {  	_ =	swait.ge [sflag:s17], $0x2710  }
0xe8: {  	[sflag:s17] =	ssyncset.done $0x0  }
0xe9: {  	s31 =	simm.s32 $0x167C0;
	[sflag:s17] =	ssyncadd.s32 $0xFFFFD8F0  }
0xea: {  	v1 =	vld [tilespmem:s31+$0x30]  }
0xeb: {  	v2 =	vld [tilespmem:s31+$0xFFFFFFD0]  }
0xec: {  	v3 =	vld [tilespmem:s31+$0xFFFFFFE0]  }
0xed: {  	v60 =	vld [tilespmem:s31+$0xFFFFFFF0]  }
0xee: {  	v61 =	vld [tilespmem:s31+$0x0]  }
0xef: {  	s21 =	simm.s32 $0x1B6C0;
	v6 =	vld [tilespmem:s31+$0x10]  }
0xf0: {  	v7 =	vld [tilespmem:s21+$0x30]  }
0xf1: {  	v8 =	vld [tilespmem:s31+$0x20]  }
0xf2: {  	v10 =	vld [tilespmem:s31+$0xFFFFFFC0]  }
0xf3: {  	v20 =	vld [tilespmem:s21+$0xFFFFFFC0]  }
0xf4: {  	v21 =	vld [tilespmem:s21+$0xFFFFFFD0]  }
0xf5: {  	v63 =	vld [tilespmem:s21+$0xFFFFFFE0]  }
0xf6: {  	v22 =	vld [tilespmem:s21+$0xFFFFFFF0]  }
0xf7: {  	v23 =	vld [tilespmem:s21+$0x0]  }
0xf8: {  	v24 =	vld [tilespmem:s21+$0x10]  }
0xf9: {  	v25 =	vld [tilespmem:s21+$0x20]  }
0xfa: {  	v9 =	vld.idx.msk [tilespmem:v1+s2+$0x0], $0xffff  }
0xfb: {  	v11 =	vld.idx.msk [tilespmem:v2+s2+$0x0], $0xffff  }
0xfc: {  	v13 =	vld.idx.msk [tilespmem:v3+s2+$0x0], $0xffff  }
0xfd: {  	v14 =	vld.idx.msk [tilespmem:v60+s2+$0x0], $0xffff  }
0xfe: {  	v17 =	vld.idx.msk [tilespmem:v10+s2+$0x0], $0xffff  }
0xff: {  	v15 =	vld.idx.msk [tilespmem:v61+s2+$0x0], $0xffff  }
0x100: {  	v62 =	vld.idx.msk [tilespmem:v6+s2+$0x0], $0xffff  }
0x101: {  	v19 =	vld.idx.msk [tilespmem:v8+s2+$0x0], $0xffff  }
0x102: {  	[tilespmem:v7+s15+$0x0] =	vst.idx.add.f32.msk $0xffff, v9  }
0x103: {  	v12 =	vadd.s32 $0x2800, v1;
	[tilespmem:v20+s15+$0x0] =	vst.idx.add.f32.msk $0xffff, v17  }
0x104: {  	[tilespmem:v21+s15+$0x0] =	vst.idx.add.f32.msk $0xffff, v11  }
0x105: {  	[tilespmem:v63+s15+$0x0] =	vst.idx.add.f32.msk $0xffff, v13  }
0x106: {  	v30 =	vadd.s32 $0x2800, v2;
	[tilespmem:v22+s15+$0x0] =	vst.idx.add.f32.msk $0xffff, v14  }
0x107: {  	v31 =	vadd.s32 $0x2800, v3;
	[tilespmem:v23+s15+$0x0] =	vst.idx.add.f32.msk $0xffff, v15  }
0x108: {  	v16 =	vadd.s32 $0x2800, v7;
	v9 =	vld.idx.msk [tilespmem:v12+s2+$0x0], $0xffff  }
0x109: {  	v18 =	vadd.s32 $0x5000, v1;
	[tilespmem:v24+s15+$0x0] =	vst.idx.add.f32.msk $0xffff, v62  }
0x10a: {  	v33 =	vadd.s32 $0x2800, v6;
	[tilespmem:v25+s15+$0x0] =	vst.idx.add.f32.msk $0xffff, v19  }
0x10b: {  	v34 =	vadd.s32 $0x2800, v8;
	v11 =	vld.idx.msk [tilespmem:v30+s2+$0x0], $0xffff  }
0x10c: {  	v36 =	vadd.s32 $0x2800, v21;
	v13 =	vld.idx.msk [tilespmem:v31+s2+$0x0], $0xffff  }
0x10d: {  	v37 =	vadd.s32 $0x2800, v63;
	[tilespmem:v16+s15+$0x0] =	vst.idx.add.f32.msk $0xffff, v9  }
0x10e: {  	v28 =	vadd.s32 $0x5000, v7;
	v9 =	vld.idx.msk [tilespmem:v18+s2+$0x0], $0xffff  }
0x10f: {  	v1 =	vadd.s32 $0x7800, v1;
	v12 =	vld.idx.msk [tilespmem:v33+s2+$0x0], $0xffff  }
0x110: {  	v27 =	vadd.s32 $0x2800, v24;
	v14 =	vld.idx.msk [tilespmem:v34+s2+$0x0], $0xffff  }
0x111: {  	v41 =	vadd.s32 $0x5000, v2;
	[tilespmem:v36+s15+$0x0] =	vst.idx.add.f32.msk $0xffff, v11  }
0x112: {  	v29 =	vadd.s32 $0x2800, v10;
	[tilespmem:v37+s15+$0x0] =	vst.idx.add.f32.msk $0xffff, v13  }
0x113: {  	v39 =	vadd.s32 $0x2800, v25;
	[tilespmem:v28+s15+$0x0] =	vst.idx.add.f32.msk $0xffff, v9  }
0x114: {  	v7 =	vadd.s32 $0x7800, v7;
	v1 =	vld.idx.msk [tilespmem:v1+s2+$0x0], $0xffff  }
0x115: {  	v45 =	vadd.s32 $0x5000, v8;
	[tilespmem:v27+s15+$0x0] =	vst.idx.add.f32.msk $0xffff, v12  }
0x116: {  	v47 =	vadd.s32 $0x5000, v21;
	v13 =	vld.idx.msk [tilespmem:v41+s2+$0x0], $0xffff  }
0x117: {  	v35 =	vadd.s32 $0x2800, v20;
	v9 =	vld.idx.msk [tilespmem:v29+s2+$0x0], $0xffff  }
0x118: {  	v44 =	vadd.s32 $0x5000, v6;
	[tilespmem:v39+s15+$0x0] =	vst.idx.add.f32.msk $0xffff, v14  }
0x119: {  	[tilespmem:v7+s15+$0x0] =	vst.idx.add.f32.msk $0xffff, v1;
	v1 =	vadd.s32 $0x2800, v60  }
0x11a: {  	v32 =	vadd.s32 $0x2800, v61;
	v14 =	vld.idx.msk [tilespmem:v45+s2+$0x0], $0xffff  }
0x11b: {  	v52 =	vadd.s32 $0x5000, v25;
	[tilespmem:v47+s15+$0x0] =	vst.idx.add.f32.msk $0xffff, v13  }
0x11c: {  	v40 =	vadd.s32 $0x5000, v10;
	[tilespmem:v35+s15+$0x0] =	vst.idx.add.f32.msk $0xffff, v9  }
0x11d: {  	v51 =	vadd.s32 $0x5000, v24;
	v9 =	vld.idx.msk [tilespmem:v44+s2+$0x0], $0xffff  }
0x11e: {  	v38 =	vadd.s32 $0x2800, v22;
	v1 =	vld.idx.msk [tilespmem:v1+s2+$0x0], $0xffff  }
0x11f: {  	v26 =	vadd.s32 $0x2800, v23;
	v7 =	vld.idx.msk [tilespmem:v32+s2+$0x0], $0xffff  }
0x120: {  	v54 =	vadd.s32 $0x7800, v6;
	[tilespmem:v52+s15+$0x0] =	vst.idx.add.f32.msk $0xffff, v14  }
0x121: {  	v46 =	vadd.s32 $0x5000, v20;
	v11 =	vld.idx.msk [tilespmem:v40+s2+$0x0], $0xffff  }
0x122: {  	v43 =	vadd.s32 $0x5000, v61;
	[tilespmem:v51+s15+$0x0] =	vst.idx.add.f32.msk $0xffff, v9  }
0x123: {  	[tilespmem:v38+s15+$0x0] =	vst.idx.add.f32.msk $0xffff, v1;
	v1 =	vadd.s32 $0x5000, v3  }
0x124: {  	v10 =	vadd.s32 $0x7800, v10;
	[tilespmem:v26+s15+$0x0] =	vst.idx.add.f32.msk $0xffff, v7  }
0x125: {  	v62 =	vadd.s32 $0x7800, v24;
	v5 =	vld.idx.msk [tilespmem:v54+s2+$0x0], $0xffff  }
0x126: {  	v42 =	vadd.s32 $0x5000, v60;
	[tilespmem:v46+s15+$0x0] =	vst.idx.add.f32.msk $0xffff, v11  }
0x127: {  	v50 =	vadd.s32 $0x5000, v23;
	v12 =	vld.idx.msk [tilespmem:v43+s2+$0x0], $0xffff  }
0x128: {  	v48 =	vadd.s32 $0x5000, v63;
	v1 =	vld.idx.msk [tilespmem:v1+s2+$0x0], $0xffff  }
0x129: {  	v57 =	vadd.s32 $0x7800, v20;
	v55 =	vld.idx.msk [tilespmem:v10+s2+$0x0], $0xffff  }
0x12a: {  	v53 =	vadd.s32 $0x7800, v61;
	[tilespmem:v62+s15+$0x0] =	vst.idx.add.f32.msk $0xffff, v5  }
0x12b: {  	v49 =	vadd.s32 $0x5000, v22;
	v7 =	vld.idx.msk [tilespmem:v42+s2+$0x0], $0xffff  }
0x12c: {  	v56 =	vadd.s32 $0x7800, v8;
	[tilespmem:v50+s15+$0x0] =	vst.idx.add.f32.msk $0xffff, v12  }
0x12d: {  	[tilespmem:v48+s15+$0x0] =	vst.idx.add.f32.msk $0xffff, v1;
	v1 =	vadd.s32 $0x7800, v2  }
0x12e: {  	[tilespmem:v57+s15+$0x0] =	vst.idx.add.f32.msk $0xffff, v55;
	v2 =	vadd.s32 $0x7800, v3  }
0x12f: {  	v4 =	vld.idx.msk [tilespmem:v53+s2+$0x0], $0xffff;
	v3 =	vadd.s32 $0x7800, v60  }
0x130: {  	v61 =	vadd.s32 $0x7800, v23;
	[tilespmem:v49+s15+$0x0] =	vst.idx.add.f32.msk $0xffff, v7  }
0x131: {  	v59 =	vadd.s32 $0x7800, v63;
	v63 =	vadd.s32 $0x7800, v25;
	v7 =	vld.idx.msk [tilespmem:v56+s2+$0x0], $0xffff  }
0x132: {  	v58 =	vadd.s32 $0x7800, v21;
	v1 =	vld.idx.msk [tilespmem:v1+s2+$0x0], $0xffff  }
0x133: {  	v2 =	vld.idx.msk [tilespmem:v2+s2+$0x0], $0xffff  }
0x134: {  	v60 =	vadd.s32 $0x7800, v22;
	v3 =	vld.idx.msk [tilespmem:v3+s2+$0x0], $0xffff  }
0x135: {  	[tilespmem:v61+s15+$0x0] =	vst.idx.add.f32.msk $0xffff, v4  }
0x136: {  	[tilespmem:v63+s15+$0x0] =	vst.idx.add.f32.msk $0xffff, v7  }
0x137: {  	[tilespmem:v58+s15+$0x0] =	vst.idx.add.f32.msk $0xffff, v1  }
0x138: {  	[tilespmem:v59+s15+$0x0] =	vst.idx.add.f32.msk $0xffff, v2  }
0x139: {  	s23 =	simm.s32 $0x16840;
	s22 =	simm.s32 $0x0;
	[tilespmem:v60+s15+$0x0] =	vst.idx.add.f32.msk $0xffff, v3  }
.LBB2_7:
0x13a: {  	v12 =	vld [tilespmem:s23+$0x30];
	s22 =	sadd.s32 $0x80, s22  }
0x13b: {  	v5 =	vld [tilespmem:s23+$0xFFFFFFD0];
	p0 =	slt.u32 s22, $0x2680  }
0x13c: {  	v6 =	vld [tilespmem:s23+$0xFFFFFFE0]  }
0x13d: {  	v10 =	vld [tilespmem:s23+$0xFFFFFFF0]  }
0x13e: {  	v13 =	vld [tilespmem:s23+$0x0]  }
0x13f: {  	s21 =	sadd.s32 $0x80, s21;
	v14 =	vld [tilespmem:s23+$0x10]  }
0x140: {  	v15 =	vadd.s32 $0x2800, v5;
	v7 =	vadd.s32 $0x5000, v5;
	v1 =	vadd.s32 $0x7800, v5;
	v16 =	vld [tilespmem:s21+$0x30]  }
0x141: {  	v17 =	vadd.s32 $0x2800, v6;
	v8 =	vadd.s32 $0x5000, v6;
	v2 =	vadd.s32 $0x7800, v6;
	v18 =	vld [tilespmem:s23+$0x20]  }
0x142: {  	v19 =	vadd.s32 $0x2800, v10;
	v9 =	vadd.s32 $0x5000, v10;
	v3 =	vadd.s32 $0x7800, v10;
	v20 =	vld.idx.msk [tilespmem:v12+s2+$0x0], $0xffff  }
0x143: {  	v21 =	vld [tilespmem:s23+$0xFFFFFFC0];
	v22 =	vadd.s32 $0x2800, v13;
	v11 =	vadd.s32 $0x5000, v13;
	v4 =	vadd.s32 $0x7800, v13  }
0x144: {  	v26 =	vadd.s32 $0x2800, v12;
	v23 =	vld.idx.msk [tilespmem:v5+s2+$0x0], $0xffff;
	v24 =	vadd.s32 $0x2800, v14;
	v25 =	vadd.s32 $0x5000, v14  }
0x145: {  	v5 =	vadd.s32 $0x7800, v14;
	v27 =	vld.idx.msk [tilespmem:v6+s2+$0x0], $0xffff  }
0x146: {  	v28 =	vld.idx.msk [tilespmem:v10+s2+$0x0], $0xffff;
	v29 =	vadd.s32 $0x2800, v18;
	v30 =	vadd.s32 $0x5000, v18;
	v6 =	vadd.s32 $0x7800, v18  }
0x147: {  	v13 =	vld.idx.msk [tilespmem:v13+s2+$0x0], $0xffff  }
0x148: {  	v31 =	vadd.s32 $0x2800, v21;
	v32 =	vadd.s32 $0x5000, v21;
	v10 =	vadd.s32 $0x7800, v21;
	[tilespmem:v16+s15+$0x0] =	vst.idx.add.f32.msk $0xffff, v20  }
0x149: {  	v20 =	vld.idx.msk [tilespmem:v26+s2+$0x0], $0xffff  }
0x14a: {  	v26 =	vadd.s32 $0x2800, v16;
	v14 =	vld.idx.msk [tilespmem:v14+s2+$0x0], $0xffff  }
0x14b: {  	v33 =	vadd.s32 $0x5000, v12;
	v21 =	vld.idx.msk [tilespmem:v21+s2+$0x0], $0xffff  }
0x14c: {  	v18 =	vld.idx.msk [tilespmem:v18+s2+$0x0], $0xffff  }
0x14d: {  	v34 =	vld [tilespmem:s21+$0xFFFFFFC0]  }
0x14e: {  	v35 =	vld [tilespmem:s21+$0xFFFFFFD0]  }
0x14f: {  	[tilespmem:v26+s15+$0x0] =	vst.idx.add.f32.msk $0xffff, v20  }
0x150: {  	v20 =	vld.idx.msk [tilespmem:v33+s2+$0x0], $0xffff  }
0x151: {  	v33 =	vadd.s32 $0x5000, v16;
	v26 =	vld [tilespmem:s21+$0xFFFFFFE0]  }
0x152: {  	v12 =	vadd.s32 $0x7800, v12;
	v36 =	vadd.s32 $0x2800, v34;
	v37 =	vadd.s32 $0x5000, v34;
	v38 =	vld [tilespmem:s21+$0xFFFFFFF0]  }
0x153: {  	v39 =	vadd.s32 $0x7800, v34;
	v40 =	vadd.s32 $0x2800, v35;
	v41 =	vadd.s32 $0x5000, v35;
	v42 =	vld [tilespmem:s21+$0x0]  }
0x154: {  	v43 =	vadd.s32 $0x7800, v35;
	v44 =	vld [tilespmem:s21+$0x10]  }
0x155: {  	v45 =	vld [tilespmem:s21+$0x20]  }
0x156: {  	v46 =	vadd.s32 $0x2800, v26;
	v47 =	vadd.s32 $0x5000, v26;
	v48 =	vadd.s32 $0x7800, v26;
	[tilespmem:v33+s15+$0x0] =	vst.idx.add.f32.msk $0xffff, v20  }
0x157: {  	v20 =	vadd.s32 $0x2800, v38;
	v33 =	vadd.s32 $0x5000, v38;
	v49 =	vadd.s32 $0x7800, v38;
	v12 =	vld.idx.msk [tilespmem:v12+s2+$0x0], $0xffff  }
0x158: {  	v16 =	vadd.s32 $0x7800, v16;
	[tilespmem:v34+s15+$0x0] =	vst.idx.add.f32.msk $0xffff, v21;
	v21 =	vadd.s32 $0x2800, v42;
	v34 =	vadd.s32 $0x5000, v42  }
0x159: {  	[tilespmem:v35+s15+$0x0] =	vst.idx.add.f32.msk $0xffff, v23;
	v23 =	vadd.s32 $0x7800, v42;
	v35 =	vadd.s32 $0x2800, v44;
	v50 =	vadd.s32 $0x5000, v44  }
0x15a: {  	[tilespmem:v26+s15+$0x0] =	vst.idx.add.f32.msk $0xffff, v27;
	v26 =	vadd.s32 $0x7800, v44;
	v27 =	vadd.s32 $0x2800, v45;
	v51 =	vadd.s32 $0x5000, v45  }
0x15b: {  	[tilespmem:v38+s15+$0x0] =	vst.idx.add.f32.msk $0xffff, v28;
	v28 =	vadd.s32 $0x7800, v45  }
0x15c: {  	[tilespmem:v42+s15+$0x0] =	vst.idx.add.f32.msk $0xffff, v13  }
0x15d: {  	[tilespmem:v16+s15+$0x0] =	vst.idx.add.f32.msk $0xffff, v12  }
0x15e: {  	[tilespmem:v44+s15+$0x0] =	vst.idx.add.f32.msk $0xffff, v14  }
0x15f: {  	[tilespmem:v45+s15+$0x0] =	vst.idx.add.f32.msk $0xffff, v18  }
0x160: {  	v12 =	vld.idx.msk [tilespmem:v31+s2+$0x0], $0xffff  }
0x161: {  	v13 =	vld.idx.msk [tilespmem:v15+s2+$0x0], $0xffff  }
0x162: {  	v14 =	vld.idx.msk [tilespmem:v17+s2+$0x0], $0xffff  }
0x163: {  	v15 =	vld.idx.msk [tilespmem:v19+s2+$0x0], $0xffff  }
0x164: {  	v16 =	vld.idx.msk [tilespmem:v22+s2+$0x0], $0xffff  }
0x165: {  	v17 =	vld.idx.msk [tilespmem:v24+s2+$0x0], $0xffff  }
0x166: {  	v18 =	vld.idx.msk [tilespmem:v29+s2+$0x0], $0xffff  }
0x167: {  	[tilespmem:v36+s15+$0x0] =	vst.idx.add.f32.msk $0xffff, v12  }
0x168: {  	[tilespmem:v40+s15+$0x0] =	vst.idx.add.f32.msk $0xffff, v13  }
0x169: {  	[tilespmem:v46+s15+$0x0] =	vst.idx.add.f32.msk $0xffff, v14  }
0x16a: {  	[tilespmem:v20+s15+$0x0] =	vst.idx.add.f32.msk $0xffff, v15  }
0x16b: {  	[tilespmem:v21+s15+$0x0] =	vst.idx.add.f32.msk $0xffff, v16  }
0x16c: {  	[tilespmem:v35+s15+$0x0] =	vst.idx.add.f32.msk $0xffff, v17  }
0x16d: {  	[tilespmem:v27+s15+$0x0] =	vst.idx.add.f32.msk $0xffff, v18  }
0x16e: {  	v12 =	vld.idx.msk [tilespmem:v32+s2+$0x0], $0xffff  }
0x16f: {  	v7 =	vld.idx.msk [tilespmem:v7+s2+$0x0], $0xffff  }
0x170: {  	v8 =	vld.idx.msk [tilespmem:v8+s2+$0x0], $0xffff  }
0x171: {  	v9 =	vld.idx.msk [tilespmem:v9+s2+$0x0], $0xffff  }
0x172: {  	v11 =	vld.idx.msk [tilespmem:v11+s2+$0x0], $0xffff  }
0x173: {  	v13 =	vld.idx.msk [tilespmem:v25+s2+$0x0], $0xffff  }
0x174: {  	v14 =	vld.idx.msk [tilespmem:v30+s2+$0x0], $0xffff  }
0x175: {  	[tilespmem:v37+s15+$0x0] =	vst.idx.add.f32.msk $0xffff, v12  }
0x176: {  	[tilespmem:v41+s15+$0x0] =	vst.idx.add.f32.msk $0xffff, v7  }
0x177: {  	[tilespmem:v47+s15+$0x0] =	vst.idx.add.f32.msk $0xffff, v8  }
0x178: {  	[tilespmem:v33+s15+$0x0] =	vst.idx.add.f32.msk $0xffff, v9  }
0x179: {  	[tilespmem:v34+s15+$0x0] =	vst.idx.add.f32.msk $0xffff, v11  }
0x17a: {  	[tilespmem:v50+s15+$0x0] =	vst.idx.add.f32.msk $0xffff, v13  }
0x17b: {  	[tilespmem:v51+s15+$0x0] =	vst.idx.add.f32.msk $0xffff, v14  }
0x17c: {  	v7 =	vld.idx.msk [tilespmem:v10+s2+$0x0], $0xffff  }
0x17d: {  	v1 =	vld.idx.msk [tilespmem:v1+s2+$0x0], $0xffff  }
0x17e: {  	v2 =	vld.idx.msk [tilespmem:v2+s2+$0x0], $0xffff  }
0x17f: {  	v3 =	vld.idx.msk [tilespmem:v3+s2+$0x0], $0xffff  }
0x180: {  	v4 =	vld.idx.msk [tilespmem:v4+s2+$0x0], $0xffff  }
0x181: {  	v5 =	vld.idx.msk [tilespmem:v5+s2+$0x0], $0xffff  }
0x182: {  	v6 =	vld.idx.msk [tilespmem:v6+s2+$0x0], $0xffff  }
0x183: {  	[tilespmem:v39+s15+$0x0] =	vst.idx.add.f32.msk $0xffff, v7  }
0x184: {  	[tilespmem:v43+s15+$0x0] =	vst.idx.add.f32.msk $0xffff, v1  }
.Ltmp2:
0x185: {  	[tilespmem:v48+s15+$0x0] =	vst.idx.add.f32.msk $0xffff, v2;
	(pc) =	sbr.rel @p0 .LBB2_7-.Ltmp2, $4  }
0x186: {  	[tilespmem:v49+s15+$0x0] =	vst.idx.add.f32.msk $0xffff, v3  }
0x187: {  	[tilespmem:v23+s15+$0x0] =	vst.idx.add.f32.msk $0xffff, v4  }
0x188: {  	[tilespmem:v26+s15+$0x0] =	vst.idx.add.f32.msk $0xffff, v5  }
0x189: {  	s23 =	sadd.s32 $0x80, s23;
	[tilespmem:v28+s15+$0x0] =	vst.idx.add.f32.msk $0xffff, v6  }
0x18a: {  	v1 =	vld [tilespmem:$0x18E80];
	_ =	sdelay $0x4  }
0x18b: {  	v2 =	vld [tilespmem:$0x1DD80];
	_ =	sdelay $0x2  }
0x18c: {  	v3 =	vld.idx.msk [tilespmem:v1+s2+$0x0], $0xffff  }
0x18d: {  	v4 =	vadd.s32 $0x2800, v1;
	_ =	sdelay $0x3  }
0x18e: {  	[tilespmem:v2+s15+$0x0] =	vst.idx.add.f32.msk $0xffff, v3  }
0x18f: {  	v62 =	vadd.s32 $0x2800, v2;
	v3 =	vld.idx.msk [tilespmem:v4+s2+$0x0], $0xffff  }
0x190: {  	v5 =	vadd.s32 $0x5000, v1;
	_ =	sdelay $0x3  }
0x191: {  	[tilespmem:v62+s15+$0x0] =	vst.idx.add.f32.msk $0xffff, v3  }
0x192: {  	v63 =	vadd.s32 $0x5000, v2;
	v3 =	vld.idx.msk [tilespmem:v5+s2+$0x0], $0xffff  }
0x193: {  	v1 =	vadd.s32 $0x7800, v1;
	_ =	sdelay $0x3  }
0x194: {  	s20 =	sadd.s32 $0x1, s20;
	[tilespmem:v63+s15+$0x0] =	vst.idx.add.f32.msk $0xffff, v3  }
0x195: {  	p0 =	sne.s32 s20, $0x10;
	v2 =	vadd.s32 $0x7800, v2;
	v1 =	vld.idx.msk [tilespmem:v1+s2+$0x0], $0xffff  }
.Ltmp3:
0x196: {  	_ = 	snop;
	(pc) =	sbr.rel @p0 .LBB2_4-.Ltmp3, $2  }
0x197: {  	_ =	sdelay $0x2  }
0x198: {  	[tilespmem:v2+s15+$0x0] =	vst.idx.add.f32.msk $0xffff, v1  }
0x199: {  	_ =	swait.ge [sflag:s13], $0x2710  }
0x19a: {  	[sflag:s13] =	ssyncset.done $0x0  }
0x19b: {  	[sflag:s13] =	ssyncadd.s32 $0xFFFFD8F0  }
0x19c: {  	s19 =	sadd.s32 $0x1, s19;
	_ =	swait.ge [sflag:s14], $0x2710  }
0x19d: {  	p0 =	sne.s32 s19, s7;
	[sflag:s14] =	ssyncset.done $0x0  }
.Ltmp4:
0x19e: {  	[sflag:s14] =	ssyncadd.s32 $0xFFFFD8F0;
	(pc) =	sbr.rel @p0 .LBB2_1-.Ltmp4, $4  }
0x19f: {  	[hbm4b:s6+s2] =	stream.linear.scatter [tilespmem:s15], [sflag:$0x6], $0xA000, $0x38;
	[tilespmem:$0x1DE00] =	vst v63  }
0x1a0: {  	_ =	swait.ge [sflag:s18], $0xA000  }
0x1a1: {  	[sflag:s18] =	ssyncset.done $0x0  }
0x1a2: {  	[sflag:s18] =	ssyncadd.s32 $0xFFFF6000  }
0x1a3: {  	_ =	sfence.sel $0x180000  }
0x1a4: {  	[bflag:$0x0] =	sbarrier.arrive $0xFFFF  }
0x1a5: {  	p0 =	sne.s32 s0, $0x0;
	_ =	strace $0x9000004A  }
0x1a6: {  	s0 =	sadd.s32 @!p0 $0x100000, s1;
	[bflag:$0x2] =	sbarrier.arrive $0xFFFF  }
0x1a7: {  	[sflag:s0] =	ssyncadd.tile.s32 @!p0 $0x1;
	_ =	shalt  }
.Lfunc_end2:
_tile_overlayer_lowered:
.L_overlay_start_2:
0x1a8: {  	(tag) =	ssettag $0x2  }
0x1a9: {  	s0 =	rddreg [dreg:$0x0];
	s2 =	stileid.u32  }
0x1aa: {  	s1 =	rddreg [dreg:$0x1];
	p0 =	sne.s32 s2, $0x0  }
0x1ab: {  	s3 =	rddreg [dreg:$0x2];
	[bflag:$0x3] =	sbarrier.arrive $0xFFFF;
	s2 =	simm.s32 @!p0 $0x1C06  }
0x1ac: {  	[timem:s3], [sflag:s2] =	dma.local @!p0 [hbm:s0], s1  }
0x1ad: {  	s0 =	simm.s32 @!p0 $0x6  }
0x1ae: {  	_ =	swait.ge @!p0 [sflag:s0], s1  }
0x1af: {  	s1 =	ssub.s32 @!p0 $0x0, s1;
	[sflag:s0] =	ssyncset.done @!p0 $0x0  }
0x1b0: {  	[sflag:s0] =	ssyncadd.s32 @!p0 s1  }
0x1b1: {  	[bflag:$0x3] =	sbarrier.arrive $0xFFFF  }
0x1b2: {  	_ =	shalt  }

// kernel: kernel.15.cloned.1.call-start
scs
__scs_entry_jumppad:
0x0: {  	(pc) =	sbr.rel $0x88, $3  }
0x1: {  	(tag) =	ssettag $0x0;
	lr =	simm.s32 $0x1  }
0x2: {  	[smem:$0x3F9B] =	sst lr;
	_ =	strace $0xD0000000  }
0x3: {  	_ = 	snop  }
0x4: {  	_ = 	snop  }
0x5: {  	_ = 	snop  }
0x6: {  	_ = 	snop  }
0x7: {  	_ = 	snop  }
__scs_overlays_trampoline_lowered:
0x8: {  	[smem:$0x3FAA] =	sst s0  }
0x9: {  	[smem:$0x3FAB] =	sst s1  }
0xa: {  	[smem:$0x3FAC] =	sst s2  }
0xb: {  	[smem:$0x3FAD] =	sst s3  }
0xc: {  	[smem:$0x3FAE] =	sst s4  }
0xd: {  	[smem:$0x3FAF] =	sst s5  }
0xe: {  	[smem:$0x3FB0] =	sst s6  }
0xf: {  	[smem:$0x3FB1] =	sst s7  }
0x10: {  	[smem:$0x3FB2] =	sst s8  }
0x11: {  	[smem:$0x3FB3] =	sst s9;
	s0 =	simm.s32 @!p0 $0x0  }
0x12: {  	s1 =	sld [smem:$0x3F99];
	s0 =	simm.s32 @p0 $0x1  }
0x13: {  	[smem:$0x3FB4] =	sst s0;
	s0 =	simm.s32 @!p1 $0x0  }
0x14: {  	s2 =	sld [smem:$0x3F98];
	s0 =	simm.s32 @p1 $0x1  }
0x15: {  	[smem:$0x3FB5] =	sst s0;
	s0 =	simm.s32 @!p2 $0x0  }
0x16: {  	s3 =	sld [smem:$0x3FDB];
	s0 =	simm.s32 @p2 $0x1  }
0x17: {  	s4 =	simm.s32 $0x1BF5;
	[smem:$0x3FB7] =	sst s0  }
0x18: {  	s0 =	sld [smem:$0x3F9A];
	_ =	swait.ge [sflag:s4], $0x0  }
0x19: {  	s7 =	sld [smem:$0x3F9B]  }
0x1a: {  	s8 =	sadd.s32 $0xFFFFE003, lr  }
0x1b: {  	s9 =	sadd.s32 $0xFFFFFEF7, lr;
	s5 =	simm.s32 $0xFFFFFFFF;
	p2 =	slt.u32 s8, $0xFFFFF086  }
0x1c: {  	p1 =	slt.u32 s9, $0xF7A;
	s5 =	simm.s32 @!p2 $0x0  }
0x1d: {  	s5 =	simm.s32 @p1 $0x1;
	p0 =	seq.s32 s7, s2  }
0x1e: {  	s7 =	smul.u32 @!p0 $0xF7A, s2;
	p2 =	seq.s32 @!p0 s5, $0x0  }
0x1f: {  	s9 =	smul.u32 $0xF7A, s1;
	s8 =	simm.s32 @!p0 $0x1BF5;
	p2 =	por !p2, p0  }
0x20: {  	[sflag:s8] =	ssyncset.s32 @!p0 $0xFFFFF086;
	s6 =	sadd.s32 @!p0 s3, s7;
	s7 =	simm.s32 @!p0 $0x108  }
0x21: {  	s3 =	sadd.s32 s3, s9;
	s6 =	sadd.s32 @!p0 $0x88, s6;
	s7 =	simm.s32 @p2 $0x1082  }
0x22: {  	[simem:s7], [sflag:s8] =	dma.local @!p0 [hbm:s6], $0xF7A  }
0x23: {  	s9 =	sor.u32 $0xD0000000, s2;
	s6 =	simm.s32 $0x108;
	_ =	swait.ge @!p0 [sflag:s8], $0x0  }
0x24: {  	s3 =	sadd.s32 $0x88, s3;
	s6 =	simm.s32 @!p1 $0x1082;
	[sflag:s4] =	ssyncset.s32 $0xFFFFF086  }
0x25: {  	[simem:s6], [sflag:s4] =	dma.local [hbm:s3], $0xF7A  }
0x26: {  	[smem:$0x3F9B] =	sst s1;
	(tag) =	ssettag s2;
	_ =	strace s9  }
0x27: {  	s1 =	sld [smem:$0x3FAB]  }
0x28: {  	s2 =	sld [smem:$0x3FAC]  }
0x29: {  	s4 =	sld [smem:$0x3FAE]  }
0x2a: {  	p0 =	seq.s32 s5, $0x0;
	s5 =	sld [smem:$0x3FAF]  }
0x2b: {  	s6 =	sld [smem:$0x3FB0]  }
0x2c: {  	s7 =	sld [smem:$0x3FB1]  }
0x2d: {  	s3 =	simm.s32 $0x108;
	s8 =	sld [smem:$0x3FB2]  }
0x2e: {  	s3 =	simm.s32 @!p0 $0x1082;
	s9 =	sld [smem:$0x3FB3]  }
0x2f: {  	lr =	sadd.s32 s0, s3;
	s0 =	sld [smem:$0x3FAA]  }
0x30: {  	s3 =	sld [smem:$0x3FAD]  }
0x31: {  	[smem:$0x3FB6] =	sst s10  }
0x32: {  	s10 =	sld [smem:$0x3FB4];
	_ =	sdelay $0x3  }
0x33: {  	p0 =	seq.s32 s10, $0x1;
	s10 =	sld [smem:$0x3FB6];
	_ =	sdelay $0x3  }
0x34: {  	[smem:$0x3FB6] =	sst s10  }
0x35: {  	s10 =	sld [smem:$0x3FB5];
	_ =	sdelay $0x3  }
0x36: {  	p1 =	seq.s32 s10, $0x1;
	s10 =	sld [smem:$0x3FB6];
	_ =	sdelay $0x3  }
0x37: {  	[smem:$0x3FB6] =	sst s10  }
0x38: {  	s10 =	sld [smem:$0x3FB7]  }
0x39: {  	_ = 	snop;
	(pc) =	sbr.ind lr, $3  }
0x3a: {  	_ = 	snop  }
0x3b: {  	_ = 	snop  }
0x3c: {  	p2 =	seq.s32 s10, $0x1;
	s10 =	sld [smem:$0x3FB6]  }
0x3d: {  	_ =	shalt  }
0x3e: {  	_ =	shalt  }
0x3f: {  	_ =	shalt  }
0x40: {  	_ =	shalt  }
0x41: {  	_ =	shalt  }
0x42: {  	_ =	shalt  }
0x43: {  	_ =	shalt  }
0x44: {  	_ =	shalt  }
0x45: {  	_ =	shalt  }
0x46: {  	_ =	shalt  }
0x47: {  	_ =	shalt  }
0x48: {  	_ =	shalt  }
0x49: {  	_ =	shalt  }
0x4a: {  	_ =	shalt  }
0x4b: {  	_ =	shalt  }
0x4c: {  	_ =	shalt  }
0x4d: {  	_ =	shalt  }
0x4e: {  	_ =	shalt  }
0x4f: {  	_ =	shalt  }
0x50: {  	_ =	shalt  }
0x51: {  	_ =	shalt  }
0x52: {  	_ =	shalt  }
0x53: {  	_ =	shalt  }
0x54: {  	_ =	shalt  }
0x55: {  	_ =	shalt  }
0x56: {  	_ =	shalt  }
0x57: {  	_ =	shalt  }
0x58: {  	_ =	shalt  }
0x59: {  	_ =	shalt  }
0x5a: {  	_ =	shalt  }
0x5b: {  	_ =	shalt  }
0x5c: {  	_ =	shalt  }
0x5d: {  	_ =	shalt  }
0x5e: {  	_ =	shalt  }
0x5f: {  	_ =	shalt  }
0x60: {  	_ =	shalt  }
0x61: {  	_ =	shalt  }
0x62: {  	_ =	shalt  }
0x63: {  	_ =	shalt  }
0x64: {  	_ =	shalt  }
0x65: {  	_ =	shalt  }
0x66: {  	_ =	shalt  }
0x67: {  	_ =	shalt  }
0x68: {  	_ =	shalt  }
0x69: {  	_ =	shalt  }
0x6a: {  	_ =	shalt  }
0x6b: {  	_ =	shalt  }
0x6c: {  	_ =	shalt  }
0x6d: {  	_ =	shalt  }
0x6e: {  	_ =	shalt  }
0x6f: {  	_ =	shalt  }
0x70: {  	_ =	shalt  }
0x71: {  	_ =	shalt  }
0x72: {  	_ =	shalt  }
0x73: {  	_ =	shalt  }
0x74: {  	_ =	shalt  }
0x75: {  	_ =	shalt  }
0x76: {  	_ =	shalt  }
0x77: {  	_ =	shalt  }
0x78: {  	_ =	shalt  }
0x79: {  	_ =	shalt  }
0x7a: {  	_ =	shalt  }
0x7b: {  	_ =	shalt  }
0x7c: {  	_ =	shalt  }
0x7d: {  	_ =	shalt  }
0x7e: {  	_ =	shalt  }
0x7f: {  	_ =	shalt  }
0x80: {  	_ =	shalt  }
0x81: {  	_ =	shalt  }
0x82: {  	_ =	shalt  }
0x83: {  	_ =	shalt  }
0x84: {  	_ =	shalt  }
0x85: {  	_ =	shalt  }
0x86: {  	_ =	shalt  }
0x87: {  	_ =	shalt  }
.Lfunc_end0:
.L_simem_size_0:
called_computation.2_lowered:
.L_overlay_start_0:
0x88: {  	s2 =	sld [smem:$0x3FD9]  }
0x89: {  	s3 =	sld [smem:$0x3FFE];
	_ =	sdelay $0x1  }
0x8a: {  	s1 =	srdreg.scid  }
0x8b: {  	s0 =	sand.u32 $0x1, s1  }
0x8c: {  	s16 =	sshll.u32 s0, $0xA;
	s2 =	sadd.s32 s3, s2  }
0x8d: {  	s2 =	sadd.s32 s2, s16  }
0x8e: {  	[smem:$0x3FC2] =	sst s2  }
0x8f: {  	_ = 	snop  }
0x90: {  	(tm) =	ssettm $0x1  }
0x91: {  	s17 =	sld [smem:$0x3FFB];
	_ =	sdelay $0x3  }
0x92: {  	_ =	strace s17  }
0x93: {  	s2 =	sld [smem:$0x3FFC];
	_ =	sdelay $0x3  }
0x94: {  	_ =	strace s2  }
0x95: {  	s2 =	sld [smem:$0x3FFD];
	_ =	sdelay $0x3  }
0x96: {  	_ =	strace s2  }
0x97: {  	_ =	strace $0x8FFFFFFF  }
0x98: {  	s18 =	sld [smem:$0x3FDB];
	_ =	sdelay $0x1  }
0x99: {  	s19 =	simm.s32 $_scs_section_size  }
0x9a: {  	s4 =	simm.s32 $_size__tile_overlayer_lowered;
	s5 =	simm.s32 $_tile_overlayer_lowered  }
0x9b: {  	s22 =	simm.s32 $0x1BFF;
	s21 =	sshll.u32 s5, $0x1;
	s2 =	sadd.s32 s19, s18  }
0x9c: {  	s6 =	simm.s32 $0x0;
	s20 =	sshll.u32 s4, $0x1;
	s4 =	sadd.s32 s21, s2  }
0x9d: {  	[timem:s6], [sflag:s22] =	dma.local [hbm:s4], s20  }
0x9e: {  	_ =	swait.ge [sflag:s22], s20  }
0x9f: {  	s3 =	ssub.s32 $0x0, s20;
	[sflag:s22] =	ssyncset.done $0x0  }
0xa0: {  	[sflag:s22] =	ssyncadd.s32 s3;
	_ =	sdelay $0x1  }
0xa1: {  	s23 =	simm.s32 $0x1B8B  }
0xa2: {  	_ =	swait.ge [sflag:s23], $0x1  }
0xa3: {  	[sflag:s23] =	ssyncset.done $0x0  }
0xa4: {  	s25 =	simm.s32 $0x1B8E;
	s24 =	sld [smem:$0x3FFE];
	[sflag:s23] =	ssyncadd.s32 $0xFFFFFFFF  }
0xa5: {  	s26 =	simm.s32 $execute0_lowered;
	[smem:$0x3FD2] =	sst s25  }
0xa6: {  	s4 =	sshll.u32 s26, $0x1;
	_ =	strace $0x8000004C;
	[dreg:$0x1] =	wrdreg $0xFFFFFFFF  }
0xa7: {  	s28 =	simm.s32 $_size_execute0_lowered;
	s2 =	sadd.s32 s2, s4;
	[dreg:$0x0] =	wrdreg $0x0  }
0xa8: {  	s4 =	sshll.u32 s28, $0x1;
	[dreg:$0x2] =	wrdreg s2  }
0xa9: {  	[dreg:$0x3] =	wrdreg s4  }
0xaa: {  	[dreg:$0x4] =	wrdreg $0xC0  }
0xab: {  	_ =	task [dreg:s6], $0x5FFFF  }
0xac: {  	[dreg:$0x1] =	wrdreg $0xFFFFFFFF  }
0xad: {  	[dreg:$0x0] =	wrdreg $0x60  }
0xae: {  	[dreg:$0x2] =	wrdreg s24  }
0xaf: {  	[dreg:$0x3] =	wrdreg $0x9  }
0xb0: {  	_ =	task.clear_ibuf [dreg:s6], $0x4FFFF;
	_ =	strace $0x9000004C  }
0xb1: {  	s29 =	simm.s32 $0x9;
	_ =	strace $0x8000004E  }
0xb2: {  	_ =	swait.ge [sflag:s29], $0x1  }
0xb3: {  	[sflag:s29] =	ssyncadd.s32 $0xFFFFFFFF  }
0xb4: {  	_ =	strace $0x9000004E  }
0xb5: {  	_ =	sfence  }
0xb6: {  	s30 =	sld [smem:$0x0];
	_ =	sdelay $0x2  }
0xb7: {  	s31 =	sshll.u32 s1, $0xD;
	s1 =	sshrl.u32 s1, $0x2  }
0xb8: {  	s3 =	sand.u32 $0x4000, s31;
	s1 =	sadd.s32 s1, s30  }
0xb9: {  	s0 =	sor.u32 s3, s0;
	s1 =	sshll.u32 s1, $0x11  }
0xba: {  	s0 =	sor.u32 s1, s0  }
0xbb: {  	s0 =	sadd.s32 $0x8F2B, s0  }
0xbc: {  	[sflag:s0] =	ssyncadd.remote.s32 $0x1  }
0xbd: {  	_ =	sfence.sel $0xFFFF  }
0xbe: {  	[dreg:$0x0] =	wrdreg $0xFFFFFFFF;
	(pc) =	sbr.abs _section_cstart, $3  }
0xbf: {  	[dreg:$0x1] =	wrdreg $0xFFFFFFFF  }
0xc0: {  	_ =	task.clear_ibuf [dreg:s6], $0x2FFFF;
	_ =	strace $0x9FFFFFFF  }
0xc1: {  	(tm) =	ssettm $0x7FFFFFFF  }
tec
execute0_lowered:
.L_overlay_start_1:
0x0: {  	(tag) =	ssettag $0x1  }
0x1: {  	s1 =	srdreg.scid;
	s0 =	stileid.u32  }
0x2: {  	s5 =	rddreg [dreg:$0x0];
	s2 =	simm.s32 $0x0;
	s9 =	simm.s32 $0x18F00  }
0x3: {  	s10 =	simm.s32 $0x5;
	s11 =	simm.s32 $0x16780;
	s12 =	simm.s32 $0x1B680  }
0x4: {  	s13 =	simm.s32 $0x1;
	s14 =	simm.s32 $0x3;
	s15 =	simm.s32 $0xA000  }
0x5: {  	s16 =	simm.s32 $0x2;
	s17 =	simm.s32 $0x4;
	s18 =	simm.s32 $0x6  }
0x6: {  	s3 =	sand.u32 $0x1, s1;
	s4 =	sshll.u32 s0, $0x1;
	s1 =	rddreg [dreg:$0x1]  }
0x7: {  	s19 =	simm.s32 $0x0;
	[smem:$0x7FF] =	sst s2;
	s4 =	sor.u32 s3, s4  }
0x8: {  	s7 =	ssub.s32 $0x2, s3;
	_ =	strace $0x8000004D;
	s6 =	smul.u32 $0x1400, s4  }
0x9: {  	s3 =	sadd.s32 $0xB000, s5;
	s8 =	sshrl.u32 s7, $0x1;
	s4 =	sadd.s32 $0x1200, s5  }
0xa: {  	s7 =	ssub.s32 s7, s8;
	s8 =	simm.s32 $0x14000;
	s6 =	sadd.s32 s6, s5  }
0xb: {  	v0 =	vimm.f32 $0.0e+00;
	s7 =	smax.u32 s7, $0x1;
	s5 =	sadd.s32 $0x14E00, s6;
	s6 =	sadd.s32 $0x3CE00, s6  }
.LBB2_1:
0xc: {  	[tilespmem:s2], [sflag:$0x5] =	stream.linear.gather [hbm4b:s5+s2], $0xA000, $0x38;
	[tilespmem:$0x1DE00] =	vst v63  }
0xd: {  	s20 =	simm.s32 $0xA040  }
0xe: {  	[tilespmem:s20+$0xFFFFFFC0] =	vst v0  }
0xf: {  	[tilespmem:s20+$0x30] =	vst v0  }
0x10: {  	[tilespmem:s20+$0x20] =	vst v0  }
0x11: {  	[tilespmem:s20+$0x10] =	vst v0  }
0x12: {  	[tilespmem:s20+$0x0] =	vst v0  }
0x13: {  	[tilespmem:s20+$0xFFFFFFF0] =	vst v0  }
0x14: {  	s21 =	simm.s32 $0x0;
	[tilespmem:s20+$0xFFFFFFE0] =	vst v0  }
.LBB2_2:
0x15: {  	s21 =	sadd.s32 $0x80, s21;
	[tilespmem:s20+$0xFFFFFFD0] =	vst v0;
	s20 =	sadd.s32 $0x80, s20  }
0x16: {  	[tilespmem:s20+$0xFFFFFFC0] =	vst v0;
	p0 =	slt.u32 s21, $0x9F80  }
0x17: {  	[tilespmem:s20+$0x30] =	vst v0  }
.Ltmp0:
0x18: {  	[tilespmem:s20+$0x20] =	vst v0;
	(pc) =	sbr.rel @p0 .LBB2_2-.Ltmp0, $4  }
0x19: {  	[tilespmem:s20+$0x10] =	vst v0  }
0x1a: {  	[tilespmem:s20+$0x0] =	vst v0  }
0x1b: {  	[tilespmem:s20+$0xFFFFFFF0] =	vst v0  }
0x1c: {  	[tilespmem:s20+$0xFFFFFFE0] =	vst v0  }
0x1d: {  	[tilespmem:s20+$0xFFFFFFD0] =	vst v0;
	s20 =	simm.s32 $0x0  }
0x1e: {  	[tilespmem:s8], [sflag:$0x1] =	stream.linear.gather [hbm4b:s4+s20], $0x2710, $0x38;
	[tilespmem:$0x1DE00] =	vst v63  }
0x1f: {  	_ = 	snop  }
0x20: {  	[tilespmem:s9], [sflag:$0x3] =	stream.linear.gather [hbm4b:s3+s20], $0x2710, $0x38;
	[tilespmem:$0x1DE00] =	vst v63  }
0x21: {  	_ =	swait.ge [sflag:s10], $0xA000  }
0x22: {  	[sflag:s10] =	ssyncset.done $0x0  }
0x23: {  	[sflag:s10] =	ssyncadd.s32 $0xFFFF6000  }
.LBB2_4:
0x24: {  	s21 =	smul.u32 $0x4E20, s20;
	_ =	sdelay $0x1  }
0x25: {  	s21 =	sshrl.u32 s21, $0x3  }
0x26: {  	s21 =	sadd.s32 $0x4E2, s21  }
0x27: {  	s22 =	sadd.s32 s4, s21  }
0x28: {  	[tilespmem:s11], [sflag:$0x2] =	stream.linear.gather [hbm4b:s22+s2], $0x2710, $0x38;
	[tilespmem:$0x1DE00] =	vst v63  }
0x29: {  	s21 =	sadd.s32 s3, s21  }
0x2a: {  	[tilespmem:s12], [sflag:$0x4] =	stream.linear.gather [hbm4b:s21+s2], $0x2710, $0x38;
	[tilespmem:$0x1DE00] =	vst v63  }
0x2b: {  	_ =	swait.ge [sflag:s13], $0x2710  }
0x2c: {  	[sflag:s13] =	ssyncset.done $0x0  }
0x2d: {  	[sflag:s13] =	ssyncadd.s32 $0xFFFFD8F0  }
0x2e: {  	_ =	swait.ge [sflag:s14], $0x2710  }
0x2f: {  	[sflag:s14] =	ssyncset.done $0x0  }
0x30: {  	s31 =	simm.s32 $0x14040;
	[sflag:s14] =	ssyncadd.s32 $0xFFFFD8F0  }
0x31: {  	v1 =	vld [tilespmem:s31+$0x30]  }
0x32: {  	v2 =	vld [tilespmem:s31+$0xFFFFFFD0]  }
0x33: {  	v3 =	vld [tilespmem:s31+$0xFFFFFFE0]  }
0x34: {  	v4 =	vld [tilespmem:s31+$0xFFFFFFF0]  }
0x35: {  	v5 =	vld [tilespmem:s31+$0x0]  }
0x36: {  	s21 =	simm.s32 $0x18F40;
	v6 =	vld [tilespmem:s31+$0x10]  }
0x37: {  	v7 =	vld [tilespmem:s21+$0x30]  }
0x38: {  	v8 =	vld [tilespmem:s31+$0x20]  }
0x39: {  	v10 =	vld [tilespmem:s31+$0xFFFFFFC0]  }
0x3a: {  	v20 =	vld [tilespmem:s21+$0xFFFFFFC0]  }
0x3b: {  	v21 =	vld [tilespmem:s21+$0xFFFFFFD0]  }
0x3c: {  	v63 =	vld [tilespmem:s21+$0xFFFFFFE0]  }
0x3d: {  	v22 =	vld [tilespmem:s21+$0xFFFFFFF0]  }
0x3e: {  	v23 =	vld [tilespmem:s21+$0x0]  }
0x3f: {  	v24 =	vld [tilespmem:s21+$0x10]  }
0x40: {  	v25 =	vld [tilespmem:s21+$0x20]  }
0x41: {  	v9 =	vld.idx.msk [tilespmem:v1+s2+$0x0], $0xffff  }
0x42: {  	v11 =	vld.idx.msk [tilespmem:v2+s2+$0x0], $0xffff  }
0x43: {  	v13 =	vld.idx.msk [tilespmem:v3+s2+$0x0], $0xffff  }
0x44: {  	v14 =	vld.idx.msk [tilespmem:v4+s2+$0x0], $0xffff  }
0x45: {  	v17 =	vld.idx.msk [tilespmem:v10+s2+$0x0], $0xffff  }
0x46: {  	v15 =	vld.idx.msk [tilespmem:v5+s2+$0x0], $0xffff  }
0x47: {  	v62 =	vld.idx.msk [tilespmem:v6+s2+$0x0], $0xffff  }
0x48: {  	v19 =	vld.idx.msk [tilespmem:v8+s2+$0x0], $0xffff  }
0x49: {  	[tilespmem:v7+s15+$0x0] =	vst.idx.add.f32.msk $0xffff, v9  }
0x4a: {  	v12 =	vadd.s32 $0x2800, v1;
	[tilespmem:v20+s15+$0x0] =	vst.idx.add.f32.msk $0xffff, v17  }
0x4b: {  	[tilespmem:v21+s15+$0x0] =	vst.idx.add.f32.msk $0xffff, v11  }
0x4c: {  	[tilespmem:v63+s15+$0x0] =	vst.idx.add.f32.msk $0xffff, v13  }
0x4d: {  	v30 =	vadd.s32 $0x2800, v2;
	[tilespmem:v22+s15+$0x0] =	vst.idx.add.f32.msk $0xffff, v14  }
0x4e: {  	v31 =	vadd.s32 $0x2800, v3;
	[tilespmem:v23+s15+$0x0] =	vst.idx.add.f32.msk $0xffff, v15  }
0x4f: {  	v16 =	vadd.s32 $0x2800, v7;
	v9 =	vld.idx.msk [tilespmem:v12+s2+$0x0], $0xffff  }
0x50: {  	v18 =	vadd.s32 $0x5000, v1;
	[tilespmem:v24+s15+$0x0] =	vst.idx.add.f32.msk $0xffff, v62  }
0x51: {  	v33 =	vadd.s32 $0x2800, v6;
	[tilespmem:v25+s15+$0x0] =	vst.idx.add.f32.msk $0xffff, v19  }
0x52: {  	v34 =	vadd.s32 $0x2800, v8;
	v11 =	vld.idx.msk [tilespmem:v30+s2+$0x0], $0xffff  }
0x53: {  	v36 =	vadd.s32 $0x2800, v21;
	v13 =	vld.idx.msk [tilespmem:v31+s2+$0x0], $0xffff  }
0x54: {  	v37 =	vadd.s32 $0x2800, v63;
	[tilespmem:v16+s15+$0x0] =	vst.idx.add.f32.msk $0xffff, v9  }
0x55: {  	v28 =	vadd.s32 $0x5000, v7;
	v9 =	vld.idx.msk [tilespmem:v18+s2+$0x0], $0xffff  }
0x56: {  	v1 =	vadd.s32 $0x7800, v1;
	v12 =	vld.idx.msk [tilespmem:v33+s2+$0x0], $0xffff  }
0x57: {  	v27 =	vadd.s32 $0x2800, v24;
	v14 =	vld.idx.msk [tilespmem:v34+s2+$0x0], $0xffff  }
0x58: {  	v41 =	vadd.s32 $0x5000, v2;
	[tilespmem:v36+s15+$0x0] =	vst.idx.add.f32.msk $0xffff, v11  }
0x59: {  	v29 =	vadd.s32 $0x2800, v10;
	[tilespmem:v37+s15+$0x0] =	vst.idx.add.f32.msk $0xffff, v13  }
0x5a: {  	v39 =	vadd.s32 $0x2800, v25;
	[tilespmem:v28+s15+$0x0] =	vst.idx.add.f32.msk $0xffff, v9  }
0x5b: {  	v7 =	vadd.s32 $0x7800, v7;
	v1 =	vld.idx.msk [tilespmem:v1+s2+$0x0], $0xffff  }
0x5c: {  	v45 =	vadd.s32 $0x5000, v8;
	[tilespmem:v27+s15+$0x0] =	vst.idx.add.f32.msk $0xffff, v12  }
0x5d: {  	v47 =	vadd.s32 $0x5000, v21;
	v13 =	vld.idx.msk [tilespmem:v41+s2+$0x0], $0xffff  }
0x5e: {  	v35 =	vadd.s32 $0x2800, v20;
	v9 =	vld.idx.msk [tilespmem:v29+s2+$0x0], $0xffff  }
0x5f: {  	v44 =	vadd.s32 $0x5000, v6;
	[tilespmem:v39+s15+$0x0] =	vst.idx.add.f32.msk $0xffff, v14  }
0x60: {  	[tilespmem:v7+s15+$0x0] =	vst.idx.add.f32.msk $0xffff, v1;
	v1 =	vadd.s32 $0x2800, v4  }
0x61: {  	v32 =	vadd.s32 $0x2800, v5;
	v14 =	vld.idx.msk [tilespmem:v45+s2+$0x0], $0xffff  }
0x62: {  	v40 =	vadd.s32 $0x5000, v10;
	[tilespmem:v47+s15+$0x0] =	vst.idx.add.f32.msk $0xffff, v13  }
0x63: {  	v52 =	vadd.s32 $0x5000, v25;
	[tilespmem:v35+s15+$0x0] =	vst.idx.add.f32.msk $0xffff, v9  }
0x64: {  	v51 =	vadd.s32 $0x5000, v24;
	v9 =	vld.idx.msk [tilespmem:v44+s2+$0x0], $0xffff  }
0x65: {  	v38 =	vadd.s32 $0x2800, v22;
	v1 =	vld.idx.msk [tilespmem:v1+s2+$0x0], $0xffff  }
0x66: {  	v26 =	vadd.s32 $0x2800, v23;
	v7 =	vld.idx.msk [tilespmem:v32+s2+$0x0], $0xffff  }
0x67: {  	v46 =	vadd.s32 $0x5000, v20;
	v11 =	vld.idx.msk [tilespmem:v40+s2+$0x0], $0xffff  }
0x68: {  	v54 =	vadd.s32 $0x7800, v6;
	[tilespmem:v52+s15+$0x0] =	vst.idx.add.f32.msk $0xffff, v14  }
0x69: {  	v43 =	vadd.s32 $0x5000, v5;
	[tilespmem:v51+s15+$0x0] =	vst.idx.add.f32.msk $0xffff, v9  }
0x6a: {  	[tilespmem:v38+s15+$0x0] =	vst.idx.add.f32.msk $0xffff, v1;
	v1 =	vadd.s32 $0x5000, v3  }
0x6b: {  	v10 =	vadd.s32 $0x7800, v10;
	[tilespmem:v26+s15+$0x0] =	vst.idx.add.f32.msk $0xffff, v7  }
0x6c: {  	v42 =	vadd.s32 $0x5000, v4;
	[tilespmem:v46+s15+$0x0] =	vst.idx.add.f32.msk $0xffff, v11  }
0x6d: {  	v53 =	vadd.s32 $0x7800, v5;
	v62 =	vadd.s32 $0x7800, v24;
	v5 =	vld.idx.msk [tilespmem:v54+s2+$0x0], $0xffff  }
0x6e: {  	v50 =	vadd.s32 $0x5000, v23;
	v12 =	vld.idx.msk [tilespmem:v43+s2+$0x0], $0xffff  }
0x6f: {  	v48 =	vadd.s32 $0x5000, v63;
	v1 =	vld.idx.msk [tilespmem:v1+s2+$0x0], $0xffff  }
0x70: {  	v57 =	vadd.s32 $0x7800, v20;
	v55 =	vld.idx.msk [tilespmem:v10+s2+$0x0], $0xffff  }
0x71: {  	v49 =	vadd.s32 $0x5000, v22;
	v7 =	vld.idx.msk [tilespmem:v42+s2+$0x0], $0xffff  }
0x72: {  	v56 =	vadd.s32 $0x7800, v8;
	[tilespmem:v62+s15+$0x0] =	vst.idx.add.f32.msk $0xffff, v5  }
0x73: {  	[tilespmem:v50+s15+$0x0] =	vst.idx.add.f32.msk $0xffff, v12  }
0x74: {  	[tilespmem:v48+s15+$0x0] =	vst.idx.add.f32.msk $0xffff, v1;
	v1 =	vadd.s32 $0x7800, v2  }
0x75: {  	[tilespmem:v57+s15+$0x0] =	vst.idx.add.f32.msk $0xffff, v55;
	v2 =	vadd.s32 $0x7800, v3  }
0x76: {  	[tilespmem:v49+s15+$0x0] =	vst.idx.add.f32.msk $0xffff, v7;
	v3 =	vadd.s32 $0x7800, v4  }
0x77: {  	v59 =	vadd.s32 $0x7800, v63;
	v63 =	vadd.s32 $0x7800, v25;
	v7 =	vld.idx.msk [tilespmem:v56+s2+$0x0], $0xffff  }
0x78: {  	v61 =	vadd.s32 $0x7800, v23;
	v4 =	vld.idx.msk [tilespmem:v53+s2+$0x0], $0xffff  }
0x79: {  	v58 =	vadd.s32 $0x7800, v21;
	v1 =	vld.idx.msk [tilespmem:v1+s2+$0x0], $0xffff  }
0x7a: {  	v2 =	vld.idx.msk [tilespmem:v2+s2+$0x0], $0xffff  }
0x7b: {  	v60 =	vadd.s32 $0x7800, v22;
	v3 =	vld.idx.msk [tilespmem:v3+s2+$0x0], $0xffff  }
0x7c: {  	[tilespmem:v63+s15+$0x0] =	vst.idx.add.f32.msk $0xffff, v7  }
0x7d: {  	[tilespmem:v61+s15+$0x0] =	vst.idx.add.f32.msk $0xffff, v4  }
0x7e: {  	[tilespmem:v58+s15+$0x0] =	vst.idx.add.f32.msk $0xffff, v1  }
0x7f: {  	[tilespmem:v59+s15+$0x0] =	vst.idx.add.f32.msk $0xffff, v2  }
0x80: {  	s23 =	simm.s32 $0x140C0;
	s22 =	simm.s32 $0x0;
	[tilespmem:v60+s15+$0x0] =	vst.idx.add.f32.msk $0xffff, v3  }
.LBB2_5:
0x81: {  	v12 =	vld [tilespmem:s23+$0x30];
	s22 =	sadd.s32 $0x80, s22  }
0x82: {  	v5 =	vld [tilespmem:s23+$0xFFFFFFD0];
	p0 =	slt.u32 s22, $0x2680  }
0x83: {  	v6 =	vld [tilespmem:s23+$0xFFFFFFE0]  }
0x84: {  	v10 =	vld [tilespmem:s23+$0xFFFFFFF0]  }
0x85: {  	v13 =	vld [tilespmem:s23+$0x0]  }
0x86: {  	s21 =	sadd.s32 $0x80, s21;
	v14 =	vld [tilespmem:s23+$0x10]  }
0x87: {  	v15 =	vadd.s32 $0x2800, v5;
	v7 =	vadd.s32 $0x5000, v5;
	v1 =	vadd.s32 $0x7800, v5;
	v16 =	vld [tilespmem:s21+$0x30]  }
0x88: {  	v17 =	vadd.s32 $0x2800, v6;
	v8 =	vadd.s32 $0x5000, v6;
	v2 =	vadd.s32 $0x7800, v6;
	v18 =	vld [tilespmem:s23+$0x20]  }
0x89: {  	v19 =	vadd.s32 $0x2800, v10;
	v9 =	vadd.s32 $0x5000, v10;
	v3 =	vadd.s32 $0x7800, v10;
	v20 =	vld.idx.msk [tilespmem:v12+s2+$0x0], $0xffff  }
0x8a: {  	v21 =	vld [tilespmem:s23+$0xFFFFFFC0];
	v22 =	vadd.s32 $0x2800, v13;
	v11 =	vadd.s32 $0x5000, v13;
	v4 =	vadd.s32 $0x7800, v13  }
0x8b: {  	v26 =	vadd.s32 $0x2800, v12;
	v23 =	vld.idx.msk [tilespmem:v5+s2+$0x0], $0xffff;
	v24 =	vadd.s32 $0x2800, v14;
	v25 =	vadd.s32 $0x5000, v14  }
0x8c: {  	v5 =	vadd.s32 $0x7800, v14;
	v27 =	vld.idx.msk [tilespmem:v6+s2+$0x0], $0xffff  }
0x8d: {  	v28 =	vld.idx.msk [tilespmem:v10+s2+$0x0], $0xffff;
	v29 =	vadd.s32 $0x2800, v18;
	v30 =	vadd.s32 $0x5000, v18;
	v6 =	vadd.s32 $0x7800, v18  }
0x8e: {  	v13 =	vld.idx.msk [tilespmem:v13+s2+$0x0], $0xffff  }
0x8f: {  	v31 =	vadd.s32 $0x2800, v21;
	v32 =	vadd.s32 $0x5000, v21;
	v10 =	vadd.s32 $0x7800, v21;
	[tilespmem:v16+s15+$0x0] =	vst.idx.add.f32.msk $0xffff, v20  }
0x90: {  	v20 =	vld.idx.msk [tilespmem:v26+s2+$0x0], $0xffff  }
0x91: {  	v26 =	vadd.s32 $0x2800, v16;
	v14 =	vld.idx.msk [tilespmem:v14+s2+$0x0], $0xffff  }
0x92: {  	v33 =	vadd.s32 $0x5000, v12;
	v21 =	vld.idx.msk [tilespmem:v21+s2+$0x0], $0xffff  }
0x93: {  	v18 =	vld.idx.msk [tilespmem:v18+s2+$0x0], $0xffff  }
0x94: {  	v34 =	vld [tilespmem:s21+$0xFFFFFFC0]  }
0x95: {  	v35 =	vld [tilespmem:s21+$0xFFFFFFD0]  }
0x96: {  	[tilespmem:v26+s15+$0x0] =	vst.idx.add.f32.msk $0xffff, v20  }
0x97: {  	v20 =	vld.idx.msk [tilespmem:v33+s2+$0x0], $0xffff  }
0x98: {  	v33 =	vadd.s32 $0x5000, v16;
	v26 =	vld [tilespmem:s21+$0xFFFFFFE0]  }
0x99: {  	v12 =	vadd.s32 $0x7800, v12;
	v36 =	vadd.s32 $0x2800, v34;
	v37 =	vadd.s32 $0x5000, v34;
	v38 =	vld [tilespmem:s21+$0xFFFFFFF0]  }
0x9a: {  	v39 =	vadd.s32 $0x7800, v34;
	v40 =	vadd.s32 $0x2800, v35;
	v41 =	vadd.s32 $0x5000, v35;
	v42 =	vld [tilespmem:s21+$0x0]  }
0x9b: {  	v43 =	vadd.s32 $0x7800, v35;
	v44 =	vld [tilespmem:s21+$0x10]  }
0x9c: {  	v45 =	vld [tilespmem:s21+$0x20]  }
0x9d: {  	v46 =	vadd.s32 $0x2800, v26;
	v47 =	vadd.s32 $0x5000, v26;
	v48 =	vadd.s32 $0x7800, v26;
	[tilespmem:v33+s15+$0x0] =	vst.idx.add.f32.msk $0xffff, v20  }
0x9e: {  	v20 =	vadd.s32 $0x2800, v38;
	v33 =	vadd.s32 $0x5000, v38;
	v49 =	vadd.s32 $0x7800, v38;
	v12 =	vld.idx.msk [tilespmem:v12+s2+$0x0], $0xffff  }
0x9f: {  	v16 =	vadd.s32 $0x7800, v16;
	[tilespmem:v34+s15+$0x0] =	vst.idx.add.f32.msk $0xffff, v21;
	v21 =	vadd.s32 $0x2800, v42;
	v34 =	vadd.s32 $0x5000, v42  }
0xa0: {  	[tilespmem:v35+s15+$0x0] =	vst.idx.add.f32.msk $0xffff, v23;
	v23 =	vadd.s32 $0x7800, v42;
	v35 =	vadd.s32 $0x2800, v44;
	v50 =	vadd.s32 $0x5000, v44  }
0xa1: {  	[tilespmem:v26+s15+$0x0] =	vst.idx.add.f32.msk $0xffff, v27;
	v26 =	vadd.s32 $0x7800, v44;
	v27 =	vadd.s32 $0x2800, v45;
	v51 =	vadd.s32 $0x5000, v45  }
0xa2: {  	[tilespmem:v38+s15+$0x0] =	vst.idx.add.f32.msk $0xffff, v28;
	v28 =	vadd.s32 $0x7800, v45  }
0xa3: {  	[tilespmem:v42+s15+$0x0] =	vst.idx.add.f32.msk $0xffff, v13  }
0xa4: {  	[tilespmem:v16+s15+$0x0] =	vst.idx.add.f32.msk $0xffff, v12  }
0xa5: {  	[tilespmem:v44+s15+$0x0] =	vst.idx.add.f32.msk $0xffff, v14  }
0xa6: {  	[tilespmem:v45+s15+$0x0] =	vst.idx.add.f32.msk $0xffff, v18  }
0xa7: {  	v12 =	vld.idx.msk [tilespmem:v31+s2+$0x0], $0xffff  }
0xa8: {  	v13 =	vld.idx.msk [tilespmem:v15+s2+$0x0], $0xffff  }
0xa9: {  	v14 =	vld.idx.msk [tilespmem:v17+s2+$0x0], $0xffff  }
0xaa: {  	v15 =	vld.idx.msk [tilespmem:v19+s2+$0x0], $0xffff  }
0xab: {  	v16 =	vld.idx.msk [tilespmem:v22+s2+$0x0], $0xffff  }
0xac: {  	v17 =	vld.idx.msk [tilespmem:v24+s2+$0x0], $0xffff  }
0xad: {  	v18 =	vld.idx.msk [tilespmem:v29+s2+$0x0], $0xffff  }
0xae: {  	[tilespmem:v36+s15+$0x0] =	vst.idx.add.f32.msk $0xffff, v12  }
0xaf: {  	[tilespmem:v40+s15+$0x0] =	vst.idx.add.f32.msk $0xffff, v13  }
0xb0: {  	[tilespmem:v46+s15+$0x0] =	vst.idx.add.f32.msk $0xffff, v14  }
0xb1: {  	[tilespmem:v20+s15+$0x0] =	vst.idx.add.f32.msk $0xffff, v15  }
0xb2: {  	[tilespmem:v21+s15+$0x0] =	vst.idx.add.f32.msk $0xffff, v16  }
0xb3: {  	[tilespmem:v35+s15+$0x0] =	vst.idx.add.f32.msk $0xffff, v17  }
0xb4: {  	[tilespmem:v27+s15+$0x0] =	vst.idx.add.f32.msk $0xffff, v18  }
0xb5: {  	v12 =	vld.idx.msk [tilespmem:v32+s2+$0x0], $0xffff  }
0xb6: {  	v7 =	vld.idx.msk [tilespmem:v7+s2+$0x0], $0xffff  }
0xb7: {  	v8 =	vld.idx.msk [tilespmem:v8+s2+$0x0], $0xffff  }
0xb8: {  	v9 =	vld.idx.msk [tilespmem:v9+s2+$0x0], $0xffff  }
0xb9: {  	v11 =	vld.idx.msk [tilespmem:v11+s2+$0x0], $0xffff  }
0xba: {  	v13 =	vld.idx.msk [tilespmem:v25+s2+$0x0], $0xffff  }
0xbb: {  	v14 =	vld.idx.msk [tilespmem:v30+s2+$0x0], $0xffff  }
0xbc: {  	[tilespmem:v37+s15+$0x0] =	vst.idx.add.f32.msk $0xffff, v12  }
0xbd: {  	[tilespmem:v41+s15+$0x0] =	vst.idx.add.f32.msk $0xffff, v7  }
0xbe: {  	[tilespmem:v47+s15+$0x0] =	vst.idx.add.f32.msk $0xffff, v8  }
0xbf: {  	[tilespmem:v33+s15+$0x0] =	vst.idx.add.f32.msk $0xffff, v9  }
0xc0: {  	[tilespmem:v34+s15+$0x0] =	vst.idx.add.f32.msk $0xffff, v11  }
0xc1: {  	[tilespmem:v50+s15+$0x0] =	vst.idx.add.f32.msk $0xffff, v13  }
0xc2: {  	[tilespmem:v51+s15+$0x0] =	vst.idx.add.f32.msk $0xffff, v14  }
0xc3: {  	v7 =	vld.idx.msk [tilespmem:v10+s2+$0x0], $0xffff  }
0xc4: {  	v1 =	vld.idx.msk [tilespmem:v1+s2+$0x0], $0xffff  }
0xc5: {  	v2 =	vld.idx.msk [tilespmem:v2+s2+$0x0], $0xffff  }
0xc6: {  	v3 =	vld.idx.msk [tilespmem:v3+s2+$0x0], $0xffff  }
0xc7: {  	v4 =	vld.idx.msk [tilespmem:v4+s2+$0x0], $0xffff  }
0xc8: {  	v5 =	vld.idx.msk [tilespmem:v5+s2+$0x0], $0xffff  }
0xc9: {  	v6 =	vld.idx.msk [tilespmem:v6+s2+$0x0], $0xffff  }
0xca: {  	[tilespmem:v39+s15+$0x0] =	vst.idx.add.f32.msk $0xffff, v7  }
0xcb: {  	[tilespmem:v43+s15+$0x0] =	vst.idx.add.f32.msk $0xffff, v1  }
.Ltmp1:
0xcc: {  	[tilespmem:v48+s15+$0x0] =	vst.idx.add.f32.msk $0xffff, v2;
	(pc) =	sbr.rel @p0 .LBB2_5-.Ltmp1, $4  }
0xcd: {  	[tilespmem:v49+s15+$0x0] =	vst.idx.add.f32.msk $0xffff, v3  }
0xce: {  	[tilespmem:v23+s15+$0x0] =	vst.idx.add.f32.msk $0xffff, v4  }
0xcf: {  	[tilespmem:v26+s15+$0x0] =	vst.idx.add.f32.msk $0xffff, v5  }
0xd0: {  	s23 =	sadd.s32 $0x80, s23;
	[tilespmem:v28+s15+$0x0] =	vst.idx.add.f32.msk $0xffff, v6  }
0xd1: {  	v1 =	vld [tilespmem:$0x16700];
	_ =	sdelay $0x4  }
0xd2: {  	v2 =	vld [tilespmem:$0x1B600];
	_ =	sdelay $0x2  }
0xd3: {  	v3 =	vld.idx.msk [tilespmem:v1+s2+$0x0], $0xffff  }
0xd4: {  	v4 =	vadd.s32 $0x2800, v1;
	_ =	sdelay $0x3  }
0xd5: {  	[tilespmem:v2+s15+$0x0] =	vst.idx.add.f32.msk $0xffff, v3  }
0xd6: {  	v58 =	vadd.s32 $0x2800, v2;
	v3 =	vld.idx.msk [tilespmem:v4+s2+$0x0], $0xffff  }
0xd7: {  	v5 =	vadd.s32 $0x5000, v1;
	_ =	sdelay $0x3  }
0xd8: {  	[tilespmem:v58+s15+$0x0] =	vst.idx.add.f32.msk $0xffff, v3  }
0xd9: {  	v59 =	vadd.s32 $0x5000, v2;
	v3 =	vld.idx.msk [tilespmem:v5+s2+$0x0], $0xffff  }
0xda: {  	v1 =	vadd.s32 $0x7800, v1;
	_ =	sdelay $0x3  }
0xdb: {  	s21 =	sshll.u32 s20, $0x1;
	[tilespmem:v59+s15+$0x0] =	vst.idx.add.f32.msk $0xffff, v3  }
0xdc: {  	s21 =	smin.u32 s21, $0x1C;
	v2 =	vadd.s32 $0x7800, v2;
	v1 =	vld.idx.msk [tilespmem:v1+s2+$0x0], $0xffff  }
0xdd: {  	s21 =	smul.u32 $0x2710, s21;
	_ =	sdelay $0x1  }
0xde: {  	s21 =	sshrl.u32 s21, $0x3  }
0xdf: {  	s21 =	sadd.s32 $0x9C4, s21  }
0xe0: {  	s22 =	sadd.s32 s4, s21;
	[tilespmem:v2+s15+$0x0] =	vst.idx.add.f32.msk $0xffff, v1  }
0xe1: {  	[tilespmem:s8], [sflag:$0x1] =	stream.linear.gather [hbm4b:s22+s2], $0x2710, $0x38;
	[tilespmem:$0x1DE00] =	vst v63  }
0xe2: {  	s21 =	sadd.s32 s3, s21  }
0xe3: {  	[tilespmem:s9], [sflag:$0x3] =	stream.linear.gather [hbm4b:s21+s2], $0x2710, $0x38;
	[tilespmem:$0x1DE00] =	vst v63  }
0xe4: {  	_ =	swait.ge [sflag:s16], $0x2710  }
0xe5: {  	[sflag:s16] =	ssyncset.done $0x0  }
0xe6: {  	[sflag:s16] =	ssyncadd.s32 $0xFFFFD8F0  }
0xe7: {  	_ =	swait.ge [sflag:s17], $0x2710  }
0xe8: {  	[sflag:s17] =	ssyncset.done $0x0  }
0xe9: {  	s31 =	simm.s32 $0x167C0;
	[sflag:s17] =	ssyncadd.s32 $0xFFFFD8F0  }
0xea: {  	v1 =	vld [tilespmem:s31+$0x30]  }
0xeb: {  	v2 =	vld [tilespmem:s31+$0xFFFFFFD0]  }
0xec: {  	v3 =	vld [tilespmem:s31+$0xFFFFFFE0]  }
0xed: {  	v60 =	vld [tilespmem:s31+$0xFFFFFFF0]  }
0xee: {  	v61 =	vld [tilespmem:s31+$0x0]  }
0xef: {  	s21 =	simm.s32 $0x1B6C0;
	v6 =	vld [tilespmem:s31+$0x10]  }
0xf0: {  	v7 =	vld [tilespmem:s21+$0x30]  }
0xf1: {  	v8 =	vld [tilespmem:s31+$0x20]  }
0xf2: {  	v10 =	vld [tilespmem:s31+$0xFFFFFFC0]  }
0xf3: {  	v20 =	vld [tilespmem:s21+$0xFFFFFFC0]  }
0xf4: {  	v21 =	vld [tilespmem:s21+$0xFFFFFFD0]  }
0xf5: {  	v63 =	vld [tilespmem:s21+$0xFFFFFFE0]  }
0xf6: {  	v22 =	vld [tilespmem:s21+$0xFFFFFFF0]  }
0xf7: {  	v23 =	vld [tilespmem:s21+$0x0]  }
0xf8: {  	v24 =	vld [tilespmem:s21+$0x10]  }
0xf9: {  	v25 =	vld [tilespmem:s21+$0x20]  }
0xfa: {  	v9 =	vld.idx.msk [tilespmem:v1+s2+$0x0], $0xffff  }
0xfb: {  	v11 =	vld.idx.msk [tilespmem:v2+s2+$0x0], $0xffff  }
0xfc: {  	v13 =	vld.idx.msk [tilespmem:v3+s2+$0x0], $0xffff  }
0xfd: {  	v14 =	vld.idx.msk [tilespmem:v60+s2+$0x0], $0xffff  }
0xfe: {  	v17 =	vld.idx.msk [tilespmem:v10+s2+$0x0], $0xffff  }
0xff: {  	v15 =	vld.idx.msk [tilespmem:v61+s2+$0x0], $0xffff  }
0x100: {  	v62 =	vld.idx.msk [tilespmem:v6+s2+$0x0], $0xffff  }
0x101: {  	v19 =	vld.idx.msk [tilespmem:v8+s2+$0x0], $0xffff  }
0x102: {  	[tilespmem:v7+s15+$0x0] =	vst.idx.add.f32.msk $0xffff, v9  }
0x103: {  	v12 =	vadd.s32 $0x2800, v1;
	[tilespmem:v20+s15+$0x0] =	vst.idx.add.f32.msk $0xffff, v17  }
0x104: {  	[tilespmem:v21+s15+$0x0] =	vst.idx.add.f32.msk $0xffff, v11  }
0x105: {  	[tilespmem:v63+s15+$0x0] =	vst.idx.add.f32.msk $0xffff, v13  }
0x106: {  	v30 =	vadd.s32 $0x2800, v2;
	[tilespmem:v22+s15+$0x0] =	vst.idx.add.f32.msk $0xffff, v14  }
0x107: {  	v31 =	vadd.s32 $0x2800, v3;
	[tilespmem:v23+s15+$0x0] =	vst.idx.add.f32.msk $0xffff, v15  }
0x108: {  	v16 =	vadd.s32 $0x2800, v7;
	v9 =	vld.idx.msk [tilespmem:v12+s2+$0x0], $0xffff  }
0x109: {  	v18 =	vadd.s32 $0x5000, v1;
	[tilespmem:v24+s15+$0x0] =	vst.idx.add.f32.msk $0xffff, v62  }
0x10a: {  	v33 =	vadd.s32 $0x2800, v6;
	[tilespmem:v25+s15+$0x0] =	vst.idx.add.f32.msk $0xffff, v19  }
0x10b: {  	v34 =	vadd.s32 $0x2800, v8;
	v11 =	vld.idx.msk [tilespmem:v30+s2+$0x0], $0xffff  }
0x10c: {  	v36 =	vadd.s32 $0x2800, v21;
	v13 =	vld.idx.msk [tilespmem:v31+s2+$0x0], $0xffff  }
0x10d: {  	v37 =	vadd.s32 $0x2800, v63;
	[tilespmem:v16+s15+$0x0] =	vst.idx.add.f32.msk $0xffff, v9  }
0x10e: {  	v28 =	vadd.s32 $0x5000, v7;
	v9 =	vld.idx.msk [tilespmem:v18+s2+$0x0], $0xffff  }
0x10f: {  	v1 =	vadd.s32 $0x7800, v1;
	v12 =	vld.idx.msk [tilespmem:v33+s2+$0x0], $0xffff  }
0x110: {  	v27 =	vadd.s32 $0x2800, v24;
	v14 =	vld.idx.msk [tilespmem:v34+s2+$0x0], $0xffff  }
0x111: {  	v41 =	vadd.s32 $0x5000, v2;
	[tilespmem:v36+s15+$0x0] =	vst.idx.add.f32.msk $0xffff, v11  }
0x112: {  	v29 =	vadd.s32 $0x2800, v10;
	[tilespmem:v37+s15+$0x0] =	vst.idx.add.f32.msk $0xffff, v13  }
0x113: {  	v39 =	vadd.s32 $0x2800, v25;
	[tilespmem:v28+s15+$0x0] =	vst.idx.add.f32.msk $0xffff, v9  }
0x114: {  	v7 =	vadd.s32 $0x7800, v7;
	v1 =	vld.idx.msk [tilespmem:v1+s2+$0x0], $0xffff  }
0x115: {  	v45 =	vadd.s32 $0x5000, v8;
	[tilespmem:v27+s15+$0x0] =	vst.idx.add.f32.msk $0xffff, v12  }
0x116: {  	v47 =	vadd.s32 $0x5000, v21;
	v13 =	vld.idx.msk [tilespmem:v41+s2+$0x0], $0xffff  }
0x117: {  	v35 =	vadd.s32 $0x2800, v20;
	v9 =	vld.idx.msk [tilespmem:v29+s2+$0x0], $0xffff  }
0x118: {  	v44 =	vadd.s32 $0x5000, v6;
	[tilespmem:v39+s15+$0x0] =	vst.idx.add.f32.msk $0xffff, v14  }
0x119: {  	[tilespmem:v7+s15+$0x0] =	vst.idx.add.f32.msk $0xffff, v1;
	v1 =	vadd.s32 $0x2800, v60  }
0x11a: {  	v32 =	vadd.s32 $0x2800, v61;
	v14 =	vld.idx.msk [tilespmem:v45+s2+$0x0], $0xffff  }
0x11b: {  	v52 =	vadd.s32 $0x5000, v25;
	[tilespmem:v47+s15+$0x0] =	vst.idx.add.f32.msk $0xffff, v13  }
0x11c: {  	v40 =	vadd.s32 $0x5000, v10;
	[tilespmem:v35+s15+$0x0] =	vst.idx.add.f32.msk $0xffff, v9  }
0x11d: {  	v51 =	vadd.s32 $0x5000, v24;
	v9 =	vld.idx.msk [tilespmem:v44+s2+$0x0], $0xffff  }
0x11e: {  	v38 =	vadd.s32 $0x2800, v22;
	v1 =	vld.idx.msk [tilespmem:v1+s2+$0x0], $0xffff  }
0x11f: {  	v26 =	vadd.s32 $0x2800, v23;
	v7 =	vld.idx.msk [tilespmem:v32+s2+$0x0], $0xffff  }
0x120: {  	v54 =	vadd.s32 $0x7800, v6;
	[tilespmem:v52+s15+$0x0] =	vst.idx.add.f32.msk $0xffff, v14  }
0x121: {  	v46 =	vadd.s32 $0x5000, v20;
	v11 =	vld.idx.msk [tilespmem:v40+s2+$0x0], $0xffff  }
0x122: {  	v43 =	vadd.s32 $0x5000, v61;
	[tilespmem:v51+s15+$0x0] =	vst.idx.add.f32.msk $0xffff, v9  }
0x123: {  	[tilespmem:v38+s15+$0x0] =	vst.idx.add.f32.msk $0xffff, v1;
	v1 =	vadd.s32 $0x5000, v3  }
0x124: {  	v10 =	vadd.s32 $0x7800, v10;
	[tilespmem:v26+s15+$0x0] =	vst.idx.add.f32.msk $0xffff, v7  }
0x125: {  	v62 =	vadd.s32 $0x7800, v24;
	v5 =	vld.idx.msk [tilespmem:v54+s2+$0x0], $0xffff  }
0x126: {  	v42 =	vadd.s32 $0x5000, v60;
	[tilespmem:v46+s15+$0x0] =	vst.idx.add.f32.msk $0xffff, v11  }
0x127: {  	v50 =	vadd.s32 $0x5000, v23;
	v12 =	vld.idx.msk [tilespmem:v43+s2+$0x0], $0xffff  }
0x128: {  	v48 =	vadd.s32 $0x5000, v63;
	v1 =	vld.idx.msk [tilespmem:v1+s2+$0x0], $0xffff  }
0x129: {  	v57 =	vadd.s32 $0x7800, v20;
	v55 =	vld.idx.msk [tilespmem:v10+s2+$0x0], $0xffff  }
0x12a: {  	v53 =	vadd.s32 $0x7800, v61;
	[tilespmem:v62+s15+$0x0] =	vst.idx.add.f32.msk $0xffff, v5  }
0x12b: {  	v49 =	vadd.s32 $0x5000, v22;
	v7 =	vld.idx.msk [tilespmem:v42+s2+$0x0], $0xffff  }
0x12c: {  	v56 =	vadd.s32 $0x7800, v8;
	[tilespmem:v50+s15+$0x0] =	vst.idx.add.f32.msk $0xffff, v12  }
0x12d: {  	[tilespmem:v48+s15+$0x0] =	vst.idx.add.f32.msk $0xffff, v1;
	v1 =	vadd.s32 $0x7800, v2  }
0x12e: {  	[tilespmem:v57+s15+$0x0] =	vst.idx.add.f32.msk $0xffff, v55;
	v2 =	vadd.s32 $0x7800, v3  }
0x12f: {  	v4 =	vld.idx.msk [tilespmem:v53+s2+$0x0], $0xffff;
	v3 =	vadd.s32 $0x7800, v60  }
0x130: {  	v61 =	vadd.s32 $0x7800, v23;
	[tilespmem:v49+s15+$0x0] =	vst.idx.add.f32.msk $0xffff, v7  }
0x131: {  	v59 =	vadd.s32 $0x7800, v63;
	v63 =	vadd.s32 $0x7800, v25;
	v7 =	vld.idx.msk [tilespmem:v56+s2+$0x0], $0xffff  }
0x132: {  	v58 =	vadd.s32 $0x7800, v21;
	v1 =	vld.idx.msk [tilespmem:v1+s2+$0x0], $0xffff  }
0x133: {  	v2 =	vld.idx.msk [tilespmem:v2+s2+$0x0], $0xffff  }
0x134: {  	v60 =	vadd.s32 $0x7800, v22;
	v3 =	vld.idx.msk [tilespmem:v3+s2+$0x0], $0xffff  }
0x135: {  	[tilespmem:v61+s15+$0x0] =	vst.idx.add.f32.msk $0xffff, v4  }
0x136: {  	[tilespmem:v63+s15+$0x0] =	vst.idx.add.f32.msk $0xffff, v7  }
0x137: {  	[tilespmem:v58+s15+$0x0] =	vst.idx.add.f32.msk $0xffff, v1  }
0x138: {  	[tilespmem:v59+s15+$0x0] =	vst.idx.add.f32.msk $0xffff, v2  }
0x139: {  	s23 =	simm.s32 $0x16840;
	s22 =	simm.s32 $0x0;
	[tilespmem:v60+s15+$0x0] =	vst.idx.add.f32.msk $0xffff, v3  }
.LBB2_7:
0x13a: {  	v12 =	vld [tilespmem:s23+$0x30];
	s22 =	sadd.s32 $0x80, s22  }
0x13b: {  	v5 =	vld [tilespmem:s23+$0xFFFFFFD0];
	p0 =	slt.u32 s22, $0x2680  }
0x13c: {  	v6 =	vld [tilespmem:s23+$0xFFFFFFE0]  }
0x13d: {  	v10 =	vld [tilespmem:s23+$0xFFFFFFF0]  }
0x13e: {  	v13 =	vld [tilespmem:s23+$0x0]  }
0x13f: {  	s21 =	sadd.s32 $0x80, s21;
	v14 =	vld [tilespmem:s23+$0x10]  }
0x140: {  	v15 =	vadd.s32 $0x2800, v5;
	v7 =	vadd.s32 $0x5000, v5;
	v1 =	vadd.s32 $0x7800, v5;
	v16 =	vld [tilespmem:s21+$0x30]  }
0x141: {  	v17 =	vadd.s32 $0x2800, v6;
	v8 =	vadd.s32 $0x5000, v6;
	v2 =	vadd.s32 $0x7800, v6;
	v18 =	vld [tilespmem:s23+$0x20]  }
0x142: {  	v19 =	vadd.s32 $0x2800, v10;
	v9 =	vadd.s32 $0x5000, v10;
	v3 =	vadd.s32 $0x7800, v10;
	v20 =	vld.idx.msk [tilespmem:v12+s2+$0x0], $0xffff  }
0x143: {  	v21 =	vld [tilespmem:s23+$0xFFFFFFC0];
	v22 =	vadd.s32 $0x2800, v13;
	v11 =	vadd.s32 $0x5000, v13;
	v4 =	vadd.s32 $0x7800, v13  }
0x144: {  	v26 =	vadd.s32 $0x2800, v12;
	v23 =	vld.idx.msk [tilespmem:v5+s2+$0x0], $0xffff;
	v24 =	vadd.s32 $0x2800, v14;
	v25 =	vadd.s32 $0x5000, v14  }
0x145: {  	v5 =	vadd.s32 $0x7800, v14;
	v27 =	vld.idx.msk [tilespmem:v6+s2+$0x0], $0xffff  }
0x146: {  	v28 =	vld.idx.msk [tilespmem:v10+s2+$0x0], $0xffff;
	v29 =	vadd.s32 $0x2800, v18;
	v30 =	vadd.s32 $0x5000, v18;
	v6 =	vadd.s32 $0x7800, v18  }
0x147: {  	v13 =	vld.idx.msk [tilespmem:v13+s2+$0x0], $0xffff  }
0x148: {  	v31 =	vadd.s32 $0x2800, v21;
	v32 =	vadd.s32 $0x5000, v21;
	v10 =	vadd.s32 $0x7800, v21;
	[tilespmem:v16+s15+$0x0] =	vst.idx.add.f32.msk $0xffff, v20  }
0x149: {  	v20 =	vld.idx.msk [tilespmem:v26+s2+$0x0], $0xffff  }
0x14a: {  	v26 =	vadd.s32 $0x2800, v16;
	v14 =	vld.idx.msk [tilespmem:v14+s2+$0x0], $0xffff  }
0x14b: {  	v33 =	vadd.s32 $0x5000, v12;
	v21 =	vld.idx.msk [tilespmem:v21+s2+$0x0], $0xffff  }
0x14c: {  	v18 =	vld.idx.msk [tilespmem:v18+s2+$0x0], $0xffff  }
0x14d: {  	v34 =	vld [tilespmem:s21+$0xFFFFFFC0]  }
0x14e: {  	v35 =	vld [tilespmem:s21+$0xFFFFFFD0]  }
0x14f: {  	[tilespmem:v26+s15+$0x0] =	vst.idx.add.f32.msk $0xffff, v20  }
0x150: {  	v20 =	vld.idx.msk [tilespmem:v33+s2+$0x0], $0xffff  }
0x151: {  	v33 =	vadd.s32 $0x5000, v16;
	v26 =	vld [tilespmem:s21+$0xFFFFFFE0]  }
0x152: {  	v12 =	vadd.s32 $0x7800, v12;
	v36 =	vadd.s32 $0x2800, v34;
	v37 =	vadd.s32 $0x5000, v34;
	v38 =	vld [tilespmem:s21+$0xFFFFFFF0]  }
0x153: {  	v39 =	vadd.s32 $0x7800, v34;
	v40 =	vadd.s32 $0x2800, v35;
	v41 =	vadd.s32 $0x5000, v35;
	v42 =	vld [tilespmem:s21+$0x0]  }
0x154: {  	v43 =	vadd.s32 $0x7800, v35;
	v44 =	vld [tilespmem:s21+$0x10]  }
0x155: {  	v45 =	vld [tilespmem:s21+$0x20]  }
0x156: {  	v46 =	vadd.s32 $0x2800, v26;
	v47 =	vadd.s32 $0x5000, v26;
	v48 =	vadd.s32 $0x7800, v26;
	[tilespmem:v33+s15+$0x0] =	vst.idx.add.f32.msk $0xffff, v20  }
0x157: {  	v20 =	vadd.s32 $0x2800, v38;
	v33 =	vadd.s32 $0x5000, v38;
	v49 =	vadd.s32 $0x7800, v38;
	v12 =	vld.idx.msk [tilespmem:v12+s2+$0x0], $0xffff  }
0x158: {  	v16 =	vadd.s32 $0x7800, v16;
	[tilespmem:v34+s15+$0x0] =	vst.idx.add.f32.msk $0xffff, v21;
	v21 =	vadd.s32 $0x2800, v42;
	v34 =	vadd.s32 $0x5000, v42  }
0x159: {  	[tilespmem:v35+s15+$0x0] =	vst.idx.add.f32.msk $0xffff, v23;
	v23 =	vadd.s32 $0x7800, v42;
	v35 =	vadd.s32 $0x2800, v44;
	v50 =	vadd.s32 $0x5000, v44  }
0x15a: {  	[tilespmem:v26+s15+$0x0] =	vst.idx.add.f32.msk $0xffff, v27;
	v26 =	vadd.s32 $0x7800, v44;
	v27 =	vadd.s32 $0x2800, v45;
	v51 =	vadd.s32 $0x5000, v45  }
0x15b: {  	[tilespmem:v38+s15+$0x0] =	vst.idx.add.f32.msk $0xffff, v28;
	v28 =	vadd.s32 $0x7800, v45  }
0x15c: {  	[tilespmem:v42+s15+$0x0] =	vst.idx.add.f32.msk $0xffff, v13  }
0x15d: {  	[tilespmem:v16+s15+$0x0] =	vst.idx.add.f32.msk $0xffff, v12  }
0x15e: {  	[tilespmem:v44+s15+$0x0] =	vst.idx.add.f32.msk $0xffff, v14  }
0x15f: {  	[tilespmem:v45+s15+$0x0] =	vst.idx.add.f32.msk $0xffff, v18  }
0x160: {  	v12 =	vld.idx.msk [tilespmem:v31+s2+$0x0], $0xffff  }
0x161: {  	v13 =	vld.idx.msk [tilespmem:v15+s2+$0x0], $0xffff  }
0x162: {  	v14 =	vld.idx.msk [tilespmem:v17+s2+$0x0], $0xffff  }
0x163: {  	v15 =	vld.idx.msk [tilespmem:v19+s2+$0x0], $0xffff  }
0x164: {  	v16 =	vld.idx.msk [tilespmem:v22+s2+$0x0], $0xffff  }
0x165: {  	v17 =	vld.idx.msk [tilespmem:v24+s2+$0x0], $0xffff  }
0x166: {  	v18 =	vld.idx.msk [tilespmem:v29+s2+$0x0], $0xffff  }
0x167: {  	[tilespmem:v36+s15+$0x0] =	vst.idx.add.f32.msk $0xffff, v12  }
0x168: {  	[tilespmem:v40+s15+$0x0] =	vst.idx.add.f32.msk $0xffff, v13  }
0x169: {  	[tilespmem:v46+s15+$0x0] =	vst.idx.add.f32.msk $0xffff, v14  }
0x16a: {  	[tilespmem:v20+s15+$0x0] =	vst.idx.add.f32.msk $0xffff, v15  }
0x16b: {  	[tilespmem:v21+s15+$0x0] =	vst.idx.add.f32.msk $0xffff, v16  }
0x16c: {  	[tilespmem:v35+s15+$0x0] =	vst.idx.add.f32.msk $0xffff, v17  }
0x16d: {  	[tilespmem:v27+s15+$0x0] =	vst.idx.add.f32.msk $0xffff, v18  }
0x16e: {  	v12 =	vld.idx.msk [tilespmem:v32+s2+$0x0], $0xffff  }
0x16f: {  	v7 =	vld.idx.msk [tilespmem:v7+s2+$0x0], $0xffff  }
0x170: {  	v8 =	vld.idx.msk [tilespmem:v8+s2+$0x0], $0xffff  }
0x171: {  	v9 =	vld.idx.msk [tilespmem:v9+s2+$0x0], $0xffff  }
0x172: {  	v11 =	vld.idx.msk [tilespmem:v11+s2+$0x0], $0xffff  }
0x173: {  	v13 =	vld.idx.msk [tilespmem:v25+s2+$0x0], $0xffff  }
0x174: {  	v14 =	vld.idx.msk [tilespmem:v30+s2+$0x0], $0xffff  }
0x175: {  	[tilespmem:v37+s15+$0x0] =	vst.idx.add.f32.msk $0xffff, v12  }
0x176: {  	[tilespmem:v41+s15+$0x0] =	vst.idx.add.f32.msk $0xffff, v7  }
0x177: {  	[tilespmem:v47+s15+$0x0] =	vst.idx.add.f32.msk $0xffff, v8  }
0x178: {  	[tilespmem:v33+s15+$0x0] =	vst.idx.add.f32.msk $0xffff, v9  }
0x179: {  	[tilespmem:v34+s15+$0x0] =	vst.idx.add.f32.msk $0xffff, v11  }
0x17a: {  	[tilespmem:v50+s15+$0x0] =	vst.idx.add.f32.msk $0xffff, v13  }
0x17b: {  	[tilespmem:v51+s15+$0x0] =	vst.idx.add.f32.msk $0xffff, v14  }
0x17c: {  	v7 =	vld.idx.msk [tilespmem:v10+s2+$0x0], $0xffff  }
0x17d: {  	v1 =	vld.idx.msk [tilespmem:v1+s2+$0x0], $0xffff  }
0x17e: {  	v2 =	vld.idx.msk [tilespmem:v2+s2+$0x0], $0xffff  }
0x17f: {  	v3 =	vld.idx.msk [tilespmem:v3+s2+$0x0], $0xffff  }
0x180: {  	v4 =	vld.idx.msk [tilespmem:v4+s2+$0x0], $0xffff  }
0x181: {  	v5 =	vld.idx.msk [tilespmem:v5+s2+$0x0], $0xffff  }
0x182: {  	v6 =	vld.idx.msk [tilespmem:v6+s2+$0x0], $0xffff  }
0x183: {  	[tilespmem:v39+s15+$0x0] =	vst.idx.add.f32.msk $0xffff, v7  }
0x184: {  	[tilespmem:v43+s15+$0x0] =	vst.idx.add.f32.msk $0xffff, v1  }
.Ltmp2:
0x185: {  	[tilespmem:v48+s15+$0x0] =	vst.idx.add.f32.msk $0xffff, v2;
	(pc) =	sbr.rel @p0 .LBB2_7-.Ltmp2, $4  }
0x186: {  	[tilespmem:v49+s15+$0x0] =	vst.idx.add.f32.msk $0xffff, v3  }
0x187: {  	[tilespmem:v23+s15+$0x0] =	vst.idx.add.f32.msk $0xffff, v4  }
0x188: {  	[tilespmem:v26+s15+$0x0] =	vst.idx.add.f32.msk $0xffff, v5  }
0x189: {  	s23 =	sadd.s32 $0x80, s23;
	[tilespmem:v28+s15+$0x0] =	vst.idx.add.f32.msk $0xffff, v6  }
0x18a: {  	v1 =	vld [tilespmem:$0x18E80];
	_ =	sdelay $0x4  }
0x18b: {  	v2 =	vld [tilespmem:$0x1DD80];
	_ =	sdelay $0x2  }
0x18c: {  	v3 =	vld.idx.msk [tilespmem:v1+s2+$0x0], $0xffff  }
0x18d: {  	v4 =	vadd.s32 $0x2800, v1;
	_ =	sdelay $0x3  }
0x18e: {  	[tilespmem:v2+s15+$0x0] =	vst.idx.add.f32.msk $0xffff, v3  }
0x18f: {  	v62 =	vadd.s32 $0x2800, v2;
	v3 =	vld.idx.msk [tilespmem:v4+s2+$0x0], $0xffff  }
0x190: {  	v5 =	vadd.s32 $0x5000, v1;
	_ =	sdelay $0x3  }
0x191: {  	[tilespmem:v62+s15+$0x0] =	vst.idx.add.f32.msk $0xffff, v3  }
0x192: {  	v63 =	vadd.s32 $0x5000, v2;
	v3 =	vld.idx.msk [tilespmem:v5+s2+$0x0], $0xffff  }
0x193: {  	v1 =	vadd.s32 $0x7800, v1;
	_ =	sdelay $0x3  }
0x194: {  	s20 =	sadd.s32 $0x1, s20;
	[tilespmem:v63+s15+$0x0] =	vst.idx.add.f32.msk $0xffff, v3  }
0x195: {  	p0 =	sne.s32 s20, $0x10;
	v2 =	vadd.s32 $0x7800, v2;
	v1 =	vld.idx.msk [tilespmem:v1+s2+$0x0], $0xffff  }
.Ltmp3:
0x196: {  	_ = 	snop;
	(pc) =	sbr.rel @p0 .LBB2_4-.Ltmp3, $2  }
0x197: {  	_ =	sdelay $0x2  }
0x198: {  	[tilespmem:v2+s15+$0x0] =	vst.idx.add.f32.msk $0xffff, v1  }
0x199: {  	_ =	swait.ge [sflag:s13], $0x2710  }
0x19a: {  	[sflag:s13] =	ssyncset.done $0x0  }
0x19b: {  	[sflag:s13] =	ssyncadd.s32 $0xFFFFD8F0  }
0x19c: {  	s19 =	sadd.s32 $0x1, s19;
	_ =	swait.ge [sflag:s14], $0x2710  }
0x19d: {  	p0 =	sne.s32 s19, s7;
	[sflag:s14] =	ssyncset.done $0x0  }
.Ltmp4:
0x19e: {  	[sflag:s14] =	ssyncadd.s32 $0xFFFFD8F0;
	(pc) =	sbr.rel @p0 .LBB2_1-.Ltmp4, $4  }
0x19f: {  	[hbm4b:s6+s2] =	stream.linear.scatter [tilespmem:s15], [sflag:$0x6], $0xA000, $0x38;
	[tilespmem:$0x1DE00] =	vst v63  }
0x1a0: {  	_ =	swait.ge [sflag:s18], $0xA000  }
0x1a1: {  	[sflag:s18] =	ssyncset.done $0x0  }
0x1a2: {  	[sflag:s18] =	ssyncadd.s32 $0xFFFF6000  }
0x1a3: {  	_ =	sfence.sel $0x180000  }
0x1a4: {  	[bflag:$0x0] =	sbarrier.arrive $0xFFFF  }
0x1a5: {  	p0 =	sne.s32 s0, $0x0;
	_ =	strace $0x9000004D  }
0x1a6: {  	s0 =	sadd.s32 @!p0 $0x100000, s1;
	[bflag:$0x2] =	sbarrier.arrive $0xFFFF  }
0x1a7: {  	[sflag:s0] =	ssyncadd.tile.s32 @!p0 $0x1;
	_ =	shalt  }
.Lfunc_end2:
_tile_overlayer_lowered:
.L_overlay_start_2:
0x1a8: {  	(tag) =	ssettag $0x2  }
0x1a9: {  	s0 =	rddreg [dreg:$0x0];
	s2 =	stileid.u32  }
0x1aa: {  	s1 =	rddreg [dreg:$0x1];
	p0 =	sne.s32 s2, $0x0  }
0x1ab: {  	s3 =	rddreg [dreg:$0x2];
	[bflag:$0x3] =	sbarrier.arrive $0xFFFF;
	s2 =	simm.s32 @!p0 $0x1C06  }
0x1ac: {  	[timem:s3], [sflag:s2] =	dma.local @!p0 [hbm:s0], s1  }
0x1ad: {  	s0 =	simm.s32 @!p0 $0x6  }
0x1ae: {  	_ =	swait.ge @!p0 [sflag:s0], s1  }
0x1af: {  	s1 =	ssub.s32 @!p0 $0x0, s1;
	[sflag:s0] =	ssyncset.done @!p0 $0x0  }
0x1b0: {  	[sflag:s0] =	ssyncadd.s32 @!p0 s1  }
0x1b1: {  	[bflag:$0x3] =	sbarrier.arrive $0xFFFF  }
0x1b2: {  	_ =	shalt  }

// kernel: kernel.9.cloned.1.call-start
scs
__scs_entry_jumppad:
0x0: {  	(pc) =	sbr.rel $0x88, $3  }
0x1: {  	(tag) =	ssettag $0x0;
	lr =	simm.s32 $0x1  }
0x2: {  	[smem:$0x3F9B] =	sst lr;
	_ =	strace $0xD0000000  }
0x3: {  	_ = 	snop  }
0x4: {  	_ = 	snop  }
0x5: {  	_ = 	snop  }
0x6: {  	_ = 	snop  }
0x7: {  	_ = 	snop  }
__scs_overlays_trampoline_lowered:
0x8: {  	[smem:$0x3FAA] =	sst s0  }
0x9: {  	[smem:$0x3FAB] =	sst s1  }
0xa: {  	[smem:$0x3FAC] =	sst s2  }
0xb: {  	[smem:$0x3FAD] =	sst s3  }
0xc: {  	[smem:$0x3FAE] =	sst s4  }
0xd: {  	[smem:$0x3FAF] =	sst s5  }
0xe: {  	[smem:$0x3FB0] =	sst s6  }
0xf: {  	[smem:$0x3FB1] =	sst s7  }
0x10: {  	[smem:$0x3FB2] =	sst s8  }
0x11: {  	[smem:$0x3FB3] =	sst s9;
	s0 =	simm.s32 @!p0 $0x0  }
0x12: {  	s1 =	sld [smem:$0x3F99];
	s0 =	simm.s32 @p0 $0x1  }
0x13: {  	[smem:$0x3FB4] =	sst s0;
	s0 =	simm.s32 @!p1 $0x0  }
0x14: {  	s2 =	sld [smem:$0x3F98];
	s0 =	simm.s32 @p1 $0x1  }
0x15: {  	[smem:$0x3FB5] =	sst s0;
	s0 =	simm.s32 @!p2 $0x0  }
0x16: {  	s3 =	sld [smem:$0x3FDB];
	s0 =	simm.s32 @p2 $0x1  }
0x17: {  	s4 =	simm.s32 $0x1BF5;
	[smem:$0x3FB7] =	sst s0  }
0x18: {  	s0 =	sld [smem:$0x3F9A];
	_ =	swait.ge [sflag:s4], $0x0  }
0x19: {  	s7 =	sld [smem:$0x3F9B]  }
0x1a: {  	s8 =	sadd.s32 $0xFFFFE003, lr  }
0x1b: {  	s9 =	sadd.s32 $0xFFFFFEF7, lr;
	s5 =	simm.s32 $0xFFFFFFFF;
	p2 =	slt.u32 s8, $0xFFFFF086  }
0x1c: {  	p1 =	slt.u32 s9, $0xF7A;
	s5 =	simm.s32 @!p2 $0x0  }
0x1d: {  	s5 =	simm.s32 @p1 $0x1;
	p0 =	seq.s32 s7, s2  }
0x1e: {  	s7 =	smul.u32 @!p0 $0xF7A, s2;
	p2 =	seq.s32 @!p0 s5, $0x0  }
0x1f: {  	s9 =	smul.u32 $0xF7A, s1;
	s8 =	simm.s32 @!p0 $0x1BF5;
	p2 =	por !p2, p0  }
0x20: {  	[sflag:s8] =	ssyncset.s32 @!p0 $0xFFFFF086;
	s6 =	sadd.s32 @!p0 s3, s7;
	s7 =	simm.s32 @!p0 $0x108  }
0x21: {  	s3 =	sadd.s32 s3, s9;
	s6 =	sadd.s32 @!p0 $0x88, s6;
	s7 =	simm.s32 @p2 $0x1082  }
0x22: {  	[simem:s7], [sflag:s8] =	dma.local @!p0 [hbm:s6], $0xF7A  }
0x23: {  	s9 =	sor.u32 $0xD0000000, s2;
	s6 =	simm.s32 $0x108;
	_ =	swait.ge @!p0 [sflag:s8], $0x0  }
0x24: {  	s3 =	sadd.s32 $0x88, s3;
	s6 =	simm.s32 @!p1 $0x1082;
	[sflag:s4] =	ssyncset.s32 $0xFFFFF086  }
0x25: {  	[simem:s6], [sflag:s4] =	dma.local [hbm:s3], $0xF7A  }
0x26: {  	[smem:$0x3F9B] =	sst s1;
	(tag) =	ssettag s2;
	_ =	strace s9  }
0x27: {  	s1 =	sld [smem:$0x3FAB]  }
0x28: {  	s2 =	sld [smem:$0x3FAC]  }
0x29: {  	s4 =	sld [smem:$0x3FAE]  }
0x2a: {  	p0 =	seq.s32 s5, $0x0;
	s5 =	sld [smem:$0x3FAF]  }
0x2b: {  	s6 =	sld [smem:$0x3FB0]  }
0x2c: {  	s7 =	sld [smem:$0x3FB1]  }
0x2d: {  	s3 =	simm.s32 $0x108;
	s8 =	sld [smem:$0x3FB2]  }
0x2e: {  	s3 =	simm.s32 @!p0 $0x1082;
	s9 =	sld [smem:$0x3FB3]  }
0x2f: {  	lr =	sadd.s32 s0, s3;
	s0 =	sld [smem:$0x3FAA]  }
0x30: {  	s3 =	sld [smem:$0x3FAD]  }
0x31: {  	[smem:$0x3FB6] =	sst s10  }
0x32: {  	s10 =	sld [smem:$0x3FB4];
	_ =	sdelay $0x3  }
0x33: {  	p0 =	seq.s32 s10, $0x1;
	s10 =	sld [smem:$0x3FB6];
	_ =	sdelay $0x3  }
0x34: {  	[smem:$0x3FB6] =	sst s10  }
0x35: {  	s10 =	sld [smem:$0x3FB5];
	_ =	sdelay $0x3  }
0x36: {  	p1 =	seq.s32 s10, $0x1;
	s10 =	sld [smem:$0x3FB6];
	_ =	sdelay $0x3  }
0x37: {  	[smem:$0x3FB6] =	sst s10  }
0x38: {  	s10 =	sld [smem:$0x3FB7]  }
0x39: {  	_ = 	snop;
	(pc) =	sbr.ind lr, $3  }
0x3a: {  	_ = 	snop  }
0x3b: {  	_ = 	snop  }
0x3c: {  	p2 =	seq.s32 s10, $0x1;
	s10 =	sld [smem:$0x3FB6]  }
0x3d: {  	_ =	shalt  }
0x3e: {  	_ =	shalt  }
0x3f: {  	_ =	shalt  }
0x40: {  	_ =	shalt  }
0x41: {  	_ =	shalt  }
0x42: {  	_ =	shalt  }
0x43: {  	_ =	shalt  }
0x44: {  	_ =	shalt  }
0x45: {  	_ =	shalt  }
0x46: {  	_ =	shalt  }
0x47: {  	_ =	shalt  }
0x48: {  	_ =	shalt  }
0x49: {  	_ =	shalt  }
0x4a: {  	_ =	shalt  }
0x4b: {  	_ =	shalt  }
0x4c: {  	_ =	shalt  }
0x4d: {  	_ =	shalt  }
0x4e: {  	_ =	shalt  }
0x4f: {  	_ =	shalt  }
0x50: {  	_ =	shalt  }
0x51: {  	_ =	shalt  }
0x52: {  	_ =	shalt  }
0x53: {  	_ =	shalt  }
0x54: {  	_ =	shalt  }
0x55: {  	_ =	shalt  }
0x56: {  	_ =	shalt  }
0x57: {  	_ =	shalt  }
0x58: {  	_ =	shalt  }
0x59: {  	_ =	shalt  }
0x5a: {  	_ =	shalt  }
0x5b: {  	_ =	shalt  }
0x5c: {  	_ =	shalt  }
0x5d: {  	_ =	shalt  }
0x5e: {  	_ =	shalt  }
0x5f: {  	_ =	shalt  }
0x60: {  	_ =	shalt  }
0x61: {  	_ =	shalt  }
0x62: {  	_ =	shalt  }
0x63: {  	_ =	shalt  }
0x64: {  	_ =	shalt  }
0x65: {  	_ =	shalt  }
0x66: {  	_ =	shalt  }
0x67: {  	_ =	shalt  }
0x68: {  	_ =	shalt  }
0x69: {  	_ =	shalt  }
0x6a: {  	_ =	shalt  }
0x6b: {  	_ =	shalt  }
0x6c: {  	_ =	shalt  }
0x6d: {  	_ =	shalt  }
0x6e: {  	_ =	shalt  }
0x6f: {  	_ =	shalt  }
0x70: {  	_ =	shalt  }
0x71: {  	_ =	shalt  }
0x72: {  	_ =	shalt  }
0x73: {  	_ =	shalt  }
0x74: {  	_ =	shalt  }
0x75: {  	_ =	shalt  }
0x76: {  	_ =	shalt  }
0x77: {  	_ =	shalt  }
0x78: {  	_ =	shalt  }
0x79: {  	_ =	shalt  }
0x7a: {  	_ =	shalt  }
0x7b: {  	_ =	shalt  }
0x7c: {  	_ =	shalt  }
0x7d: {  	_ =	shalt  }
0x7e: {  	_ =	shalt  }
0x7f: {  	_ =	shalt  }
0x80: {  	_ =	shalt  }
0x81: {  	_ =	shalt  }
0x82: {  	_ =	shalt  }
0x83: {  	_ =	shalt  }
0x84: {  	_ =	shalt  }
0x85: {  	_ =	shalt  }
0x86: {  	_ =	shalt  }
0x87: {  	_ =	shalt  }
.Lfunc_end0:
.L_simem_size_0:
called_computation_lowered:
.L_overlay_start_0:
0x88: {  	s2 =	sld [smem:$0x3FD9]  }
0x89: {  	s3 =	sld [smem:$0x3FFE];
	_ =	sdelay $0x1  }
0x8a: {  	s1 =	srdreg.scid  }
0x8b: {  	s0 =	sand.u32 $0x1, s1  }
0x8c: {  	s16 =	sshll.u32 s0, $0xA;
	s2 =	sadd.s32 s3, s2  }
0x8d: {  	s2 =	sadd.s32 s2, s16  }
0x8e: {  	[smem:$0x3FC2] =	sst s2  }
0x8f: {  	_ = 	snop  }
0x90: {  	(tm) =	ssettm $0x1  }
0x91: {  	s17 =	sld [smem:$0x3FFB];
	_ =	sdelay $0x3  }
0x92: {  	_ =	strace s17  }
0x93: {  	s2 =	sld [smem:$0x3FFC];
	_ =	sdelay $0x3  }
0x94: {  	_ =	strace s2  }
0x95: {  	s2 =	sld [smem:$0x3FFD];
	_ =	sdelay $0x3  }
0x96: {  	_ =	strace s2  }
0x97: {  	_ =	strace $0x8FFFFFFF  }
0x98: {  	s18 =	sld [smem:$0x3FDB];
	_ =	sdelay $0x1  }
0x99: {  	s19 =	simm.s32 $_scs_section_size  }
0x9a: {  	s4 =	simm.s32 $_size__tile_overlayer_lowered;
	s5 =	simm.s32 $_tile_overlayer_lowered  }
0x9b: {  	s22 =	simm.s32 $0x1BFF;
	s21 =	sshll.u32 s5, $0x1;
	s2 =	sadd.s32 s19, s18  }
0x9c: {  	s6 =	simm.s32 $0x0;
	s20 =	sshll.u32 s4, $0x1;
	s4 =	sadd.s32 s21, s2  }
0x9d: {  	[timem:s6], [sflag:s22] =	dma.local [hbm:s4], s20  }
0x9e: {  	_ =	swait.ge [sflag:s22], s20  }
0x9f: {  	s3 =	ssub.s32 $0x0, s20;
	[sflag:s22] =	ssyncset.done $0x0  }
0xa0: {  	[sflag:s22] =	ssyncadd.s32 s3;
	_ =	sdelay $0x1  }
0xa1: {  	s23 =	simm.s32 $0x1B8B  }
0xa2: {  	_ =	swait.ge [sflag:s23], $0x1  }
0xa3: {  	[sflag:s23] =	ssyncset.done $0x0  }
0xa4: {  	s25 =	simm.s32 $0x1B8E;
	s24 =	sld [smem:$0x3FFE];
	[sflag:s23] =	ssyncadd.s32 $0xFFFFFFFF  }
0xa5: {  	s26 =	simm.s32 $execute0_lowered;
	[smem:$0x3FD2] =	sst s25  }
0xa6: {  	s4 =	sshll.u32 s26, $0x1;
	_ =	strace $0x80000046;
	[dreg:$0x1] =	wrdreg $0xFFFFFFFF  }
0xa7: {  	s28 =	simm.s32 $_size_execute0_lowered;
	s2 =	sadd.s32 s2, s4;
	[dreg:$0x0] =	wrdreg $0x0  }
0xa8: {  	s4 =	sshll.u32 s28, $0x1;
	[dreg:$0x2] =	wrdreg s2  }
0xa9: {  	[dreg:$0x3] =	wrdreg s4  }
0xaa: {  	[dreg:$0x4] =	wrdreg $0xC0  }
0xab: {  	_ =	task [dreg:s6], $0x5FFFF  }
0xac: {  	[dreg:$0x1] =	wrdreg $0xFFFFFFFF  }
0xad: {  	[dreg:$0x0] =	wrdreg $0x60  }
0xae: {  	[dreg:$0x2] =	wrdreg s24  }
0xaf: {  	[dreg:$0x3] =	wrdreg $0x9  }
0xb0: {  	_ =	task.clear_ibuf [dreg:s6], $0x4FFFF;
	_ =	strace $0x90000046  }
0xb1: {  	s29 =	simm.s32 $0x9;
	_ =	strace $0x80000048  }
0xb2: {  	_ =	swait.ge [sflag:s29], $0x1  }
0xb3: {  	[sflag:s29] =	ssyncadd.s32 $0xFFFFFFFF  }
0xb4: {  	_ =	strace $0x90000048  }
0xb5: {  	_ =	sfence  }
0xb6: {  	s30 =	sld [smem:$0x0];
	_ =	sdelay $0x2  }
0xb7: {  	s31 =	sshll.u32 s1, $0xD;
	s1 =	sshrl.u32 s1, $0x2  }
0xb8: {  	s3 =	sand.u32 $0x4000, s31;
	s1 =	sadd.s32 s1, s30  }
0xb9: {  	s0 =	sor.u32 s3, s0;
	s1 =	sshll.u32 s1, $0x11  }
0xba: {  	s0 =	sor.u32 s1, s0  }
0xbb: {  	s0 =	sadd.s32 $0x8F2B, s0  }
0xbc: {  	[sflag:s0] =	ssyncadd.remote.s32 $0x1  }
0xbd: {  	_ =	sfence.sel $0xFFFF  }
0xbe: {  	[dreg:$0x0] =	wrdreg $0xFFFFFFFF;
	(pc) =	sbr.abs _section_cstart, $3  }
0xbf: {  	[dreg:$0x1] =	wrdreg $0xFFFFFFFF  }
0xc0: {  	_ =	task.clear_ibuf [dreg:s6], $0x2FFFF;
	_ =	strace $0x9FFFFFFF  }
0xc1: {  	(tm) =	ssettm $0x7FFFFFFF  }
tec
execute0_lowered:
.L_overlay_start_1:
0x0: {  	(tag) =	ssettag $0x1  }
0x1: {  	s1 =	srdreg.scid;
	s0 =	stileid.u32  }
0x2: {  	s5 =	rddreg [dreg:$0x0];
	s2 =	simm.s32 $0x0;
	s9 =	simm.s32 $0x18F00  }
0x3: {  	s10 =	simm.s32 $0x5;
	s11 =	simm.s32 $0x16780;
	s12 =	simm.s32 $0x1B680  }
0x4: {  	s13 =	simm.s32 $0x1;
	s14 =	simm.s32 $0x3;
	s15 =	simm.s32 $0xA000  }
0x5: {  	s16 =	simm.s32 $0x2;
	s17 =	simm.s32 $0x4;
	s18 =	simm.s32 $0x6  }
0x6: {  	s3 =	sand.u32 $0x1, s1;
	s4 =	sshll.u32 s0, $0x1;
	s1 =	rddreg [dreg:$0x1]  }
0x7: {  	s19 =	simm.s32 $0x0;
	[smem:$0x7FF] =	sst s2;
	s4 =	sor.u32 s3, s4  }
0x8: {  	s7 =	ssub.s32 $0x2, s3;
	_ =	strace $0x80000047;
	s6 =	smul.u32 $0x1400, s4  }
0x9: {  	s3 =	sadd.s32 $0xB000, s5;
	s8 =	sshrl.u32 s7, $0x1;
	s4 =	sadd.s32 $0x1200, s5  }
0xa: {  	s7 =	ssub.s32 s7, s8;
	s8 =	simm.s32 $0x14000;
	s6 =	sadd.s32 s6, s5  }
0xb: {  	v0 =	vimm.f32 $0.0e+00;
	s7 =	smax.u32 s7, $0x1;
	s5 =	sadd.s32 $0x14E00, s6;
	s6 =	sadd.s32 $0x3CE00, s6  }
.LBB2_1:
0xc: {  	[tilespmem:s2], [sflag:$0x5] =	stream.linear.gather [hbm4b:s5+s2], $0xA000, $0x38;
	[tilespmem:$0x1DE00] =	vst v63  }
0xd: {  	s20 =	simm.s32 $0xA040  }
0xe: {  	[tilespmem:s20+$0xFFFFFFC0] =	vst v0  }
0xf: {  	[tilespmem:s20+$0x30] =	vst v0  }
0x10: {  	[tilespmem:s20+$0x20] =	vst v0  }
0x11: {  	[tilespmem:s20+$0x10] =	vst v0  }
0x12: {  	[tilespmem:s20+$0x0] =	vst v0  }
0x13: {  	[tilespmem:s20+$0xFFFFFFF0] =	vst v0  }
0x14: {  	s21 =	simm.s32 $0x0;
	[tilespmem:s20+$0xFFFFFFE0] =	vst v0  }
.LBB2_2:
0x15: {  	s21 =	sadd.s32 $0x80, s21;
	[tilespmem:s20+$0xFFFFFFD0] =	vst v0;
	s20 =	sadd.s32 $0x80, s20  }
0x16: {  	[tilespmem:s20+$0xFFFFFFC0] =	vst v0;
	p0 =	slt.u32 s21, $0x9F80  }
0x17: {  	[tilespmem:s20+$0x30] =	vst v0  }
.Ltmp0:
0x18: {  	[tilespmem:s20+$0x20] =	vst v0;
	(pc) =	sbr.rel @p0 .LBB2_2-.Ltmp0, $4  }
0x19: {  	[tilespmem:s20+$0x10] =	vst v0  }
0x1a: {  	[tilespmem:s20+$0x0] =	vst v0  }
0x1b: {  	[tilespmem:s20+$0xFFFFFFF0] =	vst v0  }
0x1c: {  	[tilespmem:s20+$0xFFFFFFE0] =	vst v0  }
0x1d: {  	[tilespmem:s20+$0xFFFFFFD0] =	vst v0;
	s20 =	simm.s32 $0x0  }
0x1e: {  	[tilespmem:s8], [sflag:$0x1] =	stream.linear.gather [hbm4b:s4+s20], $0x2710, $0x38;
	[tilespmem:$0x1DE00] =	vst v63  }
0x1f: {  	_ = 	snop  }
0x20: {  	[tilespmem:s9], [sflag:$0x3] =	stream.linear.gather [hbm4b:s3+s20], $0x2710, $0x38;
	[tilespmem:$0x1DE00] =	vst v63  }
0x21: {  	_ =	swait.ge [sflag:s10], $0xA000  }
0x22: {  	[sflag:s10] =	ssyncset.done $0x0  }
0x23: {  	[sflag:s10] =	ssyncadd.s32 $0xFFFF6000  }
.LBB2_4:
0x24: {  	s21 =	smul.u32 $0x4E20, s20;
	_ =	sdelay $0x1  }
0x25: {  	s21 =	sshrl.u32 s21, $0x3  }
0x26: {  	s21 =	sadd.s32 $0x4E2, s21  }
0x27: {  	s22 =	sadd.s32 s4, s21  }
0x28: {  	[tilespmem:s11], [sflag:$0x2] =	stream.linear.gather [hbm4b:s22+s2], $0x2710, $0x38;
	[tilespmem:$0x1DE00] =	vst v63  }
0x29: {  	s21 =	sadd.s32 s3, s21  }
0x2a: {  	[tilespmem:s12], [sflag:$0x4] =	stream.linear.gather [hbm4b:s21+s2], $0x2710, $0x38;
	[tilespmem:$0x1DE00] =	vst v63  }
0x2b: {  	_ =	swait.ge [sflag:s13], $0x2710  }
0x2c: {  	[sflag:s13] =	ssyncset.done $0x0  }
0x2d: {  	[sflag:s13] =	ssyncadd.s32 $0xFFFFD8F0  }
0x2e: {  	_ =	swait.ge [sflag:s14], $0x2710  }
0x2f: {  	[sflag:s14] =	ssyncset.done $0x0  }
0x30: {  	s31 =	simm.s32 $0x14040;
	[sflag:s14] =	ssyncadd.s32 $0xFFFFD8F0  }
0x31: {  	v1 =	vld [tilespmem:s31+$0x30]  }
0x32: {  	v2 =	vld [tilespmem:s31+$0xFFFFFFD0]  }
0x33: {  	v3 =	vld [tilespmem:s31+$0xFFFFFFE0]  }
0x34: {  	v4 =	vld [tilespmem:s31+$0xFFFFFFF0]  }
0x35: {  	v5 =	vld [tilespmem:s31+$0x0]  }
0x36: {  	s21 =	simm.s32 $0x18F40;
	v6 =	vld [tilespmem:s31+$0x10]  }
0x37: {  	v7 =	vld [tilespmem:s21+$0x30]  }
0x38: {  	v8 =	vld [tilespmem:s31+$0x20]  }
0x39: {  	v10 =	vld [tilespmem:s31+$0xFFFFFFC0]  }
0x3a: {  	v20 =	vld [tilespmem:s21+$0xFFFFFFC0]  }
0x3b: {  	v21 =	vld [tilespmem:s21+$0xFFFFFFD0]  }
0x3c: {  	v63 =	vld [tilespmem:s21+$0xFFFFFFE0]  }
0x3d: {  	v22 =	vld [tilespmem:s21+$0xFFFFFFF0]  }
0x3e: {  	v23 =	vld [tilespmem:s21+$0x0]  }
0x3f: {  	v24 =	vld [tilespmem:s21+$0x10]  }
0x40: {  	v25 =	vld [tilespmem:s21+$0x20]  }
0x41: {  	v9 =	vld.idx.msk [tilespmem:v1+s2+$0x0], $0xffff  }
0x42: {  	v11 =	vld.idx.msk [tilespmem:v2+s2+$0x0], $0xffff  }
0x43: {  	v13 =	vld.idx.msk [tilespmem:v3+s2+$0x0], $0xffff  }
0x44: {  	v14 =	vld.idx.msk [tilespmem:v4+s2+$0x0], $0xffff  }
0x45: {  	v17 =	vld.idx.msk [tilespmem:v10+s2+$0x0], $0xffff  }
0x46: {  	v15 =	vld.idx.msk [tilespmem:v5+s2+$0x0], $0xffff  }
0x47: {  	v62 =	vld.idx.msk [tilespmem:v6+s2+$0x0], $0xffff  }
0x48: {  	v19 =	vld.idx.msk [tilespmem:v8+s2+$0x0], $0xffff  }
0x49: {  	[tilespmem:v7+s15+$0x0] =	vst.idx.add.f32.msk $0xffff, v9  }
0x4a: {  	v12 =	vadd.s32 $0x2800, v1;
	[tilespmem:v20+s15+$0x0] =	vst.idx.add.f32.msk $0xffff, v17  }
0x4b: {  	[tilespmem:v21+s15+$0x0] =	vst.idx.add.f32.msk $0xffff, v11  }
0x4c: {  	[tilespmem:v63+s15+$0x0] =	vst.idx.add.f32.msk $0xffff, v13  }
0x4d: {  	v30 =	vadd.s32 $0x2800, v2;
	[tilespmem:v22+s15+$0x0] =	vst.idx.add.f32.msk $0xffff, v14  }
0x4e: {  	v31 =	vadd.s32 $0x2800, v3;
	[tilespmem:v23+s15+$0x0] =	vst.idx.add.f32.msk $0xffff, v15  }
0x4f: {  	v16 =	vadd.s32 $0x2800, v7;
	v9 =	vld.idx.msk [tilespmem:v12+s2+$0x0], $0xffff  }
0x50: {  	v18 =	vadd.s32 $0x5000, v1;
	[tilespmem:v24+s15+$0x0] =	vst.idx.add.f32.msk $0xffff, v62  }
0x51: {  	v33 =	vadd.s32 $0x2800, v6;
	[tilespmem:v25+s15+$0x0] =	vst.idx.add.f32.msk $0xffff, v19  }
0x52: {  	v34 =	vadd.s32 $0x2800, v8;
	v11 =	vld.idx.msk [tilespmem:v30+s2+$0x0], $0xffff  }
0x53: {  	v36 =	vadd.s32 $0x2800, v21;
	v13 =	vld.idx.msk [tilespmem:v31+s2+$0x0], $0xffff  }
0x54: {  	v37 =	vadd.s32 $0x2800, v63;
	[tilespmem:v16+s15+$0x0] =	vst.idx.add.f32.msk $0xffff, v9  }
0x55: {  	v28 =	vadd.s32 $0x5000, v7;
	v9 =	vld.idx.msk [tilespmem:v18+s2+$0x0], $0xffff  }
0x56: {  	v1 =	vadd.s32 $0x7800, v1;
	v12 =	vld.idx.msk [tilespmem:v33+s2+$0x0], $0xffff  }
0x57: {  	v27 =	vadd.s32 $0x2800, v24;
	v14 =	vld.idx.msk [tilespmem:v34+s2+$0x0], $0xffff  }
0x58: {  	v41 =	vadd.s32 $0x5000, v2;
	[tilespmem:v36+s15+$0x0] =	vst.idx.add.f32.msk $0xffff, v11  }
0x59: {  	v29 =	vadd.s32 $0x2800, v10;
	[tilespmem:v37+s15+$0x0] =	vst.idx.add.f32.msk $0xffff, v13  }
0x5a: {  	v39 =	vadd.s32 $0x2800, v25;
	[tilespmem:v28+s15+$0x0] =	vst.idx.add.f32.msk $0xffff, v9  }
0x5b: {  	v7 =	vadd.s32 $0x7800, v7;
	v1 =	vld.idx.msk [tilespmem:v1+s2+$0x0], $0xffff  }
0x5c: {  	v45 =	vadd.s32 $0x5000, v8;
	[tilespmem:v27+s15+$0x0] =	vst.idx.add.f32.msk $0xffff, v12  }
0x5d: {  	v47 =	vadd.s32 $0x5000, v21;
	v13 =	vld.idx.msk [tilespmem:v41+s2+$0x0], $0xffff  }
0x5e: {  	v35 =	vadd.s32 $0x2800, v20;
	v9 =	vld.idx.msk [tilespmem:v29+s2+$0x0], $0xffff  }
0x5f: {  	v44 =	vadd.s32 $0x5000, v6;
	[tilespmem:v39+s15+$0x0] =	vst.idx.add.f32.msk $0xffff, v14  }
0x60: {  	[tilespmem:v7+s15+$0x0] =	vst.idx.add.f32.msk $0xffff, v1;
	v1 =	vadd.s32 $0x2800, v4  }
0x61: {  	v32 =	vadd.s32 $0x2800, v5;
	v14 =	vld.idx.msk [tilespmem:v45+s2+$0x0], $0xffff  }
0x62: {  	v40 =	vadd.s32 $0x5000, v10;
	[tilespmem:v47+s15+$0x0] =	vst.idx.add.f32.msk $0xffff, v13  }
0x63: {  	v52 =	vadd.s32 $0x5000, v25;
	[tilespmem:v35+s15+$0x0] =	vst.idx.add.f32.msk $0xffff, v9  }
0x64: {  	v51 =	vadd.s32 $0x5000, v24;
	v9 =	vld.idx.msk [tilespmem:v44+s2+$0x0], $0xffff  }
0x65: {  	v38 =	vadd.s32 $0x2800, v22;
	v1 =	vld.idx.msk [tilespmem:v1+s2+$0x0], $0xffff  }
0x66: {  	v26 =	vadd.s32 $0x2800, v23;
	v7 =	vld.idx.msk [tilespmem:v32+s2+$0x0], $0xffff  }
0x67: {  	v46 =	vadd.s32 $0x5000, v20;
	v11 =	vld.idx.msk [tilespmem:v40+s2+$0x0], $0xffff  }
0x68: {  	v54 =	vadd.s32 $0x7800, v6;
	[tilespmem:v52+s15+$0x0] =	vst.idx.add.f32.msk $0xffff, v14  }
0x69: {  	v43 =	vadd.s32 $0x5000, v5;
	[tilespmem:v51+s15+$0x0] =	vst.idx.add.f32.msk $0xffff, v9  }
0x6a: {  	[tilespmem:v38+s15+$0x0] =	vst.idx.add.f32.msk $0xffff, v1;
	v1 =	vadd.s32 $0x5000, v3  }
0x6b: {  	v10 =	vadd.s32 $0x7800, v10;
	[tilespmem:v26+s15+$0x0] =	vst.idx.add.f32.msk $0xffff, v7  }
0x6c: {  	v42 =	vadd.s32 $0x5000, v4;
	[tilespmem:v46+s15+$0x0] =	vst.idx.add.f32.msk $0xffff, v11  }
0x6d: {  	v53 =	vadd.s32 $0x7800, v5;
	v62 =	vadd.s32 $0x7800, v24;
	v5 =	vld.idx.msk [tilespmem:v54+s2+$0x0], $0xffff  }
0x6e: {  	v50 =	vadd.s32 $0x5000, v23;
	v12 =	vld.idx.msk [tilespmem:v43+s2+$0x0], $0xffff  }
0x6f: {  	v48 =	vadd.s32 $0x5000, v63;
	v1 =	vld.idx.msk [tilespmem:v1+s2+$0x0], $0xffff  }
0x70: {  	v57 =	vadd.s32 $0x7800, v20;
	v55 =	vld.idx.msk [tilespmem:v10+s2+$0x0], $0xffff  }
0x71: {  	v49 =	vadd.s32 $0x5000, v22;
	v7 =	vld.idx.msk [tilespmem:v42+s2+$0x0], $0xffff  }
0x72: {  	v56 =	vadd.s32 $0x7800, v8;
	[tilespmem:v62+s15+$0x0] =	vst.idx.add.f32.msk $0xffff, v5  }
0x73: {  	[tilespmem:v50+s15+$0x0] =	vst.idx.add.f32.msk $0xffff, v12  }
0x74: {  	[tilespmem:v48+s15+$0x0] =	vst.idx.add.f32.msk $0xffff, v1;
	v1 =	vadd.s32 $0x7800, v2  }
0x75: {  	[tilespmem:v57+s15+$0x0] =	vst.idx.add.f32.msk $0xffff, v55;
	v2 =	vadd.s32 $0x7800, v3  }
0x76: {  	[tilespmem:v49+s15+$0x0] =	vst.idx.add.f32.msk $0xffff, v7;
	v3 =	vadd.s32 $0x7800, v4  }
0x77: {  	v59 =	vadd.s32 $0x7800, v63;
	v63 =	vadd.s32 $0x7800, v25;
	v7 =	vld.idx.msk [tilespmem:v56+s2+$0x0], $0xffff  }
0x78: {  	v61 =	vadd.s32 $0x7800, v23;
	v4 =	vld.idx.msk [tilespmem:v53+s2+$0x0], $0xffff  }
0x79: {  	v58 =	vadd.s32 $0x7800, v21;
	v1 =	vld.idx.msk [tilespmem:v1+s2+$0x0], $0xffff  }
0x7a: {  	v2 =	vld.idx.msk [tilespmem:v2+s2+$0x0], $0xffff  }
0x7b: {  	v60 =	vadd.s32 $0x7800, v22;
	v3 =	vld.idx.msk [tilespmem:v3+s2+$0x0], $0xffff  }
0x7c: {  	[tilespmem:v63+s15+$0x0] =	vst.idx.add.f32.msk $0xffff, v7  }
0x7d: {  	[tilespmem:v61+s15+$0x0] =	vst.idx.add.f32.msk $0xffff, v4  }
0x7e: {  	[tilespmem:v58+s15+$0x0] =	vst.idx.add.f32.msk $0xffff, v1  }
0x7f: {  	[tilespmem:v59+s15+$0x0] =	vst.idx.add.f32.msk $0xffff, v2  }
0x80: {  	s23 =	simm.s32 $0x140C0;
	s22 =	simm.s32 $0x0;
	[tilespmem:v60+s15+$0x0] =	vst.idx.add.f32.msk $0xffff, v3  }
.LBB2_5:
0x81: {  	v12 =	vld [tilespmem:s23+$0x30];
	s22 =	sadd.s32 $0x80, s22  }
0x82: {  	v5 =	vld [tilespmem:s23+$0xFFFFFFD0];
	p0 =	slt.u32 s22, $0x2680  }
0x83: {  	v6 =	vld [tilespmem:s23+$0xFFFFFFE0]  }
0x84: {  	v10 =	vld [tilespmem:s23+$0xFFFFFFF0]  }
0x85: {  	v13 =	vld [tilespmem:s23+$0x0]  }
0x86: {  	s21 =	sadd.s32 $0x80, s21;
	v14 =	vld [tilespmem:s23+$0x10]  }
0x87: {  	v15 =	vadd.s32 $0x2800, v5;
	v7 =	vadd.s32 $0x5000, v5;
	v1 =	vadd.s32 $0x7800, v5;
	v16 =	vld [tilespmem:s21+$0x30]  }
0x88: {  	v17 =	vadd.s32 $0x2800, v6;
	v8 =	vadd.s32 $0x5000, v6;
	v2 =	vadd.s32 $0x7800, v6;
	v18 =	vld [tilespmem:s23+$0x20]  }
0x89: {  	v19 =	vadd.s32 $0x2800, v10;
	v9 =	vadd.s32 $0x5000, v10;
	v3 =	vadd.s32 $0x7800, v10;
	v20 =	vld.idx.msk [tilespmem:v12+s2+$0x0], $0xffff  }
0x8a: {  	v21 =	vld [tilespmem:s23+$0xFFFFFFC0];
	v22 =	vadd.s32 $0x2800, v13;
	v11 =	vadd.s32 $0x5000, v13;
	v4 =	vadd.s32 $0x7800, v13  }
0x8b: {  	v26 =	vadd.s32 $0x2800, v12;
	v23 =	vld.idx.msk [tilespmem:v5+s2+$0x0], $0xffff;
	v24 =	vadd.s32 $0x2800, v14;
	v25 =	vadd.s32 $0x5000, v14  }
0x8c: {  	v5 =	vadd.s32 $0x7800, v14;
	v27 =	vld.idx.msk [tilespmem:v6+s2+$0x0], $0xffff  }
0x8d: {  	v28 =	vld.idx.msk [tilespmem:v10+s2+$0x0], $0xffff;
	v29 =	vadd.s32 $0x2800, v18;
	v30 =	vadd.s32 $0x5000, v18;
	v6 =	vadd.s32 $0x7800, v18  }
0x8e: {  	v13 =	vld.idx.msk [tilespmem:v13+s2+$0x0], $0xffff  }
0x8f: {  	v31 =	vadd.s32 $0x2800, v21;
	v32 =	vadd.s32 $0x5000, v21;
	v10 =	vadd.s32 $0x7800, v21;
	[tilespmem:v16+s15+$0x0] =	vst.idx.add.f32.msk $0xffff, v20  }
0x90: {  	v20 =	vld.idx.msk [tilespmem:v26+s2+$0x0], $0xffff  }
0x91: {  	v26 =	vadd.s32 $0x2800, v16;
	v14 =	vld.idx.msk [tilespmem:v14+s2+$0x0], $0xffff  }
0x92: {  	v33 =	vadd.s32 $0x5000, v12;
	v21 =	vld.idx.msk [tilespmem:v21+s2+$0x0], $0xffff  }
0x93: {  	v18 =	vld.idx.msk [tilespmem:v18+s2+$0x0], $0xffff  }
0x94: {  	v34 =	vld [tilespmem:s21+$0xFFFFFFC0]  }
0x95: {  	v35 =	vld [tilespmem:s21+$0xFFFFFFD0]  }
0x96: {  	[tilespmem:v26+s15+$0x0] =	vst.idx.add.f32.msk $0xffff, v20  }
0x97: {  	v20 =	vld.idx.msk [tilespmem:v33+s2+$0x0], $0xffff  }
0x98: {  	v33 =	vadd.s32 $0x5000, v16;
	v26 =	vld [tilespmem:s21+$0xFFFFFFE0]  }
0x99: {  	v12 =	vadd.s32 $0x7800, v12;
	v36 =	vadd.s32 $0x2800, v34;
	v37 =	vadd.s32 $0x5000, v34;
	v38 =	vld [tilespmem:s21+$0xFFFFFFF0]  }
0x9a: {  	v39 =	vadd.s32 $0x7800, v34;
	v40 =	vadd.s32 $0x2800, v35;
	v41 =	vadd.s32 $0x5000, v35;
	v42 =	vld [tilespmem:s21+$0x0]  }
0x9b: {  	v43 =	vadd.s32 $0x7800, v35;
	v44 =	vld [tilespmem:s21+$0x10]  }
0x9c: {  	v45 =	vld [tilespmem:s21+$0x20]  }
0x9d: {  	v46 =	vadd.s32 $0x2800, v26;
	v47 =	vadd.s32 $0x5000, v26;
	v48 =	vadd.s32 $0x7800, v26;
	[tilespmem:v33+s15+$0x0] =	vst.idx.add.f32.msk $0xffff, v20  }
0x9e: {  	v20 =	vadd.s32 $0x2800, v38;
	v33 =	vadd.s32 $0x5000, v38;
	v49 =	vadd.s32 $0x7800, v38;
	v12 =	vld.idx.msk [tilespmem:v12+s2+$0x0], $0xffff  }
0x9f: {  	v16 =	vadd.s32 $0x7800, v16;
	[tilespmem:v34+s15+$0x0] =	vst.idx.add.f32.msk $0xffff, v21;
	v21 =	vadd.s32 $0x2800, v42;
	v34 =	vadd.s32 $0x5000, v42  }
0xa0: {  	[tilespmem:v35+s15+$0x0] =	vst.idx.add.f32.msk $0xffff, v23;
	v23 =	vadd.s32 $0x7800, v42;
	v35 =	vadd.s32 $0x2800, v44;
	v50 =	vadd.s32 $0x5000, v44  }
0xa1: {  	[tilespmem:v26+s15+$0x0] =	vst.idx.add.f32.msk $0xffff, v27;
	v26 =	vadd.s32 $0x7800, v44;
	v27 =	vadd.s32 $0x2800, v45;
	v51 =	vadd.s32 $0x5000, v45  }
0xa2: {  	[tilespmem:v38+s15+$0x0] =	vst.idx.add.f32.msk $0xffff, v28;
	v28 =	vadd.s32 $0x7800, v45  }
0xa3: {  	[tilespmem:v42+s15+$0x0] =	vst.idx.add.f32.msk $0xffff, v13  }
0xa4: {  	[tilespmem:v16+s15+$0x0] =	vst.idx.add.f32.msk $0xffff, v12  }
0xa5: {  	[tilespmem:v44+s15+$0x0] =	vst.idx.add.f32.msk $0xffff, v14  }
0xa6: {  	[tilespmem:v45+s15+$0x0] =	vst.idx.add.f32.msk $0xffff, v18  }
0xa7: {  	v12 =	vld.idx.msk [tilespmem:v31+s2+$0x0], $0xffff  }
0xa8: {  	v13 =	vld.idx.msk [tilespmem:v15+s2+$0x0], $0xffff  }
0xa9: {  	v14 =	vld.idx.msk [tilespmem:v17+s2+$0x0], $0xffff  }
0xaa: {  	v15 =	vld.idx.msk [tilespmem:v19+s2+$0x0], $0xffff  }
0xab: {  	v16 =	vld.idx.msk [tilespmem:v22+s2+$0x0], $0xffff  }
0xac: {  	v17 =	vld.idx.msk [tilespmem:v24+s2+$0x0], $0xffff  }
0xad: {  	v18 =	vld.idx.msk [tilespmem:v29+s2+$0x0], $0xffff  }
0xae: {  	[tilespmem:v36+s15+$0x0] =	vst.idx.add.f32.msk $0xffff, v12  }
0xaf: {  	[tilespmem:v40+s15+$0x0] =	vst.idx.add.f32.msk $0xffff, v13  }
0xb0: {  	[tilespmem:v46+s15+$0x0] =	vst.idx.add.f32.msk $0xffff, v14  }
0xb1: {  	[tilespmem:v20+s15+$0x0] =	vst.idx.add.f32.msk $0xffff, v15  }
0xb2: {  	[tilespmem:v21+s15+$0x0] =	vst.idx.add.f32.msk $0xffff, v16  }
0xb3: {  	[tilespmem:v35+s15+$0x0] =	vst.idx.add.f32.msk $0xffff, v17  }
0xb4: {  	[tilespmem:v27+s15+$0x0] =	vst.idx.add.f32.msk $0xffff, v18  }
0xb5: {  	v12 =	vld.idx.msk [tilespmem:v32+s2+$0x0], $0xffff  }
0xb6: {  	v7 =	vld.idx.msk [tilespmem:v7+s2+$0x0], $0xffff  }
0xb7: {  	v8 =	vld.idx.msk [tilespmem:v8+s2+$0x0], $0xffff  }
0xb8: {  	v9 =	vld.idx.msk [tilespmem:v9+s2+$0x0], $0xffff  }
0xb9: {  	v11 =	vld.idx.msk [tilespmem:v11+s2+$0x0], $0xffff  }
0xba: {  	v13 =	vld.idx.msk [tilespmem:v25+s2+$0x0], $0xffff  }
0xbb: {  	v14 =	vld.idx.msk [tilespmem:v30+s2+$0x0], $0xffff  }
0xbc: {  	[tilespmem:v37+s15+$0x0] =	vst.idx.add.f32.msk $0xffff, v12  }
0xbd: {  	[tilespmem:v41+s15+$0x0] =	vst.idx.add.f32.msk $0xffff, v7  }
0xbe: {  	[tilespmem:v47+s15+$0x0] =	vst.idx.add.f32.msk $0xffff, v8  }
0xbf: {  	[tilespmem:v33+s15+$0x0] =	vst.idx.add.f32.msk $0xffff, v9  }
0xc0: {  	[tilespmem:v34+s15+$0x0] =	vst.idx.add.f32.msk $0xffff, v11  }
0xc1: {  	[tilespmem:v50+s15+$0x0] =	vst.idx.add.f32.msk $0xffff, v13  }
0xc2: {  	[tilespmem:v51+s15+$0x0] =	vst.idx.add.f32.msk $0xffff, v14  }
0xc3: {  	v7 =	vld.idx.msk [tilespmem:v10+s2+$0x0], $0xffff  }
0xc4: {  	v1 =	vld.idx.msk [tilespmem:v1+s2+$0x0], $0xffff  }
0xc5: {  	v2 =	vld.idx.msk [tilespmem:v2+s2+$0x0], $0xffff  }
0xc6: {  	v3 =	vld.idx.msk [tilespmem:v3+s2+$0x0], $0xffff  }
0xc7: {  	v4 =	vld.idx.msk [tilespmem:v4+s2+$0x0], $0xffff  }
0xc8: {  	v5 =	vld.idx.msk [tilespmem:v5+s2+$0x0], $0xffff  }
0xc9: {  	v6 =	vld.idx.msk [tilespmem:v6+s2+$0x0], $0xffff  }
0xca: {  	[tilespmem:v39+s15+$0x0] =	vst.idx.add.f32.msk $0xffff, v7  }
0xcb: {  	[tilespmem:v43+s15+$0x0] =	vst.idx.add.f32.msk $0xffff, v1  }
.Ltmp1:
0xcc: {  	[tilespmem:v48+s15+$0x0] =	vst.idx.add.f32.msk $0xffff, v2;
	(pc) =	sbr.rel @p0 .LBB2_5-.Ltmp1, $4  }
0xcd: {  	[tilespmem:v49+s15+$0x0] =	vst.idx.add.f32.msk $0xffff, v3  }
0xce: {  	[tilespmem:v23+s15+$0x0] =	vst.idx.add.f32.msk $0xffff, v4  }
0xcf: {  	[tilespmem:v26+s15+$0x0] =	vst.idx.add.f32.msk $0xffff, v5  }
0xd0: {  	s23 =	sadd.s32 $0x80, s23;
	[tilespmem:v28+s15+$0x0] =	vst.idx.add.f32.msk $0xffff, v6  }
0xd1: {  	v1 =	vld [tilespmem:$0x16700];
	_ =	sdelay $0x4  }
0xd2: {  	v2 =	vld [tilespmem:$0x1B600];
	_ =	sdelay $0x2  }
0xd3: {  	v3 =	vld.idx.msk [tilespmem:v1+s2+$0x0], $0xffff  }
0xd4: {  	v4 =	vadd.s32 $0x2800, v1;
	_ =	sdelay $0x3  }
0xd5: {  	[tilespmem:v2+s15+$0x0] =	vst.idx.add.f32.msk $0xffff, v3  }
0xd6: {  	v58 =	vadd.s32 $0x2800, v2;
	v3 =	vld.idx.msk [tilespmem:v4+s2+$0x0], $0xffff  }
0xd7: {  	v5 =	vadd.s32 $0x5000, v1;
	_ =	sdelay $0x3  }
0xd8: {  	[tilespmem:v58+s15+$0x0] =	vst.idx.add.f32.msk $0xffff, v3  }
0xd9: {  	v59 =	vadd.s32 $0x5000, v2;
	v3 =	vld.idx.msk [tilespmem:v5+s2+$0x0], $0xffff  }
0xda: {  	v1 =	vadd.s32 $0x7800, v1;
	_ =	sdelay $0x3  }
0xdb: {  	s21 =	sshll.u32 s20, $0x1;
	[tilespmem:v59+s15+$0x0] =	vst.idx.add.f32.msk $0xffff, v3  }
0xdc: {  	s21 =	smin.u32 s21, $0x1C;
	v2 =	vadd.s32 $0x7800, v2;
	v1 =	vld.idx.msk [tilespmem:v1+s2+$0x0], $0xffff  }
0xdd: {  	s21 =	smul.u32 $0x2710, s21;
	_ =	sdelay $0x1  }
0xde: {  	s21 =	sshrl.u32 s21, $0x3  }
0xdf: {  	s21 =	sadd.s32 $0x9C4, s21  }
0xe0: {  	s22 =	sadd.s32 s4, s21;
	[tilespmem:v2+s15+$0x0] =	vst.idx.add.f32.msk $0xffff, v1  }
0xe1: {  	[tilespmem:s8], [sflag:$0x1] =	stream.linear.gather [hbm4b:s22+s2], $0x2710, $0x38;
	[tilespmem:$0x1DE00] =	vst v63  }
0xe2: {  	s21 =	sadd.s32 s3, s21  }
0xe3: {  	[tilespmem:s9], [sflag:$0x3] =	stream.linear.gather [hbm4b:s21+s2], $0x2710, $0x38;
	[tilespmem:$0x1DE00] =	vst v63  }
0xe4: {  	_ =	swait.ge [sflag:s16], $0x2710  }
0xe5: {  	[sflag:s16] =	ssyncset.done $0x0  }
0xe6: {  	[sflag:s16] =	ssyncadd.s32 $0xFFFFD8F0  }
0xe7: {  	_ =	swait.ge [sflag:s17], $0x2710  }
0xe8: {  	[sflag:s17] =	ssyncset.done $0x0  }
0xe9: {  	s31 =	simm.s32 $0x167C0;
	[sflag:s17] =	ssyncadd.s32 $0xFFFFD8F0  }
0xea: {  	v1 =	vld [tilespmem:s31+$0x30]  }
0xeb: {  	v2 =	vld [tilespmem:s31+$0xFFFFFFD0]  }
0xec: {  	v3 =	vld [tilespmem:s31+$0xFFFFFFE0]  }
0xed: {  	v60 =	vld [tilespmem:s31+$0xFFFFFFF0]  }
0xee: {  	v61 =	vld [tilespmem:s31+$0x0]  }
0xef: {  	s21 =	simm.s32 $0x1B6C0;
	v6 =	vld [tilespmem:s31+$0x10]  }
0xf0: {  	v7 =	vld [tilespmem:s21+$0x30]  }
0xf1: {  	v8 =	vld [tilespmem:s31+$0x20]  }
0xf2: {  	v10 =	vld [tilespmem:s31+$0xFFFFFFC0]  }
0xf3: {  	v20 =	vld [tilespmem:s21+$0xFFFFFFC0]  }
0xf4: {  	v21 =	vld [tilespmem:s21+$0xFFFFFFD0]  }
0xf5: {  	v63 =	vld [tilespmem:s21+$0xFFFFFFE0]  }
0xf6: {  	v22 =	vld [tilespmem:s21+$0xFFFFFFF0]  }
0xf7: {  	v23 =	vld [tilespmem:s21+$0x0]  }
0xf8: {  	v24 =	vld [tilespmem:s21+$0x10]  }
0xf9: {  	v25 =	vld [tilespmem:s21+$0x20]  }
0xfa: {  	v9 =	vld.idx.msk [tilespmem:v1+s2+$0x0], $0xffff  }
0xfb: {  	v11 =	vld.idx.msk [tilespmem:v2+s2+$0x0], $0xffff  }
0xfc: {  	v13 =	vld.idx.msk [tilespmem:v3+s2+$0x0], $0xffff  }
0xfd: {  	v14 =	vld.idx.msk [tilespmem:v60+s2+$0x0], $0xffff  }
0xfe: {  	v17 =	vld.idx.msk [tilespmem:v10+s2+$0x0], $0xffff  }
0xff: {  	v15 =	vld.idx.msk [tilespmem:v61+s2+$0x0], $0xffff  }
0x100: {  	v62 =	vld.idx.msk [tilespmem:v6+s2+$0x0], $0xffff  }
0x101: {  	v19 =	vld.idx.msk [tilespmem:v8+s2+$0x0], $0xffff  }
0x102: {  	[tilespmem:v7+s15+$0x0] =	vst.idx.add.f32.msk $0xffff, v9  }
0x103: {  	v12 =	vadd.s32 $0x2800, v1;
	[tilespmem:v20+s15+$0x0] =	vst.idx.add.f32.msk $0xffff, v17  }
0x104: {  	[tilespmem:v21+s15+$0x0] =	vst.idx.add.f32.msk $0xffff, v11  }
0x105: {  	[tilespmem:v63+s15+$0x0] =	vst.idx.add.f32.msk $0xffff, v13  }
0x106: {  	v30 =	vadd.s32 $0x2800, v2;
	[tilespmem:v22+s15+$0x0] =	vst.idx.add.f32.msk $0xffff, v14  }
0x107: {  	v31 =	vadd.s32 $0x2800, v3;
	[tilespmem:v23+s15+$0x0] =	vst.idx.add.f32.msk $0xffff, v15  }
0x108: {  	v16 =	vadd.s32 $0x2800, v7;
	v9 =	vld.idx.msk [tilespmem:v12+s2+$0x0], $0xffff  }
0x109: {  	v18 =	vadd.s32 $0x5000, v1;
	[tilespmem:v24+s15+$0x0] =	vst.idx.add.f32.msk $0xffff, v62  }
0x10a: {  	v33 =	vadd.s32 $0x2800, v6;
	[tilespmem:v25+s15+$0x0] =	vst.idx.add.f32.msk $0xffff, v19  }
0x10b: {  	v34 =	vadd.s32 $0x2800, v8;
	v11 =	vld.idx.msk [tilespmem:v30+s2+$0x0], $0xffff  }
0x10c: {  	v36 =	vadd.s32 $0x2800, v21;
	v13 =	vld.idx.msk [tilespmem:v31+s2+$0x0], $0xffff  }
0x10d: {  	v37 =	vadd.s32 $0x2800, v63;
	[tilespmem:v16+s15+$0x0] =	vst.idx.add.f32.msk $0xffff, v9  }
0x10e: {  	v28 =	vadd.s32 $0x5000, v7;
	v9 =	vld.idx.msk [tilespmem:v18+s2+$0x0], $0xffff  }
0x10f: {  	v1 =	vadd.s32 $0x7800, v1;
	v12 =	vld.idx.msk [tilespmem:v33+s2+$0x0], $0xffff  }
0x110: {  	v27 =	vadd.s32 $0x2800, v24;
	v14 =	vld.idx.msk [tilespmem:v34+s2+$0x0], $0xffff  }
0x111: {  	v41 =	vadd.s32 $0x5000, v2;
	[tilespmem:v36+s15+$0x0] =	vst.idx.add.f32.msk $0xffff, v11  }
0x112: {  	v29 =	vadd.s32 $0x2800, v10;
	[tilespmem:v37+s15+$0x0] =	vst.idx.add.f32.msk $0xffff, v13  }
0x113: {  	v39 =	vadd.s32 $0x2800, v25;
	[tilespmem:v28+s15+$0x0] =	vst.idx.add.f32.msk $0xffff, v9  }
0x114: {  	v7 =	vadd.s32 $0x7800, v7;
	v1 =	vld.idx.msk [tilespmem:v1+s2+$0x0], $0xffff  }
0x115: {  	v45 =	vadd.s32 $0x5000, v8;
	[tilespmem:v27+s15+$0x0] =	vst.idx.add.f32.msk $0xffff, v12  }
0x116: {  	v47 =	vadd.s32 $0x5000, v21;
	v13 =	vld.idx.msk [tilespmem:v41+s2+$0x0], $0xffff  }
0x117: {  	v35 =	vadd.s32 $0x2800, v20;
	v9 =	vld.idx.msk [tilespmem:v29+s2+$0x0], $0xffff  }
0x118: {  	v44 =	vadd.s32 $0x5000, v6;
	[tilespmem:v39+s15+$0x0] =	vst.idx.add.f32.msk $0xffff, v14  }
0x119: {  	[tilespmem:v7+s15+$0x0] =	vst.idx.add.f32.msk $0xffff, v1;
	v1 =	vadd.s32 $0x2800, v60  }
0x11a: {  	v32 =	vadd.s32 $0x2800, v61;
	v14 =	vld.idx.msk [tilespmem:v45+s2+$0x0], $0xffff  }
0x11b: {  	v52 =	vadd.s32 $0x5000, v25;
	[tilespmem:v47+s15+$0x0] =	vst.idx.add.f32.msk $0xffff, v13  }
0x11c: {  	v40 =	vadd.s32 $0x5000, v10;
	[tilespmem:v35+s15+$0x0] =	vst.idx.add.f32.msk $0xffff, v9  }
0x11d: {  	v51 =	vadd.s32 $0x5000, v24;
	v9 =	vld.idx.msk [tilespmem:v44+s2+$0x0], $0xffff  }
0x11e: {  	v38 =	vadd.s32 $0x2800, v22;
	v1 =	vld.idx.msk [tilespmem:v1+s2+$0x0], $0xffff  }
0x11f: {  	v26 =	vadd.s32 $0x2800, v23;
	v7 =	vld.idx.msk [tilespmem:v32+s2+$0x0], $0xffff  }
0x120: {  	v54 =	vadd.s32 $0x7800, v6;
	[tilespmem:v52+s15+$0x0] =	vst.idx.add.f32.msk $0xffff, v14  }
0x121: {  	v46 =	vadd.s32 $0x5000, v20;
	v11 =	vld.idx.msk [tilespmem:v40+s2+$0x0], $0xffff  }
0x122: {  	v43 =	vadd.s32 $0x5000, v61;
	[tilespmem:v51+s15+$0x0] =	vst.idx.add.f32.msk $0xffff, v9  }
0x123: {  	[tilespmem:v38+s15+$0x0] =	vst.idx.add.f32.msk $0xffff, v1;
	v1 =	vadd.s32 $0x5000, v3  }
0x124: {  	v10 =	vadd.s32 $0x7800, v10;
	[tilespmem:v26+s15+$0x0] =	vst.idx.add.f32.msk $0xffff, v7  }
0x125: {  	v62 =	vadd.s32 $0x7800, v24;
	v5 =	vld.idx.msk [tilespmem:v54+s2+$0x0], $0xffff  }
0x126: {  	v42 =	vadd.s32 $0x5000, v60;
	[tilespmem:v46+s15+$0x0] =	vst.idx.add.f32.msk $0xffff, v11  }
0x127: {  	v50 =	vadd.s32 $0x5000, v23;
	v12 =	vld.idx.msk [tilespmem:v43+s2+$0x0], $0xffff  }
0x128: {  	v48 =	vadd.s32 $0x5000, v63;
	v1 =	vld.idx.msk [tilespmem:v1+s2+$0x0], $0xffff  }
0x129: {  	v57 =	vadd.s32 $0x7800, v20;
	v55 =	vld.idx.msk [tilespmem:v10+s2+$0x0], $0xffff  }
0x12a: {  	v53 =	vadd.s32 $0x7800, v61;
	[tilespmem:v62+s15+$0x0] =	vst.idx.add.f32.msk $0xffff, v5  }
0x12b: {  	v49 =	vadd.s32 $0x5000, v22;
	v7 =	vld.idx.msk [tilespmem:v42+s2+$0x0], $0xffff  }
0x12c: {  	v56 =	vadd.s32 $0x7800, v8;
	[tilespmem:v50+s15+$0x0] =	vst.idx.add.f32.msk $0xffff, v12  }
0x12d: {  	[tilespmem:v48+s15+$0x0] =	vst.idx.add.f32.msk $0xffff, v1;
	v1 =	vadd.s32 $0x7800, v2  }
0x12e: {  	[tilespmem:v57+s15+$0x0] =	vst.idx.add.f32.msk $0xffff, v55;
	v2 =	vadd.s32 $0x7800, v3  }
0x12f: {  	v4 =	vld.idx.msk [tilespmem:v53+s2+$0x0], $0xffff;
	v3 =	vadd.s32 $0x7800, v60  }
0x130: {  	v61 =	vadd.s32 $0x7800, v23;
	[tilespmem:v49+s15+$0x0] =	vst.idx.add.f32.msk $0xffff, v7  }
0x131: {  	v59 =	vadd.s32 $0x7800, v63;
	v63 =	vadd.s32 $0x7800, v25;
	v7 =	vld.idx.msk [tilespmem:v56+s2+$0x0], $0xffff  }
0x132: {  	v58 =	vadd.s32 $0x7800, v21;
	v1 =	vld.idx.msk [tilespmem:v1+s2+$0x0], $0xffff  }
0x133: {  	v2 =	vld.idx.msk [tilespmem:v2+s2+$0x0], $0xffff  }
0x134: {  	v60 =	vadd.s32 $0x7800, v22;
	v3 =	vld.idx.msk [tilespmem:v3+s2+$0x0], $0xffff  }
0x135: {  	[tilespmem:v61+s15+$0x0] =	vst.idx.add.f32.msk $0xffff, v4  }
0x136: {  	[tilespmem:v63+s15+$0x0] =	vst.idx.add.f32.msk $0xffff, v7  }
0x137: {  	[tilespmem:v58+s15+$0x0] =	vst.idx.add.f32.msk $0xffff, v1  }
0x138: {  	[tilespmem:v59+s15+$0x0] =	vst.idx.add.f32.msk $0xffff, v2  }
0x139: {  	s23 =	simm.s32 $0x16840;
	s22 =	simm.s32 $0x0;
	[tilespmem:v60+s15+$0x0] =	vst.idx.add.f32.msk $0xffff, v3  }
.LBB2_7:
0x13a: {  	v12 =	vld [tilespmem:s23+$0x30];
	s22 =	sadd.s32 $0x80, s22  }
0x13b: {  	v5 =	vld [tilespmem:s23+$0xFFFFFFD0];
	p0 =	slt.u32 s22, $0x2680  }
0x13c: {  	v6 =	vld [tilespmem:s23+$0xFFFFFFE0]  }
0x13d: {  	v10 =	vld [tilespmem:s23+$0xFFFFFFF0]  }
0x13e: {  	v13 =	vld [tilespmem:s23+$0x0]  }
0x13f: {  	s21 =	sadd.s32 $0x80, s21;
	v14 =	vld [tilespmem:s23+$0x10]  }
0x140: {  	v15 =	vadd.s32 $0x2800, v5;
	v7 =	vadd.s32 $0x5000, v5;
	v1 =	vadd.s32 $0x7800, v5;
	v16 =	vld [tilespmem:s21+$0x30]  }
0x141: {  	v17 =	vadd.s32 $0x2800, v6;
	v8 =	vadd.s32 $0x5000, v6;
	v2 =	vadd.s32 $0x7800, v6;
	v18 =	vld [tilespmem:s23+$0x20]  }
0x142: {  	v19 =	vadd.s32 $0x2800, v10;
	v9 =	vadd.s32 $0x5000, v10;
	v3 =	vadd.s32 $0x7800, v10;
	v20 =	vld.idx.msk [tilespmem:v12+s2+$0x0], $0xffff  }
0x143: {  	v21 =	vld [tilespmem:s23+$0xFFFFFFC0];
	v22 =	vadd.s32 $0x2800, v13;
	v11 =	vadd.s32 $0x5000, v13;
	v4 =	vadd.s32 $0x7800, v13  }
0x144: {  	v26 =	vadd.s32 $0x2800, v12;
	v23 =	vld.idx.msk [tilespmem:v5+s2+$0x0], $0xffff;
	v24 =	vadd.s32 $0x2800, v14;
	v25 =	vadd.s32 $0x5000, v14  }
0x145: {  	v5 =	vadd.s32 $0x7800, v14;
	v27 =	vld.idx.msk [tilespmem:v6+s2+$0x0], $0xffff  }
0x146: {  	v28 =	vld.idx.msk [tilespmem:v10+s2+$0x0], $0xffff;
	v29 =	vadd.s32 $0x2800, v18;
	v30 =	vadd.s32 $0x5000, v18;
	v6 =	vadd.s32 $0x7800, v18  }
0x147: {  	v13 =	vld.idx.msk [tilespmem:v13+s2+$0x0], $0xffff  }
0x148: {  	v31 =	vadd.s32 $0x2800, v21;
	v32 =	vadd.s32 $0x5000, v21;
	v10 =	vadd.s32 $0x7800, v21;
	[tilespmem:v16+s15+$0x0] =	vst.idx.add.f32.msk $0xffff, v20  }
0x149: {  	v20 =	vld.idx.msk [tilespmem:v26+s2+$0x0], $0xffff  }
0x14a: {  	v26 =	vadd.s32 $0x2800, v16;
	v14 =	vld.idx.msk [tilespmem:v14+s2+$0x0], $0xffff  }
0x14b: {  	v33 =	vadd.s32 $0x5000, v12;
	v21 =	vld.idx.msk [tilespmem:v21+s2+$0x0], $0xffff  }
0x14c: {  	v18 =	vld.idx.msk [tilespmem:v18+s2+$0x0], $0xffff  }
0x14d: {  	v34 =	vld [tilespmem:s21+$0xFFFFFFC0]  }
0x14e: {  	v35 =	vld [tilespmem:s21+$0xFFFFFFD0]  }
0x14f: {  	[tilespmem:v26+s15+$0x0] =	vst.idx.add.f32.msk $0xffff, v20  }
0x150: {  	v20 =	vld.idx.msk [tilespmem:v33+s2+$0x0], $0xffff  }
0x151: {  	v33 =	vadd.s32 $0x5000, v16;
	v26 =	vld [tilespmem:s21+$0xFFFFFFE0]  }
0x152: {  	v12 =	vadd.s32 $0x7800, v12;
	v36 =	vadd.s32 $0x2800, v34;
	v37 =	vadd.s32 $0x5000, v34;
	v38 =	vld [tilespmem:s21+$0xFFFFFFF0]  }
0x153: {  	v39 =	vadd.s32 $0x7800, v34;
	v40 =	vadd.s32 $0x2800, v35;
	v41 =	vadd.s32 $0x5000, v35;
	v42 =	vld [tilespmem:s21+$0x0]  }
0x154: {  	v43 =	vadd.s32 $0x7800, v35;
	v44 =	vld [tilespmem:s21+$0x10]  }
0x155: {  	v45 =	vld [tilespmem:s21+$0x20]  }
0x156: {  	v46 =	vadd.s32 $0x2800, v26;
	v47 =	vadd.s32 $0x5000, v26;
	v48 =	vadd.s32 $0x7800, v26;
	[tilespmem:v33+s15+$0x0] =	vst.idx.add.f32.msk $0xffff, v20  }
0x157: {  	v20 =	vadd.s32 $0x2800, v38;
	v33 =	vadd.s32 $0x5000, v38;
	v49 =	vadd.s32 $0x7800, v38;
	v12 =	vld.idx.msk [tilespmem:v12+s2+$0x0], $0xffff  }
0x158: {  	v16 =	vadd.s32 $0x7800, v16;
	[tilespmem:v34+s15+$0x0] =	vst.idx.add.f32.msk $0xffff, v21;
	v21 =	vadd.s32 $0x2800, v42;
	v34 =	vadd.s32 $0x5000, v42  }
0x159: {  	[tilespmem:v35+s15+$0x0] =	vst.idx.add.f32.msk $0xffff, v23;
	v23 =	vadd.s32 $0x7800, v42;
	v35 =	vadd.s32 $0x2800, v44;
	v50 =	vadd.s32 $0x5000, v44  }
0x15a: {  	[tilespmem:v26+s15+$0x0] =	vst.idx.add.f32.msk $0xffff, v27;
	v26 =	vadd.s32 $0x7800, v44;
	v27 =	vadd.s32 $0x2800, v45;
	v51 =	vadd.s32 $0x5000, v45  }
0x15b: {  	[tilespmem:v38+s15+$0x0] =	vst.idx.add.f32.msk $0xffff, v28;
	v28 =	vadd.s32 $0x7800, v45  }
0x15c: {  	[tilespmem:v42+s15+$0x0] =	vst.idx.add.f32.msk $0xffff, v13  }
0x15d: {  	[tilespmem:v16+s15+$0x0] =	vst.idx.add.f32.msk $0xffff, v12  }
0x15e: {  	[tilespmem:v44+s15+$0x0] =	vst.idx.add.f32.msk $0xffff, v14  }
0x15f: {  	[tilespmem:v45+s15+$0x0] =	vst.idx.add.f32.msk $0xffff, v18  }
0x160: {  	v12 =	vld.idx.msk [tilespmem:v31+s2+$0x0], $0xffff  }
0x161: {  	v13 =	vld.idx.msk [tilespmem:v15+s2+$0x0], $0xffff  }
0x162: {  	v14 =	vld.idx.msk [tilespmem:v17+s2+$0x0], $0xffff  }
0x163: {  	v15 =	vld.idx.msk [tilespmem:v19+s2+$0x0], $0xffff  }
0x164: {  	v16 =	vld.idx.msk [tilespmem:v22+s2+$0x0], $0xffff  }
0x165: {  	v17 =	vld.idx.msk [tilespmem:v24+s2+$0x0], $0xffff  }
0x166: {  	v18 =	vld.idx.msk [tilespmem:v29+s2+$0x0], $0xffff  }
0x167: {  	[tilespmem:v36+s15+$0x0] =	vst.idx.add.f32.msk $0xffff, v12  }
0x168: {  	[tilespmem:v40+s15+$0x0] =	vst.idx.add.f32.msk $0xffff, v13  }
0x169: {  	[tilespmem:v46+s15+$0x0] =	vst.idx.add.f32.msk $0xffff, v14  }
0x16a: {  	[tilespmem:v20+s15+$0x0] =	vst.idx.add.f32.msk $0xffff, v15  }
0x16b: {  	[tilespmem:v21+s15+$0x0] =	vst.idx.add.f32.msk $0xffff, v16  }
0x16c: {  	[tilespmem:v35+s15+$0x0] =	vst.idx.add.f32.msk $0xffff, v17  }
0x16d: {  	[tilespmem:v27+s15+$0x0] =	vst.idx.add.f32.msk $0xffff, v18  }
0x16e: {  	v12 =	vld.idx.msk [tilespmem:v32+s2+$0x0], $0xffff  }
0x16f: {  	v7 =	vld.idx.msk [tilespmem:v7+s2+$0x0], $0xffff  }
0x170: {  	v8 =	vld.idx.msk [tilespmem:v8+s2+$0x0], $0xffff  }
0x171: {  	v9 =	vld.idx.msk [tilespmem:v9+s2+$0x0], $0xffff  }
0x172: {  	v11 =	vld.idx.msk [tilespmem:v11+s2+$0x0], $0xffff  }
0x173: {  	v13 =	vld.idx.msk [tilespmem:v25+s2+$0x0], $0xffff  }
0x174: {  	v14 =	vld.idx.msk [tilespmem:v30+s2+$0x0], $0xffff  }
0x175: {  	[tilespmem:v37+s15+$0x0] =	vst.idx.add.f32.msk $0xffff, v12  }
0x176: {  	[tilespmem:v41+s15+$0x0] =	vst.idx.add.f32.msk $0xffff, v7  }
0x177: {  	[tilespmem:v47+s15+$0x0] =	vst.idx.add.f32.msk $0xffff, v8  }
0x178: {  	[tilespmem:v33+s15+$0x0] =	vst.idx.add.f32.msk $0xffff, v9  }
0x179: {  	[tilespmem:v34+s15+$0x0] =	vst.idx.add.f32.msk $0xffff, v11  }
0x17a: {  	[tilespmem:v50+s15+$0x0] =	vst.idx.add.f32.msk $0xffff, v13  }
0x17b: {  	[tilespmem:v51+s15+$0x0] =	vst.idx.add.f32.msk $0xffff, v14  }
0x17c: {  	v7 =	vld.idx.msk [tilespmem:v10+s2+$0x0], $0xffff  }
0x17d: {  	v1 =	vld.idx.msk [tilespmem:v1+s2+$0x0], $0xffff  }
0x17e: {  	v2 =	vld.idx.msk [tilespmem:v2+s2+$0x0], $0xffff  }
0x17f: {  	v3 =	vld.idx.msk [tilespmem:v3+s2+$0x0], $0xffff  }
0x180: {  	v4 =	vld.idx.msk [tilespmem:v4+s2+$0x0], $0xffff  }
0x181: {  	v5 =	vld.idx.msk [tilespmem:v5+s2+$0x0], $0xffff  }
0x182: {  	v6 =	vld.idx.msk [tilespmem:v6+s2+$0x0], $0xffff  }
0x183: {  	[tilespmem:v39+s15+$0x0] =	vst.idx.add.f32.msk $0xffff, v7  }
0x184: {  	[tilespmem:v43+s15+$0x0] =	vst.idx.add.f32.msk $0xffff, v1  }
.Ltmp2:
0x185: {  	[tilespmem:v48+s15+$0x0] =	vst.idx.add.f32.msk $0xffff, v2;
	(pc) =	sbr.rel @p0 .LBB2_7-.Ltmp2, $4  }
0x186: {  	[tilespmem:v49+s15+$0x0] =	vst.idx.add.f32.msk $0xffff, v3  }
0x187: {  	[tilespmem:v23+s15+$0x0] =	vst.idx.add.f32.msk $0xffff, v4  }
0x188: {  	[tilespmem:v26+s15+$0x0] =	vst.idx.add.f32.msk $0xffff, v5  }
0x189: {  	s23 =	sadd.s32 $0x80, s23;
	[tilespmem:v28+s15+$0x0] =	vst.idx.add.f32.msk $0xffff, v6  }
0x18a: {  	v1 =	vld [tilespmem:$0x18E80];
	_ =	sdelay $0x4  }
0x18b: {  	v2 =	vld [tilespmem:$0x1DD80];
	_ =	sdelay $0x2  }
0x18c: {  	v3 =	vld.idx.msk [tilespmem:v1+s2+$0x0], $0xffff  }
0x18d: {  	v4 =	vadd.s32 $0x2800, v1;
	_ =	sdelay $0x3  }
0x18e: {  	[tilespmem:v2+s15+$0x0] =	vst.idx.add.f32.msk $0xffff, v3  }
0x18f: {  	v62 =	vadd.s32 $0x2800, v2;
	v3 =	vld.idx.msk [tilespmem:v4+s2+$0x0], $0xffff  }
0x190: {  	v5 =	vadd.s32 $0x5000, v1;
	_ =	sdelay $0x3  }
0x191: {  	[tilespmem:v62+s15+$0x0] =	vst.idx.add.f32.msk $0xffff, v3  }
0x192: {  	v63 =	vadd.s32 $0x5000, v2;
	v3 =	vld.idx.msk [tilespmem:v5+s2+$0x0], $0xffff  }
0x193: {  	v1 =	vadd.s32 $0x7800, v1;
	_ =	sdelay $0x3  }
0x194: {  	s20 =	sadd.s32 $0x1, s20;
	[tilespmem:v63+s15+$0x0] =	vst.idx.add.f32.msk $0xffff, v3  }
0x195: {  	p0 =	sne.s32 s20, $0x10;
	v2 =	vadd.s32 $0x7800, v2;
	v1 =	vld.idx.msk [tilespmem:v1+s2+$0x0], $0xffff  }
.Ltmp3:
0x196: {  	_ = 	snop;
	(pc) =	sbr.rel @p0 .LBB2_4-.Ltmp3, $2  }
0x197: {  	_ =	sdelay $0x2  }
0x198: {  	[tilespmem:v2+s15+$0x0] =	vst.idx.add.f32.msk $0xffff, v1  }
0x199: {  	_ =	swait.ge [sflag:s13], $0x2710  }
0x19a: {  	[sflag:s13] =	ssyncset.done $0x0  }
0x19b: {  	[sflag:s13] =	ssyncadd.s32 $0xFFFFD8F0  }
0x19c: {  	s19 =	sadd.s32 $0x1, s19;
	_ =	swait.ge [sflag:s14], $0x2710  }
0x19d: {  	p0 =	sne.s32 s19, s7;
	[sflag:s14] =	ssyncset.done $0x0  }
.Ltmp4:
0x19e: {  	[sflag:s14] =	ssyncadd.s32 $0xFFFFD8F0;
	(pc) =	sbr.rel @p0 .LBB2_1-.Ltmp4, $4  }
0x19f: {  	[hbm4b:s6+s2] =	stream.linear.scatter [tilespmem:s15], [sflag:$0x6], $0xA000, $0x38;
	[tilespmem:$0x1DE00] =	vst v63  }
0x1a0: {  	_ =	swait.ge [sflag:s18], $0xA000  }
0x1a1: {  	[sflag:s18] =	ssyncset.done $0x0  }
0x1a2: {  	[sflag:s18] =	ssyncadd.s32 $0xFFFF6000  }
0x1a3: {  	_ =	sfence.sel $0x180000  }
0x1a4: {  	[bflag:$0x0] =	sbarrier.arrive $0xFFFF  }
0x1a5: {  	p0 =	sne.s32 s0, $0x0;
	_ =	strace $0x90000047  }
0x1a6: {  	s0 =	sadd.s32 @!p0 $0x100000, s1;
	[bflag:$0x2] =	sbarrier.arrive $0xFFFF  }
0x1a7: {  	[sflag:s0] =	ssyncadd.tile.s32 @!p0 $0x1;
	_ =	shalt  }
.Lfunc_end2:
_tile_overlayer_lowered:
.L_overlay_start_2:
0x1a8: {  	(tag) =	ssettag $0x2  }
0x1a9: {  	s0 =	rddreg [dreg:$0x0];
	s2 =	stileid.u32  }
0x1aa: {  	s1 =	rddreg [dreg:$0x1];
	p0 =	sne.s32 s2, $0x0  }
0x1ab: {  	s3 =	rddreg [dreg:$0x2];
	[bflag:$0x3] =	sbarrier.arrive $0xFFFF;
	s2 =	simm.s32 @!p0 $0x1C06  }
0x1ac: {  	[timem:s3], [sflag:s2] =	dma.local @!p0 [hbm:s0], s1  }
0x1ad: {  	s0 =	simm.s32 @!p0 $0x6  }
0x1ae: {  	_ =	swait.ge @!p0 [sflag:s0], s1  }
0x1af: {  	s1 =	ssub.s32 @!p0 $0x0, s1;
	[sflag:s0] =	ssyncset.done @!p0 $0x0  }
0x1b0: {  	[sflag:s0] =	ssyncadd.s32 @!p0 s1  }
0x1b1: {  	[bflag:$0x3] =	sbarrier.arrive $0xFFFF  }
0x1b2: {  	_ =	shalt  }

</sc_bundles>
